<compile_context>
chip_gen: v7x
topology: tpu7x:2x2x1
jax: 0.10.2.dev20260603
libtpu: 0.0.44.dev20260713+nightly
codegen_flags: <defaults>
</compile_context>

<pallas_src>
import functools

import jax
import jax.numpy as jnp
from jax import lax
from jax.experimental import pallas as pl
from jax.experimental.pallas import tpu as pltpu
from jax.experimental.pallas import tpu_sc as plsc

NUM_CLS = 51
N_BOXES = 128
N_PAIRS = 1024
NC, NS, L = 2, 16, 16
PAIRS_PER_SUB = N_PAIRS // NS
OUT_PER_SUB = N_PAIRS // (NC * NS)
CPAD = 64
BIG_I = 1 << 30


def _body(lg_hbm, a_hbm, b_hbm, x1_hbm, y1_hbm, x2_hbm, y2_hbm, thr_hbm,
          mconf_hbm, final_hbm, clso_hbm,
          lg_v, a_v, b_v, x1_v, y1_v, x2_v, y2_v, thr_v,
          anyrow_v, anyov_v, conf_b, cls_b, valid_b,
          conf_all, cls_all, valid_all,
          t3c_b, t3i_b, t3c_v, t3i_v, mc_b, fin_b, cls_ob,
          anyov_sh, conf_sh, cls_sh, valid_sh, t3c_sh, t3i_sh):
  core = lax.axis_index("c")
  sid = lax.axis_index("s")
  iota = lax.iota(jnp.int32, L)

  pltpu.sync_copy(lg_hbm.at[pl.ds(sid * (PAIRS_PER_SUB * CPAD), PAIRS_PER_SUB * CPAD)], lg_v)
  pltpu.sync_copy(a_hbm.at[pl.ds(sid * PAIRS_PER_SUB, PAIRS_PER_SUB)], a_v)
  pltpu.sync_copy(b_hbm.at[pl.ds(sid * PAIRS_PER_SUB, PAIRS_PER_SUB)], b_v)
  pltpu.sync_copy(x1_hbm, x1_v)
  pltpu.sync_copy(y1_hbm, y1_v)
  pltpu.sync_copy(x2_hbm, x2_v)
  pltpu.sync_copy(y2_hbm, y2_v)
  pltpu.sync_copy(thr_hbm, thr_v)

  @pl.when(sid < (N_BOXES // L))
  def _stage0():
    x1i = x1_v[pl.ds(sid * L, L)]
    y1i = y1_v[pl.ds(sid * L, L)]
    x2i = x2_v[pl.ds(sid * L, L)]
    y2i = y2_v[pl.ds(sid * L, L)]
    i_vec = sid * L + iota

    def jbody(j, acc):
      js = jnp.full((L,), 0, jnp.int32) + j
      x1j = plsc.load_gather(x1_v, [js])
      y1j = plsc.load_gather(y1_v, [js])
      x2j = plsc.load_gather(x2_v, [js])
      y2j = plsc.load_gather(y2_v, [js])
      w = jnp.maximum(jnp.minimum(x2i, x2j) - jnp.maximum(x1i, x1j), 0.0)
      h = jnp.maximum(jnp.minimum(y2i, y2j) - jnp.maximum(y1i, y1j), 0.0)
      m = ((w * h) > 0.0) & (i_vec != j)
      return acc | m

    acc = lax.fori_loop(0, N_BOXES, jbody, jnp.zeros((L,), jnp.bool_))
    anyrow_v[...] = acc.astype(jnp.int32)
    pltpu.sync_copy(anyrow_v, anyov_sh.at[pl.ds(sid * L, L)])

  plsc.subcore_barrier()
  pltpu.sync_copy(anyov_sh, anyov_v)

  for g in range(PAIRS_PER_SUB // L):
    flat_base = (iota + g * L) * CPAD
    l0 = plsc.load_gather(lg_v, [flat_base])
    max1 = plsc.load_gather(lg_v, [flat_base + 1])

    def abody(c, carry):
      m1, am = carry
      lc = plsc.load_gather(lg_v, [flat_base + c])
      upd = lc > m1
      return jnp.where(upd, lc, m1), jnp.where(upd, c, am)

    max1, amax = lax.fori_loop(2, NUM_CLS, abody,
                               (max1, jnp.full((L,), 1, jnp.int32)))
    mrow = jnp.maximum(l0, max1)

    def sbody(c, s):
      lc = plsc.load_gather(lg_v, [flat_base + c])
      return s + jnp.exp(lc - mrow)

    ssum = lax.fori_loop(0, NUM_CLS, sbody, jnp.zeros((L,), jnp.float32))
    conf = jnp.exp(max1 - mrow) / ssum
    thr = plsc.load_gather(thr_v, [amax])

    av = a_v[pl.ds(g * L, L)]
    bv = b_v[pl.ds(g * L, L)]
    x1a = plsc.load_gather(x1_v, [av]); x1b = plsc.load_gather(x1_v, [bv])
    y1a = plsc.load_gather(y1_v, [av]); y1b = plsc.load_gather(y1_v, [bv])
    x2a = plsc.load_gather(x2_v, [av]); x2b = plsc.load_gather(x2_v, [bv])
    y2a = plsc.load_gather(y2_v, [av]); y2b = plsc.load_gather(y2_v, [bv])
    w = jnp.maximum(jnp.minimum(x2a, x2b) - jnp.maximum(x1a, x1b), 0.0)
    h = jnp.maximum(jnp.minimum(y2a, y2b) - jnp.maximum(y1a, y1b), 0.0)
    ovab = (w * h) > 0.0
    anyg = plsc.load_gather(anyov_v, [av])
    ovp = jnp.where(av == bv, anyg > 0, ovab)
    valid = (conf >= thr) & ovp

    conf_b[pl.ds(g * L, L)] = conf
    cls_b[pl.ds(g * L, L)] = amax
    valid_b[pl.ds(g * L, L)] = valid.astype(jnp.int32)

  pltpu.sync_copy(conf_b, conf_sh.at[pl.ds(sid * PAIRS_PER_SUB, PAIRS_PER_SUB)])
  pltpu.sync_copy(cls_b, cls_sh.at[pl.ds(sid * PAIRS_PER_SUB, PAIRS_PER_SUB)])
  pltpu.sync_copy(valid_b, valid_sh.at[pl.ds(sid * PAIRS_PER_SUB, PAIRS_PER_SUB)])
  plsc.subcore_barrier()

  pltpu.sync_copy(conf_sh, conf_all)
  pltpu.sync_copy(cls_sh, cls_all)
  pltpu.sync_copy(valid_sh, valid_all)

  t3c_acc = jnp.full((L,), -1.0, jnp.float32)
  t3i_acc = jnp.full((L,), BIG_I, jnp.int32)
  for cc in range(4):
    c = sid * 4 + cc
    excl1 = BIG_I
    excl2 = BIG_I
    for p in range(3):
      e1, e2 = excl1, excl2

      def kbody(k, carry):
        bc, bi = carry
        cf = conf_all[pl.ds(k * L, L)]
        cl = cls_all[pl.ds(k * L, L)]
        vd = valid_all[pl.ds(k * L, L)]
        idxv = iota + k * L
        m = (vd != 0) & (cl == c) & (idxv != e1) & (idxv != e2)
        upd = m & ((cf > bc) | ((cf == bc) & (idxv < bi)))
        return jnp.where(upd, cf, bc), jnp.where(upd, idxv, bi)

      bc, bi = lax.fori_loop(0, N_PAIRS // L, kbody,
                             (jnp.full((L,), -1.0, jnp.float32),
                              jnp.full((L,), BIG_I, jnp.int32)))
      mx = jnp.max(bc)
      i_star = jnp.min(jnp.where(bc == mx, bi, BIG_I))
      if p == 0:
        excl1 = i_star
      elif p == 1:
        excl2 = i_star
    t3c_acc = jnp.where(iota == cc, mx, t3c_acc)
    t3i_acc = jnp.where(iota == cc, i_star, t3i_acc)

  t3c_b[...] = t3c_acc
  t3i_b[...] = t3i_acc
  pltpu.sync_copy(t3c_b, t3c_sh.at[pl.ds(sid * L, L)])
  pltpu.sync_copy(t3i_b, t3i_sh.at[pl.ds(sid * L, L)])
  plsc.subcore_barrier()

  pltpu.sync_copy(t3c_sh, t3c_v)
  pltpu.sync_copy(t3i_sh, t3i_v)
  gbase = core * (N_PAIRS // NC) + sid * OUT_PER_SUB
  for g in range(OUT_PER_SUB // L):
    off = gbase + g * L
    cf = conf_all[pl.ds(off, L)]
    cl = cls_all[pl.ds(off, L)]
    vd = valid_all[pl.ds(off, L)]
    idxv = off + iota
    tidx = ((cl >> 2) << 4) | (cl & 3)
    c3 = plsc.load_gather(t3c_v, [tidx])
    i3 = plsc.load_gather(t3i_v, [tidx])
    keep = (vd != 0) & ((cf > c3) | ((cf == c3) & (idxv <= i3)))
    mc_b[pl.ds(g * L, L)] = cf * keep.astype(jnp.float32)
    fin_b[pl.ds(g * L, L)] = keep.astype(jnp.int32)
    cls_ob[pl.ds(g * L, L)] = cl
  pltpu.sync_copy(mc_b, mconf_hbm.at[pl.ds(gbase, OUT_PER_SUB)])
  pltpu.sync_copy(fin_b, final_hbm.at[pl.ds(gbase, OUT_PER_SUB)])
  pltpu.sync_copy(cls_ob, clso_hbm.at[pl.ds(gbase, OUT_PER_SUB)])


@functools.partial(
    pl.kernel,
    out_type=(jax.ShapeDtypeStruct((N_PAIRS,), jnp.float32),
              jax.ShapeDtypeStruct((N_PAIRS,), jnp.int32),
              jax.ShapeDtypeStruct((N_PAIRS,), jnp.int32)),
    mesh=plsc.VectorSubcoreMesh(core_axis_name="c", subcore_axis_name="s"),
    compiler_params=pltpu.CompilerParams(needs_layout_passes=False),
    scratch_types=(
        pltpu.VMEM((PAIRS_PER_SUB * CPAD,), jnp.float32),
        pltpu.VMEM((PAIRS_PER_SUB,), jnp.int32),
        pltpu.VMEM((PAIRS_PER_SUB,), jnp.int32),
        pltpu.VMEM((N_BOXES,), jnp.float32),
        pltpu.VMEM((N_BOXES,), jnp.float32),
        pltpu.VMEM((N_BOXES,), jnp.float32),
        pltpu.VMEM((N_BOXES,), jnp.float32),
        pltpu.VMEM((CPAD,), jnp.float32),
        pltpu.VMEM((L,), jnp.int32),
        pltpu.VMEM((N_BOXES,), jnp.int32),
        pltpu.VMEM((PAIRS_PER_SUB,), jnp.float32),
        pltpu.VMEM((PAIRS_PER_SUB,), jnp.int32),
        pltpu.VMEM((PAIRS_PER_SUB,), jnp.int32),
        pltpu.VMEM((N_PAIRS,), jnp.float32),
        pltpu.VMEM((N_PAIRS,), jnp.int32),
        pltpu.VMEM((N_PAIRS,), jnp.int32),
        pltpu.VMEM((L,), jnp.float32),
        pltpu.VMEM((L,), jnp.int32),
        pltpu.VMEM((NS * L,), jnp.float32),
        pltpu.VMEM((NS * L,), jnp.int32),
        pltpu.VMEM((OUT_PER_SUB,), jnp.float32),
        pltpu.VMEM((OUT_PER_SUB,), jnp.int32),
        pltpu.VMEM((OUT_PER_SUB,), jnp.int32),
        pltpu.VMEM_SHARED((N_BOXES,), jnp.int32),
        pltpu.VMEM_SHARED((N_PAIRS,), jnp.float32),
        pltpu.VMEM_SHARED((N_PAIRS,), jnp.int32),
        pltpu.VMEM_SHARED((N_PAIRS,), jnp.int32),
        pltpu.VMEM_SHARED((NS * L,), jnp.float32),
        pltpu.VMEM_SHARED((NS * L,), jnp.int32),
    ),
)
def _sgg_sc_kernel(*refs):
  _body(*refs)


def kernel(rel_pair_idxs, boxes, rel_labels, pred_rel_logits, pred_threshold):
  del rel_labels
  lg = jnp.pad(pred_rel_logits.astype(jnp.float32),
               ((0, 0), (0, CPAD - NUM_CLS))).reshape(-1)
  a = rel_pair_idxs[:, 0].astype(jnp.int32)
  b = rel_pair_idxs[:, 1].astype(jnp.int32)
  bx = boxes.astype(jnp.float32)
  thr = jnp.pad(pred_threshold.astype(jnp.float32), (0, CPAD - NUM_CLS))
  mconf, final, cls = _sgg_sc_kernel(
      lg, a, b, bx[:, 0], bx[:, 1], bx[:, 2], bx[:, 3], thr)
  return mconf, final, cls

# --- scband reference (transcript-rebuilt; emitter-appended) ---
"""Pipeline reference for scband-st-sgg-11965778887149 (READ-ONLY COPY).

The authoritative reference and input builder live on the scoring server;
editing this copy changes nothing except your own understanding.
"""

import jax, jax.numpy as jnp
import numpy as np

NUM_REL_CLS = 51
N_BOXES = 128
N_PAIRS = 1024


def box_overlaps(box1, box2):
    lt = jnp.maximum(box1[:, None, :2], box2[None, :, :2])
    rb = jnp.minimum(box1[:, None, 2:], box2[None, :, 2:])
    wh = jnp.maximum(rb - lt, 0.0)
    return wh[:, :, 0] * wh[:, :, 1]


def _greedy_cap(valid_np, conf_np, cls_np, thr_np, num_cls):
    # faithful host-side replication of the per-pseudo-label greedy loop
    vconf = conf_np[valid_np]
    order = np.argsort(-vconf, kind='stable')
    rel_idx = np.nonzero(valid_np)[0][order]
    counts = np.zeros(num_cls, dtype=np.int64)
    for idx in rel_idx:
        p = int(cls_np[idx]); c = float(conf_np[idx])
        if thr_np[p] <= c:
            counts[p] += 1
            if counts[p] > 3:
                valid_np[idx] = False
        else:
            valid_np[idx] = False
    return valid_np


def setup_inputs(seed: int = 0):
    key = jax.random.key(seed)
    k1, k2, k3 = jax.random.split(key, 3)
    rel_pair_idxs = jax.random.randint(k1, (N_PAIRS, 2), 0, N_BOXES)
    boxes = jax.random.uniform(k2, (N_BOXES, 4), dtype=jnp.float32)
    rel_labels = jnp.zeros((N_PAIRS,), dtype=jnp.int32)
    pred_rel_logits = jax.random.normal(k3, (N_PAIRS, NUM_REL_CLS), dtype=jnp.float32)
    # module state: pred_threshold initialized to zeros + 1e-6 as in __init__
    pred_threshold = jnp.zeros((NUM_REL_CLS,), dtype=jnp.float32) + 1e-6
    return {'rel_pair_idxs': rel_pair_idxs, 'boxes': boxes, 'rel_labels': rel_labels,
            'pred_rel_logits': pred_rel_logits, 'pred_threshold': pred_threshold}


def reference(rel_pair_idxs, boxes, rel_labels, pred_rel_logits, pred_threshold):
    n_annotate = jnp.count_nonzero(rel_labels)  # 0 with zero labels -> full slice
    R = rel_pair_idxs.shape[0]
    probs = jax.nn.softmax(pred_rel_logits, axis=-1)
    rel_confidence = jnp.max(probs[:, 1:], axis=1)
    pred_rel_class = jnp.argmax(probs[:, 1:], axis=1) + 1
    N = boxes.shape[0]
    ov = (box_overlaps(boxes, boxes) > 0) & (~jnp.eye(N, dtype=bool))  # fill_diagonal_(0)
    rp = rel_pair_idxs
    idx = jnp.arange(N)
    rowcnt = ((idx[:, None] == rp[None, :, 0]).astype(jnp.int8)
              + (idx[:, None] == rp[None, :, 1]).astype(jnp.int8))  # [N, R]
    pair_cnt = rowcnt[:, None, :] + rowcnt[None, :, :]  # [N, N, R]
    overlap_full = jnp.any(ov[:, :, None] & (pair_cnt == 2), axis=(0, 1))  # [R]
    overlap_idx = jax.lax.dynamic_slice_in_dim(overlap_full, n_annotate, R)
    thr = pred_threshold[pred_rel_class]
    conf_s = jax.lax.dynamic_slice_in_dim(rel_confidence, n_annotate, R)
    cls_s = jax.lax.dynamic_slice_in_dim(pred_rel_class, n_annotate, R)
    valid = jax.lax.dynamic_slice_in_dim(rel_confidence >= thr, n_annotate, R) & overlap_idx
    order = jnp.argsort(-conf_s, stable=True)
    counts0 = jnp.zeros((pred_rel_logits.shape[-1],), dtype=jnp.int32)

    def body(carry, i):
        counts, v = carry
        p = cls_s[i]
        c = conf_s[i]
        active = v[i]
        pass_thr = pred_threshold[p] <= c
        counts = counts.at[p].add((active & pass_thr).astype(jnp.int32))
        keep = active & pass_thr & (counts[p] <= 3)
        v = v.at[i].set(jnp.where(active, keep, v[i]))
        return (counts, v), None

    (_, final), _ = jax.lax.scan(body, (counts0, valid), order)
    masked_conf = conf_s * final.astype(jnp.float32)
    return masked_conf, final.astype(jnp.int32), cls_s.astype(jnp.int32)

if __name__ == "__main__":
    import jax
    _d = setup_inputs()
    print(jax.jit(kernel)(*tuple(_d.values())))

</pallas_src>

<mosaic_0001>
#map = affine_map<(d0, d1) -> (0)>
module attributes {stable_mosaic.version = 14 : i64} {
  func.func @_sgg_sc_kernel(%arg0: i32, %arg1: i32, %arg2: memref<65536xf32, #tpu.memory_space<hbm>>, %arg3: memref<1024xi32, #tpu.memory_space<hbm>>, %arg4: memref<1024xi32, #tpu.memory_space<hbm>>, %arg5: memref<128xf32, #tpu.memory_space<hbm>>, %arg6: memref<128xf32, #tpu.memory_space<hbm>>, %arg7: memref<128xf32, #tpu.memory_space<hbm>>, %arg8: memref<128xf32, #tpu.memory_space<hbm>>, %arg9: memref<64xf32, #tpu.memory_space<hbm>>, %arg10: memref<1024xf32, #tpu.memory_space<hbm>>, %arg11: memref<1024xi32, #tpu.memory_space<hbm>>, %arg12: memref<1024xi32, #tpu.memory_space<hbm>>, %arg13: memref<4096xf32, #tpu.memory_space<vmem>>, %arg14: memref<64xi32, #tpu.memory_space<vmem>>, %arg15: memref<64xi32, #tpu.memory_space<vmem>>, %arg16: memref<128xf32, #tpu.memory_space<vmem>>, %arg17: memref<128xf32, #tpu.memory_space<vmem>>, %arg18: memref<128xf32, #tpu.memory_space<vmem>>, %arg19: memref<128xf32, #tpu.memory_space<vmem>>, %arg20: memref<64xf32, #tpu.memory_space<vmem>>, %arg21: memref<16xi32, #tpu.memory_space<vmem>>, %arg22: memref<128xi32, #tpu.memory_space<vmem>>, %arg23: memref<64xf32, #tpu.memory_space<vmem>>, %arg24: memref<64xi32, #tpu.memory_space<vmem>>, %arg25: memref<64xi32, #tpu.memory_space<vmem>>, %arg26: memref<1024xf32, #tpu.memory_space<vmem>>, %arg27: memref<1024xi32, #tpu.memory_space<vmem>>, %arg28: memref<1024xi32, #tpu.memory_space<vmem>>, %arg29: memref<16xf32, #tpu.memory_space<vmem>>, %arg30: memref<16xi32, #tpu.memory_space<vmem>>, %arg31: memref<256xf32, #tpu.memory_space<vmem>>, %arg32: memref<256xi32, #tpu.memory_space<vmem>>, %arg33: memref<32xf32, #tpu.memory_space<vmem>>, %arg34: memref<32xi32, #tpu.memory_space<vmem>>, %arg35: memref<32xi32, #tpu.memory_space<vmem>>, %arg36: memref<128xi32, #tpu.memory_space<vmem_shared>>, %arg37: memref<1024xf32, #tpu.memory_space<vmem_shared>>, %arg38: memref<1024xi32, #tpu.memory_space<vmem_shared>>, %arg39: memref<1024xi32, #tpu.memory_space<vmem_shared>>, %arg40: memref<256xf32, #tpu.memory_space<vmem_shared>>, %arg41: memref<256xi32, #tpu.memory_space<vmem_shared>>) attributes {dimension_semantics = [#tpu.dimension_semantics<core_parallel>, #tpu.dimension_semantics<subcore_parallel>], iteration_bounds = array<i64: 2, 16>, scalar_prefetch = 0 : i64, scratch_operands = 29 : i64, tpu.core_type = #tpu.core_type<sc_vector_subcore>, window_params = [{transform_indices = #map}, {transform_indices = #map}, {transform_indices = #map}, {transform_indices = #map}, {transform_indices = #map}, {transform_indices = #map}, {transform_indices = #map}, {transform_indices = #map}, {transform_indices = #map}, {transform_indices = #map}, {transform_indices = #map}]} {
    %iota3A = tpu.iota {dimensions = array<i32: 0>} : vector<16xi32>
    %mul3A = arith.constant 4096 : i32
    %mul3A_0 = arith.muli %arg1, %mul3A : i32
    "tpu.region"() ({
      %run_scoped3A = tpu.sem_alloc : memref<!tpu.dma_semaphore, #tpu.memory_space<semaphore_mem>>
      %dma_start3A = tpu.memref_slice %arg2[%mul3A_0] : memref<65536xf32, #tpu.memory_space<hbm>> -> memref<4096xf32, #tpu.memory_space<hbm>>
      %dma_start3A_770 = tpu.memref_slice %arg2[%mul3A_0] : memref<65536xf32, #tpu.memory_space<hbm>> -> memref<4096xf32, #tpu.memory_space<hbm>>
      tpu.enqueue_dma source(%dma_start3A_770 : memref<4096xf32, #tpu.memory_space<hbm>>) target(%arg13 : memref<4096xf32, #tpu.memory_space<vmem>>) target_semaphore(%run_scoped3A : memref<!tpu.dma_semaphore, #tpu.memory_space<semaphore_mem>>)
      %dma_wait3A = tpu.memref_slice %arg2[%mul3A_0] : memref<65536xf32, #tpu.memory_space<hbm>> -> memref<4096xf32, #tpu.memory_space<hbm>>
      %dma_wait3A_771 = tpu.memref_slice %arg2[%mul3A_0] : memref<65536xf32, #tpu.memory_space<hbm>> -> memref<4096xf32, #tpu.memory_space<hbm>>
      tpu.wait_dma2 semaphore(%run_scoped3A : memref<!tpu.dma_semaphore, #tpu.memory_space<semaphore_mem>>) src(%dma_wait3A_771 : memref<4096xf32, #tpu.memory_space<hbm>>) dst(%arg13 : memref<4096xf32, #tpu.memory_space<vmem>>)
      tpu.yield
    }) : () -> ()
    %mul3A_1 = arith.constant 64 : i32
    %mul3A_2 = arith.muli %arg1, %mul3A_1 : i32
    "tpu.region"() ({
      %run_scoped3A = tpu.sem_alloc : memref<!tpu.dma_semaphore, #tpu.memory_space<semaphore_mem>>
      %dma_start3A = tpu.memref_slice %arg3[%mul3A_2] : memref<1024xi32, #tpu.memory_space<hbm>> -> memref<64xi32, #tpu.memory_space<hbm>>
      %dma_start3A_770 = tpu.memref_slice %arg3[%mul3A_2] : memref<1024xi32, #tpu.memory_space<hbm>> -> memref<64xi32, #tpu.memory_space<hbm>>
      tpu.enqueue_dma source(%dma_start3A_770 : memref<64xi32, #tpu.memory_space<hbm>>) target(%arg14 : memref<64xi32, #tpu.memory_space<vmem>>) target_semaphore(%run_scoped3A : memref<!tpu.dma_semaphore, #tpu.memory_space<semaphore_mem>>)
      %dma_wait3A = tpu.memref_slice %arg3[%mul3A_2] : memref<1024xi32, #tpu.memory_space<hbm>> -> memref<64xi32, #tpu.memory_space<hbm>>
      %dma_wait3A_771 = tpu.memref_slice %arg3[%mul3A_2] : memref<1024xi32, #tpu.memory_space<hbm>> -> memref<64xi32, #tpu.memory_space<hbm>>
      tpu.wait_dma2 semaphore(%run_scoped3A : memref<!tpu.dma_semaphore, #tpu.memory_space<semaphore_mem>>) src(%dma_wait3A_771 : memref<64xi32, #tpu.memory_space<hbm>>) dst(%arg14 : memref<64xi32, #tpu.memory_space<vmem>>)
      tpu.yield
    }) : () -> ()
    %mul3A_3 = arith.constant 64 : i32
    %mul3A_4 = arith.muli %arg1, %mul3A_3 : i32
    "tpu.region"() ({
      %run_scoped3A = tpu.sem_alloc : memref<!tpu.dma_semaphore, #tpu.memory_space<semaphore_mem>>
      %dma_start3A = tpu.memref_slice %arg4[%mul3A_4] : memref<1024xi32, #tpu.memory_space<hbm>> -> memref<64xi32, #tpu.memory_space<hbm>>
      %dma_start3A_770 = tpu.memref_slice %arg4[%mul3A_4] : memref<1024xi32, #tpu.memory_space<hbm>> -> memref<64xi32, #tpu.memory_space<hbm>>
      tpu.enqueue_dma source(%dma_start3A_770 : memref<64xi32, #tpu.memory_space<hbm>>) target(%arg15 : memref<64xi32, #tpu.memory_space<vmem>>) target_semaphore(%run_scoped3A : memref<!tpu.dma_semaphore, #tpu.memory_space<semaphore_mem>>)
      %dma_wait3A = tpu.memref_slice %arg4[%mul3A_4] : memref<1024xi32, #tpu.memory_space<hbm>> -> memref<64xi32, #tpu.memory_space<hbm>>
      %dma_wait3A_771 = tpu.memref_slice %arg4[%mul3A_4] : memref<1024xi32, #tpu.memory_space<hbm>> -> memref<64xi32, #tpu.memory_space<hbm>>
      tpu.wait_dma2 semaphore(%run_scoped3A : memref<!tpu.dma_semaphore, #tpu.memory_space<semaphore_mem>>) src(%dma_wait3A_771 : memref<64xi32, #tpu.memory_space<hbm>>) dst(%arg15 : memref<64xi32, #tpu.memory_space<vmem>>)
      tpu.yield
    }) : () -> ()
    "tpu.region"() ({
      %run_scoped3A = tpu.sem_alloc : memref<!tpu.dma_semaphore, #tpu.memory_space<semaphore_mem>>
      tpu.enqueue_dma source(%arg5 : memref<128xf32, #tpu.memory_space<hbm>>) target(%arg16 : memref<128xf32, #tpu.memory_space<vmem>>) target_semaphore(%run_scoped3A : memref<!tpu.dma_semaphore, #tpu.memory_space<semaphore_mem>>)
      tpu.wait_dma2 semaphore(%run_scoped3A : memref<!tpu.dma_semaphore, #tpu.memory_space<semaphore_mem>>) src(%arg5 : memref<128xf32, #tpu.memory_space<hbm>>) dst(%arg16 : memref<128xf32, #tpu.memory_space<vmem>>)
      tpu.yield
    }) : () -> ()
    "tpu.region"() ({
      %run_scoped3A = tpu.sem_alloc : memref<!tpu.dma_semaphore, #tpu.memory_space<semaphore_mem>>
      tpu.enqueue_dma source(%arg6 : memref<128xf32, #tpu.memory_space<hbm>>) target(%arg17 : memref<128xf32, #tpu.memory_space<vmem>>) target_semaphore(%run_scoped3A : memref<!tpu.dma_semaphore, #tpu.memory_space<semaphore_mem>>)
      tpu.wait_dma2 semaphore(%run_scoped3A : memref<!tpu.dma_semaphore, #tpu.memory_space<semaphore_mem>>) src(%arg6 : memref<128xf32, #tpu.memory_space<hbm>>) dst(%arg17 : memref<128xf32, #tpu.memory_space<vmem>>)
      tpu.yield
    }) : () -> ()
    "tpu.region"() ({
      %run_scoped3A = tpu.sem_alloc : memref<!tpu.dma_semaphore, #tpu.memory_space<semaphore_mem>>
      tpu.enqueue_dma source(%arg7 : memref<128xf32, #tpu.memory_space<hbm>>) target(%arg18 : memref<128xf32, #tpu.memory_space<vmem>>) target_semaphore(%run_scoped3A : memref<!tpu.dma_semaphore, #tpu.memory_space<semaphore_mem>>)
      tpu.wait_dma2 semaphore(%run_scoped3A : memref<!tpu.dma_semaphore, #tpu.memory_space<semaphore_mem>>) src(%arg7 : memref<128xf32, #tpu.memory_space<hbm>>) dst(%arg18 : memref<128xf32, #tpu.memory_space<vmem>>)
      tpu.yield
    }) : () -> ()
    "tpu.region"() ({
      %run_scoped3A = tpu.sem_alloc : memref<!tpu.dma_semaphore, #tpu.memory_space<semaphore_mem>>
      tpu.enqueue_dma source(%arg8 : memref<128xf32, #tpu.memory_space<hbm>>) target(%arg19 : memref<128xf32, #tpu.memory_space<vmem>>) target_semaphore(%run_scoped3A : memref<!tpu.dma_semaphore, #tpu.memory_space<semaphore_mem>>)
      tpu.wait_dma2 semaphore(%run_scoped3A : memref<!tpu.dma_semaphore, #tpu.memory_space<semaphore_mem>>) src(%arg8 : memref<128xf32, #tpu.memory_space<hbm>>) dst(%arg19 : memref<128xf32, #tpu.memory_space<vmem>>)
      tpu.yield
    }) : () -> ()
    "tpu.region"() ({
      %run_scoped3A = tpu.sem_alloc : memref<!tpu.dma_semaphore, #tpu.memory_space<semaphore_mem>>
      tpu.enqueue_dma source(%arg9 : memref<64xf32, #tpu.memory_space<hbm>>) target(%arg20 : memref<64xf32, #tpu.memory_space<vmem>>) target_semaphore(%run_scoped3A : memref<!tpu.dma_semaphore, #tpu.memory_space<semaphore_mem>>)
      tpu.wait_dma2 semaphore(%run_scoped3A : memref<!tpu.dma_semaphore, #tpu.memory_space<semaphore_mem>>) src(%arg9 : memref<64xf32, #tpu.memory_space<hbm>>) dst(%arg20 : memref<64xf32, #tpu.memory_space<vmem>>)
      tpu.yield
    }) : () -> ()
    %lt3A = arith.constant 8 : i32
    %lt3A_5 = arith.cmpi slt, %arg1, %lt3A : i32
    %convert_element_type3A = arith.extui %lt3A_5 : i1 to i32
    %cond3A = arith.constant 0 : i32
    %cond3A_6 = arith.cmpi ne, %convert_element_type3A, %cond3A : i32
    scf.if %cond3A_6 {
      %mul3A_770 = arith.constant 16 : i32
      %mul3A_771 = arith.muli %arg1, %mul3A_770 : i32
      %get3A_772 = arith.index_cast %mul3A_771 : i32 to index
      %get3A_773 = tpu.vector_load %arg16[%get3A_772] {strides = array<i32>} : memref<128xf32, #tpu.memory_space<vmem>>, vector<16xf32>,
      %mul3A_774 = arith.constant 16 : i32
      %mul3A_775 = arith.muli %arg1, %mul3A_774 : i32
      %get3A_776 = arith.index_cast %mul3A_775 : i32 to index
      %get3A_777 = tpu.vector_load %arg17[%get3A_776] {strides = array<i32>} : memref<128xf32, #tpu.memory_space<vmem>>, vector<16xf32>,
      %mul3A_778 = arith.constant 16 : i32
      %mul3A_779 = arith.muli %arg1, %mul3A_778 : i32
      %get3A_780 = arith.index_cast %mul3A_779 : i32 to index
      %get3A_781 = tpu.vector_load %arg18[%get3A_780] {strides = array<i32>} : memref<128xf32, #tpu.memory_space<vmem>>, vector<16xf32>,
      %mul3A_782 = arith.constant 16 : i32
      %mul3A_783 = arith.muli %arg1, %mul3A_782 : i32
      %get3A_784 = arith.index_cast %mul3A_783 : i32 to index
      %get3A_785 = tpu.vector_load %arg19[%get3A_784] {strides = array<i32>} : memref<128xf32, #tpu.memory_space<vmem>>, vector<16xf32>,
      %mul3A_786 = arith.constant 16 : i32
      %mul3A_787 = arith.muli %arg1, %mul3A_786 : i32
      %add3A_788 = vector.broadcast %mul3A_787 : i32 to vector<16xi32>
      %add3A_789 = arith.addi %add3A_788, %iota3A : vector<16xi32>
      %broadcast_in_dim3A_790 = arith.constant false
      %broadcast_in_dim3A_791 = vector.broadcast %broadcast_in_dim3A_790 : i1 to vector<16xi1>
      %scan3A_792 = arith.constant 0 : i32
      %scan3A_793 = arith.constant 128 : i32
      %scan3A_794 = arith.addi %scan3A_792, %scan3A_793 : i32
      %scan3A_795 = arith.constant 1 : i32
      %scan3A_796 = scf.for %scan3A_803 = %scan3A_792 to %scan3A_794 step %scan3A_795 iter_args(%scan3A_804 = %broadcast_in_dim3A_791) -> (vector<16xi1>)  : i32 {
        %broadcast_in_dim3A_805 = arith.constant 0 : i32
        %broadcast_in_dim3A_806 = vector.broadcast %broadcast_in_dim3A_805 : i32 to vector<16xi32>
        %add3A_807 = vector.broadcast %scan3A_803 : i32 to vector<16xi32>
        %add3A_808 = arith.addi %broadcast_in_dim3A_806, %add3A_807 : vector<16xi32>
        %gather3A_809 = tpu.vector_load_idx %arg16[%add3A_808] : memref<128xf32, #tpu.memory_space<vmem>>[vector<16xi32>], vector<16xf32>,
        %gather3A_810 = tpu.vector_load_idx %arg17[%add3A_808] : memref<128xf32, #tpu.memory_space<vmem>>[vector<16xi32>], vector<16xf32>,
        %gather3A_811 = tpu.vector_load_idx %arg18[%add3A_808] : memref<128xf32, #tpu.memory_space<vmem>>[vector<16xi32>], vector<16xf32>,
        %gather3A_812 = tpu.vector_load_idx %arg19[%add3A_808] : memref<128xf32, #tpu.memory_space<vmem>>[vector<16xi32>], vector<16xf32>,
        %min3A_813 = arith.minimumf %get3A_781, %gather3A_811 : vector<16xf32>
        %max3A_814 = arith.maximumf %get3A_773, %gather3A_809 : vector<16xf32>
        %sub3A_815 = arith.subf %min3A_813, %max3A_814 : vector<16xf32>
        %max3A_816 = arith.constant 0.000000e+00 : f32
        %max3A_817 = vector.broadcast %max3A_816 : f32 to vector<16xf32>
        %max3A_818 = arith.maximumf %sub3A_815, %max3A_817 : vector<16xf32>
        %min3A_819 = arith.minimumf %get3A_785, %gather3A_812 : vector<16xf32>
        %max3A_820 = arith.maximumf %get3A_777, %gather3A_810 : vector<16xf32>
        %sub3A_821 = arith.subf %min3A_819, %max3A_820 : vector<16xf32>
        %max3A_822 = arith.constant 0.000000e+00 : f32
        %max3A_823 = vector.broadcast %max3A_822 : f32 to vector<16xf32>
        %max3A_824 = arith.maximumf %sub3A_821, %max3A_823 : vector<16xf32>
        %mul3A_825 = arith.mulf %max3A_818, %max3A_824 : vector<16xf32>
        %gt3A_826 = arith.constant 0.000000e+00 : f32
        %gt3A_827 = vector.broadcast %gt3A_826 : f32 to vector<16xf32>
        %gt3A_828 = arith.cmpf ogt, %mul3A_825, %gt3A_827 : vector<16xf32>
        %ne3A_829 = vector.broadcast %scan3A_803 : i32 to vector<16xi32>
        %ne3A_830 = arith.cmpi ne, %add3A_789, %ne3A_829 : vector<16xi32>
        %and3A_831 = arith.andi %gt3A_828, %ne3A_830 : vector<16xi1>
        %or3A_832 = arith.ori %scan3A_804, %and3A_831 : vector<16xi1>
        scf.yield %or3A_832 : vector<16xi1>
      }
      %scan3A_797 = arith.constant 128 : i32
      %convert_element_type3A_798 = arith.extui %scan3A_796 : vector<16xi1> to vector<16xi32>
      %swap3A_799 = arith.constant 0 : index
      %swap3A_800 = tpu.vector_load %arg21[%swap3A_799] {strides = array<i32>} : memref<16xi32, #tpu.memory_space<vmem>>, vector<16xi32>,
      tpu.vector_store %arg21[%swap3A_799], %convert_element_type3A_798 {strides = array<i32>} : memref<16xi32, #tpu.memory_space<vmem>>, vector<16xi32>,
      %mul3A_801 = arith.constant 16 : i32
      %mul3A_802 = arith.muli %arg1, %mul3A_801 : i32
      "tpu.region"() ({
        %run_scoped3A = tpu.sem_alloc : memref<!tpu.dma_semaphore, #tpu.memory_space<semaphore_mem>>
        %dma_start3A = tpu.memref_slice %arg36[%mul3A_802] : memref<128xi32, #tpu.memory_space<vmem_shared>> -> memref<16xi32, #tpu.memory_space<vmem_shared>>
        %dma_start3A_803 = tpu.memref_slice %arg36[%mul3A_802] : memref<128xi32, #tpu.memory_space<vmem_shared>> -> memref<16xi32, #tpu.memory_space<vmem_shared>>
        tpu.enqueue_dma source(%arg21 : memref<16xi32, #tpu.memory_space<vmem>>) target(%dma_start3A_803 : memref<16xi32, #tpu.memory_space<vmem_shared>>) target_semaphore(%run_scoped3A : memref<!tpu.dma_semaphore, #tpu.memory_space<semaphore_mem>>)
        %dma_wait3A = tpu.memref_slice %arg36[%mul3A_802] : memref<128xi32, #tpu.memory_space<vmem_shared>> -> memref<16xi32, #tpu.memory_space<vmem_shared>>
        %dma_wait3A_804 = tpu.memref_slice %arg36[%mul3A_802] : memref<128xi32, #tpu.memory_space<vmem_shared>> -> memref<16xi32, #tpu.memory_space<vmem_shared>>
        tpu.wait_dma2 semaphore(%run_scoped3A : memref<!tpu.dma_semaphore, #tpu.memory_space<semaphore_mem>>) src(%arg21 : memref<16xi32, #tpu.memory_space<vmem>>) dst(%dma_wait3A_804 : memref<16xi32, #tpu.memory_space<vmem_shared>>)
        tpu.yield
      }) : () -> ()
    } else {
    }
    %barrier3A = arith.constant 0 : index
    tpu.barrier barrier_id(%barrier3A)
    "tpu.region"() ({
      %run_scoped3A = tpu.sem_alloc : memref<!tpu.dma_semaphore, #tpu.memory_space<semaphore_mem>>
      tpu.enqueue_dma source(%arg36 : memref<128xi32, #tpu.memory_space<vmem_shared>>) target(%arg22 : memref<128xi32, #tpu.memory_space<vmem>>) target_semaphore(%run_scoped3A : memref<!tpu.dma_semaphore, #tpu.memory_space<semaphore_mem>>)
      tpu.wait_dma2 semaphore(%run_scoped3A : memref<!tpu.dma_semaphore, #tpu.memory_space<semaphore_mem>>) src(%arg36 : memref<128xi32, #tpu.memory_space<vmem_shared>>) dst(%arg22 : memref<128xi32, #tpu.memory_space<vmem>>)
      tpu.yield
    }) : () -> ()
    %add3A = arith.constant 0 : i32
    %add3A_7 = vector.broadcast %add3A : i32 to vector<16xi32>
    %add3A_8 = arith.addi %iota3A, %add3A_7 : vector<16xi32>
    %mul3A_9 = arith.constant 64 : i32
    %mul3A_10 = vector.broadcast %mul3A_9 : i32 to vector<16xi32>
    %mul3A_11 = arith.muli %add3A_8, %mul3A_10 : vector<16xi32>
    %gather3A = tpu.vector_load_idx %arg13[%mul3A_11] : memref<4096xf32, #tpu.memory_space<vmem>>[vector<16xi32>], vector<16xf32>,
    %add3A_12 = arith.constant 1 : i32
    %add3A_13 = vector.broadcast %add3A_12 : i32 to vector<16xi32>
    %add3A_14 = arith.addi %mul3A_11, %add3A_13 : vector<16xi32>
    %gather3A_15 = tpu.vector_load_idx %arg13[%add3A_14] : memref<4096xf32, #tpu.memory_space<vmem>>[vector<16xi32>], vector<16xf32>,
    %broadcast_in_dim3A = arith.constant 1 : i32
    %broadcast_in_dim3A_16 = vector.broadcast %broadcast_in_dim3A : i32 to vector<16xi32>
    %scan3A = arith.constant 2 : i32
    %scan3A_17 = arith.constant 49 : i32
    %scan3A_18 = arith.addi %scan3A, %scan3A_17 : i32
    %scan3A_19 = arith.constant 1 : i32
    %scan3A_20:2 = scf.for %scan3A_770 = %scan3A to %scan3A_18 step %scan3A_19 iter_args(%scan3A_771 = %gather3A_15, %scan3A_772 = %broadcast_in_dim3A_16) -> (vector<16xf32>, vector<16xi32>)  : i32 {
      %add3A_773 = vector.broadcast %scan3A_770 : i32 to vector<16xi32>
      %add3A_774 = arith.addi %mul3A_11, %add3A_773 : vector<16xi32>
      %gather3A_775 = tpu.vector_load_idx %arg13[%add3A_774] : memref<4096xf32, #tpu.memory_space<vmem>>[vector<16xi32>], vector<16xf32>,
      %gt3A_776 = arith.cmpf ogt, %gather3A_775, %scan3A_771 : vector<16xf32>
      %select_n3A_777 = arith.select %gt3A_776, %gather3A_775, %scan3A_771 : vector<16xi1>, vector<16xf32>
      %broadcast_in_dim3A_778 = vector.broadcast %scan3A_770 : i32 to vector<16xi32>
      %select_n3A_779 = arith.select %gt3A_776, %broadcast_in_dim3A_778, %scan3A_772 : vector<16xi1>, vector<16xi32>
      scf.yield %select_n3A_777, %select_n3A_779 : vector<16xf32>, vector<16xi32>
    }
    %scan3A_21 = arith.constant 49 : i32
    %max3A = arith.maximumf %gather3A, %scan3A_20#0 : vector<16xf32>
    %broadcast_in_dim3A_22 = arith.constant 0.000000e+00 : f32
    %broadcast_in_dim3A_23 = vector.broadcast %broadcast_in_dim3A_22 : f32 to vector<16xf32>
    %scan3A_24 = arith.constant 0 : i32
    %scan3A_25 = arith.constant 51 : i32
    %scan3A_26 = arith.addi %scan3A_24, %scan3A_25 : i32
    %scan3A_27 = arith.constant 1 : i32
    %scan3A_28 = scf.for %scan3A_770 = %scan3A_24 to %scan3A_26 step %scan3A_27 iter_args(%scan3A_771 = %broadcast_in_dim3A_23) -> (vector<16xf32>)  : i32 {
      %add3A_772 = vector.broadcast %scan3A_770 : i32 to vector<16xi32>
      %add3A_773 = arith.addi %mul3A_11, %add3A_772 : vector<16xi32>
      %gather3A_774 = tpu.vector_load_idx %arg13[%add3A_773] : memref<4096xf32, #tpu.memory_space<vmem>>[vector<16xi32>], vector<16xf32>,
      %sub3A_775 = arith.subf %gather3A_774, %max3A : vector<16xf32>
      %exp3A_776 = math.exp %sub3A_775 : vector<16xf32>
      %add3A_777 = arith.addf %scan3A_771, %exp3A_776 : vector<16xf32>
      scf.yield %add3A_777 : vector<16xf32>
    }
    %scan3A_29 = arith.constant 51 : i32
    %sub3A = arith.subf %scan3A_20#0, %max3A : vector<16xf32>
    %exp3A = math.exp %sub3A : vector<16xf32>
    %div3A = arith.divf %exp3A, %scan3A_28 : vector<16xf32>
    %gather3A_30 = tpu.vector_load_idx %arg20[%scan3A_20#1] : memref<64xf32, #tpu.memory_space<vmem>>[vector<16xi32>], vector<16xf32>,
    %get3A = arith.constant 0 : index
    %get3A_31 = tpu.vector_load %arg14[%get3A] {strides = array<i32>} : memref<64xi32, #tpu.memory_space<vmem>>, vector<16xi32>,
    %get3A_32 = arith.constant 0 : index
    %get3A_33 = tpu.vector_load %arg15[%get3A_32] {strides = array<i32>} : memref<64xi32, #tpu.memory_space<vmem>>, vector<16xi32>,
    %gather3A_34 = tpu.vector_load_idx %arg16[%get3A_31] : memref<128xf32, #tpu.memory_space<vmem>>[vector<16xi32>], vector<16xf32>,
    %gather3A_35 = tpu.vector_load_idx %arg16[%get3A_33] : memref<128xf32, #tpu.memory_space<vmem>>[vector<16xi32>], vector<16xf32>,
    %gather3A_36 = tpu.vector_load_idx %arg17[%get3A_31] : memref<128xf32, #tpu.memory_space<vmem>>[vector<16xi32>], vector<16xf32>,
    %gather3A_37 = tpu.vector_load_idx %arg17[%get3A_33] : memref<128xf32, #tpu.memory_space<vmem>>[vector<16xi32>], vector<16xf32>,
    %gather3A_38 = tpu.vector_load_idx %arg18[%get3A_31] : memref<128xf32, #tpu.memory_space<vmem>>[vector<16xi32>], vector<16xf32>,
    %gather3A_39 = tpu.vector_load_idx %arg18[%get3A_33] : memref<128xf32, #tpu.memory_space<vmem>>[vector<16xi32>], vector<16xf32>,
    %gather3A_40 = tpu.vector_load_idx %arg19[%get3A_31] : memref<128xf32, #tpu.memory_space<vmem>>[vector<16xi32>], vector<16xf32>,
    %gather3A_41 = tpu.vector_load_idx %arg19[%get3A_33] : memref<128xf32, #tpu.memory_space<vmem>>[vector<16xi32>], vector<16xf32>,
    %min3A = arith.minimumf %gather3A_38, %gather3A_39 : vector<16xf32>
    %max3A_42 = arith.maximumf %gather3A_34, %gather3A_35 : vector<16xf32>
    %sub3A_43 = arith.subf %min3A, %max3A_42 : vector<16xf32>
    %max3A_44 = arith.constant 0.000000e+00 : f32
    %max3A_45 = vector.broadcast %max3A_44 : f32 to vector<16xf32>
    %max3A_46 = arith.maximumf %sub3A_43, %max3A_45 : vector<16xf32>
    %min3A_47 = arith.minimumf %gather3A_40, %gather3A_41 : vector<16xf32>
    %max3A_48 = arith.maximumf %gather3A_36, %gather3A_37 : vector<16xf32>
    %sub3A_49 = arith.subf %min3A_47, %max3A_48 : vector<16xf32>
    %max3A_50 = arith.constant 0.000000e+00 : f32
    %max3A_51 = vector.broadcast %max3A_50 : f32 to vector<16xf32>
    %max3A_52 = arith.maximumf %sub3A_49, %max3A_51 : vector<16xf32>
    %mul3A_53 = arith.mulf %max3A_46, %max3A_52 : vector<16xf32>
    %gt3A = arith.constant 0.000000e+00 : f32
    %gt3A_54 = vector.broadcast %gt3A : f32 to vector<16xf32>
    %gt3A_55 = arith.cmpf ogt, %mul3A_53, %gt3A_54 : vector<16xf32>
    %gather3A_56 = tpu.vector_load_idx %arg22[%get3A_31] : memref<128xi32, #tpu.memory_space<vmem>>[vector<16xi32>], vector<16xi32>,
    %eq3A = arith.cmpi eq, %get3A_31, %get3A_33 : vector<16xi32>
    %gt3A_57 = arith.constant 0 : i32
    %gt3A_58 = vector.broadcast %gt3A_57 : i32 to vector<16xi32>
    %gt3A_59 = arith.cmpi sgt, %gather3A_56, %gt3A_58 : vector<16xi32>
    %select_n3A = arith.select %eq3A, %gt3A_59, %gt3A_55 : vector<16xi1>, vector<16xi1>
    %ge3A = arith.cmpf oge, %div3A, %gather3A_30 : vector<16xf32>
    %and3A = arith.andi %ge3A, %select_n3A : vector<16xi1>
    %swap3A = arith.constant 0 : index
    %swap3A_60 = tpu.vector_load %arg23[%swap3A] {strides = array<i32>} : memref<64xf32, #tpu.memory_space<vmem>>, vector<16xf32>,
    tpu.vector_store %arg23[%swap3A], %div3A {strides = array<i32>} : memref<64xf32, #tpu.memory_space<vmem>>, vector<16xf32>,
    %swap3A_61 = arith.constant 0 : index
    %swap3A_62 = tpu.vector_load %arg24[%swap3A_61] {strides = array<i32>} : memref<64xi32, #tpu.memory_space<vmem>>, vector<16xi32>,
    tpu.vector_store %arg24[%swap3A_61], %scan3A_20#1 {strides = array<i32>} : memref<64xi32, #tpu.memory_space<vmem>>, vector<16xi32>,
    %convert_element_type3A_63 = arith.extui %and3A : vector<16xi1> to vector<16xi32>
    %swap3A_64 = arith.constant 0 : index
    %swap3A_65 = tpu.vector_load %arg25[%swap3A_64] {strides = array<i32>} : memref<64xi32, #tpu.memory_space<vmem>>, vector<16xi32>,
    tpu.vector_store %arg25[%swap3A_64], %convert_element_type3A_63 {strides = array<i32>} : memref<64xi32, #tpu.memory_space<vmem>>, vector<16xi32>,
    %add3A_66 = arith.constant 16 : i32
    %add3A_67 = vector.broadcast %add3A_66 : i32 to vector<16xi32>
    %add3A_68 = arith.addi %iota3A, %add3A_67 : vector<16xi32>
    %mul3A_69 = arith.constant 64 : i32
    %mul3A_70 = vector.broadcast %mul3A_69 : i32 to vector<16xi32>
    %mul3A_71 = arith.muli %add3A_68, %mul3A_70 : vector<16xi32>
    %gather3A_72 = tpu.vector_load_idx %arg13[%mul3A_71] : memref<4096xf32, #tpu.memory_space<vmem>>[vector<16xi32>], vector<16xf32>,
    %add3A_73 = arith.constant 1 : i32
    %add3A_74 = vector.broadcast %add3A_73 : i32 to vector<16xi32>
    %add3A_75 = arith.addi %mul3A_71, %add3A_74 : vector<16xi32>
    %gather3A_76 = tpu.vector_load_idx %arg13[%add3A_75] : memref<4096xf32, #tpu.memory_space<vmem>>[vector<16xi32>], vector<16xf32>,
    %broadcast_in_dim3A_77 = arith.constant 1 : i32
    %broadcast_in_dim3A_78 = vector.broadcast %broadcast_in_dim3A_77 : i32 to vector<16xi32>
    %scan3A_79 = arith.constant 2 : i32
    %scan3A_80 = arith.constant 49 : i32
    %scan3A_81 = arith.addi %scan3A_79, %scan3A_80 : i32
    %scan3A_82 = arith.constant 1 : i32
    %scan3A_83:2 = scf.for %scan3A_770 = %scan3A_79 to %scan3A_81 step %scan3A_82 iter_args(%scan3A_771 = %gather3A_76, %scan3A_772 = %broadcast_in_dim3A_78) -> (vector<16xf32>, vector<16xi32>)  : i32 {
      %add3A_773 = vector.broadcast %scan3A_770 : i32 to vector<16xi32>
      %add3A_774 = arith.addi %mul3A_71, %add3A_773 : vector<16xi32>
      %gather3A_775 = tpu.vector_load_idx %arg13[%add3A_774] : memref<4096xf32, #tpu.memory_space<vmem>>[vector<16xi32>], vector<16xf32>,
      %gt3A_776 = arith.cmpf ogt, %gather3A_775, %scan3A_771 : vector<16xf32>
      %select_n3A_777 = arith.select %gt3A_776, %gather3A_775, %scan3A_771 : vector<16xi1>, vector<16xf32>
      %broadcast_in_dim3A_778 = vector.broadcast %scan3A_770 : i32 to vector<16xi32>
      %select_n3A_779 = arith.select %gt3A_776, %broadcast_in_dim3A_778, %scan3A_772 : vector<16xi1>, vector<16xi32>
      scf.yield %select_n3A_777, %select_n3A_779 : vector<16xf32>, vector<16xi32>
    }
    %scan3A_84 = arith.constant 49 : i32
    %max3A_85 = arith.maximumf %gather3A_72, %scan3A_83#0 : vector<16xf32>
    %broadcast_in_dim3A_86 = arith.constant 0.000000e+00 : f32
    %broadcast_in_dim3A_87 = vector.broadcast %broadcast_in_dim3A_86 : f32 to vector<16xf32>
    %scan3A_88 = arith.constant 0 : i32
    %scan3A_89 = arith.constant 51 : i32
    %scan3A_90 = arith.addi %scan3A_88, %scan3A_89 : i32
    %scan3A_91 = arith.constant 1 : i32
    %scan3A_92 = scf.for %scan3A_770 = %scan3A_88 to %scan3A_90 step %scan3A_91 iter_args(%scan3A_771 = %broadcast_in_dim3A_87) -> (vector<16xf32>)  : i32 {
      %add3A_772 = vector.broadcast %scan3A_770 : i32 to vector<16xi32>
      %add3A_773 = arith.addi %mul3A_71, %add3A_772 : vector<16xi32>
      %gather3A_774 = tpu.vector_load_idx %arg13[%add3A_773] : memref<4096xf32, #tpu.memory_space<vmem>>[vector<16xi32>], vector<16xf32>,
      %sub3A_775 = arith.subf %gather3A_774, %max3A_85 : vector<16xf32>
      %exp3A_776 = math.exp %sub3A_775 : vector<16xf32>
      %add3A_777 = arith.addf %scan3A_771, %exp3A_776 : vector<16xf32>
      scf.yield %add3A_777 : vector<16xf32>
    }
    %scan3A_93 = arith.constant 51 : i32
    %sub3A_94 = arith.subf %scan3A_83#0, %max3A_85 : vector<16xf32>
    %exp3A_95 = math.exp %sub3A_94 : vector<16xf32>
    %div3A_96 = arith.divf %exp3A_95, %scan3A_92 : vector<16xf32>
    %gather3A_97 = tpu.vector_load_idx %arg20[%scan3A_83#1] : memref<64xf32, #tpu.memory_space<vmem>>[vector<16xi32>], vector<16xf32>,
    %get3A_98 = arith.constant 16 : index
    %get3A_99 = tpu.vector_load %arg14[%get3A_98] {strides = array<i32>} : memref<64xi32, #tpu.memory_space<vmem>>, vector<16xi32>,
    %get3A_100 = arith.constant 16 : index
    %get3A_101 = tpu.vector_load %arg15[%get3A_100] {strides = array<i32>} : memref<64xi32, #tpu.memory_space<vmem>>, vector<16xi32>,
    %gather3A_102 = tpu.vector_load_idx %arg16[%get3A_99] : memref<128xf32, #tpu.memory_space<vmem>>[vector<16xi32>], vector<16xf32>,
    %gather3A_103 = tpu.vector_load_idx %arg16[%get3A_101] : memref<128xf32, #tpu.memory_space<vmem>>[vector<16xi32>], vector<16xf32>,
    %gather3A_104 = tpu.vector_load_idx %arg17[%get3A_99] : memref<128xf32, #tpu.memory_space<vmem>>[vector<16xi32>], vector<16xf32>,
    %gather3A_105 = tpu.vector_load_idx %arg17[%get3A_101] : memref<128xf32, #tpu.memory_space<vmem>>[vector<16xi32>], vector<16xf32>,
    %gather3A_106 = tpu.vector_load_idx %arg18[%get3A_99] : memref<128xf32, #tpu.memory_space<vmem>>[vector<16xi32>], vector<16xf32>,
    %gather3A_107 = tpu.vector_load_idx %arg18[%get3A_101] : memref<128xf32, #tpu.memory_space<vmem>>[vector<16xi32>], vector<16xf32>,
    %gather3A_108 = tpu.vector_load_idx %arg19[%get3A_99] : memref<128xf32, #tpu.memory_space<vmem>>[vector<16xi32>], vector<16xf32>,
    %gather3A_109 = tpu.vector_load_idx %arg19[%get3A_101] : memref<128xf32, #tpu.memory_space<vmem>>[vector<16xi32>], vector<16xf32>,
    %min3A_110 = arith.minimumf %gather3A_106, %gather3A_107 : vector<16xf32>
    %max3A_111 = arith.maximumf %gather3A_102, %gather3A_103 : vector<16xf32>
    %sub3A_112 = arith.subf %min3A_110, %max3A_111 : vector<16xf32>
    %max3A_113 = arith.constant 0.000000e+00 : f32
    %max3A_114 = vector.broadcast %max3A_113 : f32 to vector<16xf32>
    %max3A_115 = arith.maximumf %sub3A_112, %max3A_114 : vector<16xf32>
    %min3A_116 = arith.minimumf %gather3A_108, %gather3A_109 : vector<16xf32>
    %max3A_117 = arith.maximumf %gather3A_104, %gather3A_105 : vector<16xf32>
    %sub3A_118 = arith.subf %min3A_116, %max3A_117 : vector<16xf32>
    %max3A_119 = arith.constant 0.000000e+00 : f32
    %max3A_120 = vector.broadcast %max3A_119 : f32 to vector<16xf32>
    %max3A_121 = arith.maximumf %sub3A_118, %max3A_120 : vector<16xf32>
    %mul3A_122 = arith.mulf %max3A_115, %max3A_121 : vector<16xf32>
    %gt3A_123 = arith.constant 0.000000e+00 : f32
    %gt3A_124 = vector.broadcast %gt3A_123 : f32 to vector<16xf32>
    %gt3A_125 = arith.cmpf ogt, %mul3A_122, %gt3A_124 : vector<16xf32>
    %gather3A_126 = tpu.vector_load_idx %arg22[%get3A_99] : memref<128xi32, #tpu.memory_space<vmem>>[vector<16xi32>], vector<16xi32>,
    %eq3A_127 = arith.cmpi eq, %get3A_99, %get3A_101 : vector<16xi32>
    %gt3A_128 = arith.constant 0 : i32
    %gt3A_129 = vector.broadcast %gt3A_128 : i32 to vector<16xi32>
    %gt3A_130 = arith.cmpi sgt, %gather3A_126, %gt3A_129 : vector<16xi32>
    %select_n3A_131 = arith.select %eq3A_127, %gt3A_130, %gt3A_125 : vector<16xi1>, vector<16xi1>
    %ge3A_132 = arith.cmpf oge, %div3A_96, %gather3A_97 : vector<16xf32>
    %and3A_133 = arith.andi %ge3A_132, %select_n3A_131 : vector<16xi1>
    %swap3A_134 = arith.constant 16 : index
    %swap3A_135 = tpu.vector_load %arg23[%swap3A_134] {strides = array<i32>} : memref<64xf32, #tpu.memory_space<vmem>>, vector<16xf32>,
    tpu.vector_store %arg23[%swap3A_134], %div3A_96 {strides = array<i32>} : memref<64xf32, #tpu.memory_space<vmem>>, vector<16xf32>,
    %swap3A_136 = arith.constant 16 : index
    %swap3A_137 = tpu.vector_load %arg24[%swap3A_136] {strides = array<i32>} : memref<64xi32, #tpu.memory_space<vmem>>, vector<16xi32>,
    tpu.vector_store %arg24[%swap3A_136], %scan3A_83#1 {strides = array<i32>} : memref<64xi32, #tpu.memory_space<vmem>>, vector<16xi32>,
    %convert_element_type3A_138 = arith.extui %and3A_133 : vector<16xi1> to vector<16xi32>
    %swap3A_139 = arith.constant 16 : index
    %swap3A_140 = tpu.vector_load %arg25[%swap3A_139] {strides = array<i32>} : memref<64xi32, #tpu.memory_space<vmem>>, vector<16xi32>,
    tpu.vector_store %arg25[%swap3A_139], %convert_element_type3A_138 {strides = array<i32>} : memref<64xi32, #tpu.memory_space<vmem>>, vector<16xi32>,
    %add3A_141 = arith.constant 32 : i32
    %add3A_142 = vector.broadcast %add3A_141 : i32 to vector<16xi32>
    %add3A_143 = arith.addi %iota3A, %add3A_142 : vector<16xi32>
    %mul3A_144 = arith.constant 64 : i32
    %mul3A_145 = vector.broadcast %mul3A_144 : i32 to vector<16xi32>
    %mul3A_146 = arith.muli %add3A_143, %mul3A_145 : vector<16xi32>
    %gather3A_147 = tpu.vector_load_idx %arg13[%mul3A_146] : memref<4096xf32, #tpu.memory_space<vmem>>[vector<16xi32>], vector<16xf32>,
    %add3A_148 = arith.constant 1 : i32
    %add3A_149 = vector.broadcast %add3A_148 : i32 to vector<16xi32>
    %add3A_150 = arith.addi %mul3A_146, %add3A_149 : vector<16xi32>
    %gather3A_151 = tpu.vector_load_idx %arg13[%add3A_150] : memref<4096xf32, #tpu.memory_space<vmem>>[vector<16xi32>], vector<16xf32>,
    %broadcast_in_dim3A_152 = arith.constant 1 : i32
    %broadcast_in_dim3A_153 = vector.broadcast %broadcast_in_dim3A_152 : i32 to vector<16xi32>
    %scan3A_154 = arith.constant 2 : i32
    %scan3A_155 = arith.constant 49 : i32
    %scan3A_156 = arith.addi %scan3A_154, %scan3A_155 : i32
    %scan3A_157 = arith.constant 1 : i32
    %scan3A_158:2 = scf.for %scan3A_770 = %scan3A_154 to %scan3A_156 step %scan3A_157 iter_args(%scan3A_771 = %gather3A_151, %scan3A_772 = %broadcast_in_dim3A_153) -> (vector<16xf32>, vector<16xi32>)  : i32 {
      %add3A_773 = vector.broadcast %scan3A_770 : i32 to vector<16xi32>
      %add3A_774 = arith.addi %mul3A_146, %add3A_773 : vector<16xi32>
      %gather3A_775 = tpu.vector_load_idx %arg13[%add3A_774] : memref<4096xf32, #tpu.memory_space<vmem>>[vector<16xi32>], vector<16xf32>,
      %gt3A_776 = arith.cmpf ogt, %gather3A_775, %scan3A_771 : vector<16xf32>
      %select_n3A_777 = arith.select %gt3A_776, %gather3A_775, %scan3A_771 : vector<16xi1>, vector<16xf32>
      %broadcast_in_dim3A_778 = vector.broadcast %scan3A_770 : i32 to vector<16xi32>
      %select_n3A_779 = arith.select %gt3A_776, %broadcast_in_dim3A_778, %scan3A_772 : vector<16xi1>, vector<16xi32>
      scf.yield %select_n3A_777, %select_n3A_779 : vector<16xf32>, vector<16xi32>
    }
    %scan3A_159 = arith.constant 49 : i32
    %max3A_160 = arith.maximumf %gather3A_147, %scan3A_158#0 : vector<16xf32>
    %broadcast_in_dim3A_161 = arith.constant 0.000000e+00 : f32
    %broadcast_in_dim3A_162 = vector.broadcast %broadcast_in_dim3A_161 : f32 to vector<16xf32>
    %scan3A_163 = arith.constant 0 : i32
    %scan3A_164 = arith.constant 51 : i32
    %scan3A_165 = arith.addi %scan3A_163, %scan3A_164 : i32
    %scan3A_166 = arith.constant 1 : i32
    %scan3A_167 = scf.for %scan3A_770 = %scan3A_163 to %scan3A_165 step %scan3A_166 iter_args(%scan3A_771 = %broadcast_in_dim3A_162) -> (vector<16xf32>)  : i32 {
      %add3A_772 = vector.broadcast %scan3A_770 : i32 to vector<16xi32>
      %add3A_773 = arith.addi %mul3A_146, %add3A_772 : vector<16xi32>
      %gather3A_774 = tpu.vector_load_idx %arg13[%add3A_773] : memref<4096xf32, #tpu.memory_space<vmem>>[vector<16xi32>], vector<16xf32>,
      %sub3A_775 = arith.subf %gather3A_774, %max3A_160 : vector<16xf32>
      %exp3A_776 = math.exp %sub3A_775 : vector<16xf32>
      %add3A_777 = arith.addf %scan3A_771, %exp3A_776 : vector<16xf32>
      scf.yield %add3A_777 : vector<16xf32>
    }
    %scan3A_168 = arith.constant 51 : i32
    %sub3A_169 = arith.subf %scan3A_158#0, %max3A_160 : vector<16xf32>
    %exp3A_170 = math.exp %sub3A_169 : vector<16xf32>
    %div3A_171 = arith.divf %exp3A_170, %scan3A_167 : vector<16xf32>
    %gather3A_172 = tpu.vector_load_idx %arg20[%scan3A_158#1] : memref<64xf32, #tpu.memory_space<vmem>>[vector<16xi32>], vector<16xf32>,
    %get3A_173 = arith.constant 32 : index
    %get3A_174 = tpu.vector_load %arg14[%get3A_173] {strides = array<i32>} : memref<64xi32, #tpu.memory_space<vmem>>, vector<16xi32>,
    %get3A_175 = arith.constant 32 : index
    %get3A_176 = tpu.vector_load %arg15[%get3A_175] {strides = array<i32>} : memref<64xi32, #tpu.memory_space<vmem>>, vector<16xi32>,
    %gather3A_177 = tpu.vector_load_idx %arg16[%get3A_174] : memref<128xf32, #tpu.memory_space<vmem>>[vector<16xi32>], vector<16xf32>,
    %gather3A_178 = tpu.vector_load_idx %arg16[%get3A_176] : memref<128xf32, #tpu.memory_space<vmem>>[vector<16xi32>], vector<16xf32>,
    %gather3A_179 = tpu.vector_load_idx %arg17[%get3A_174] : memref<128xf32, #tpu.memory_space<vmem>>[vector<16xi32>], vector<16xf32>,
    %gather3A_180 = tpu.vector_load_idx %arg17[%get3A_176] : memref<128xf32, #tpu.memory_space<vmem>>[vector<16xi32>], vector<16xf32>,
    %gather3A_181 = tpu.vector_load_idx %arg18[%get3A_174] : memref<128xf32, #tpu.memory_space<vmem>>[vector<16xi32>], vector<16xf32>,
    %gather3A_182 = tpu.vector_load_idx %arg18[%get3A_176] : memref<128xf32, #tpu.memory_space<vmem>>[vector<16xi32>], vector<16xf32>,
    %gather3A_183 = tpu.vector_load_idx %arg19[%get3A_174] : memref<128xf32, #tpu.memory_space<vmem>>[vector<16xi32>], vector<16xf32>,
    %gather3A_184 = tpu.vector_load_idx %arg19[%get3A_176] : memref<128xf32, #tpu.memory_space<vmem>>[vector<16xi32>], vector<16xf32>,
    %min3A_185 = arith.minimumf %gather3A_181, %gather3A_182 : vector<16xf32>
    %max3A_186 = arith.maximumf %gather3A_177, %gather3A_178 : vector<16xf32>
    %sub3A_187 = arith.subf %min3A_185, %max3A_186 : vector<16xf32>
    %max3A_188 = arith.constant 0.000000e+00 : f32
    %max3A_189 = vector.broadcast %max3A_188 : f32 to vector<16xf32>
    %max3A_190 = arith.maximumf %sub3A_187, %max3A_189 : vector<16xf32>
    %min3A_191 = arith.minimumf %gather3A_183, %gather3A_184 : vector<16xf32>
    %max3A_192 = arith.maximumf %gather3A_179, %gather3A_180 : vector<16xf32>
    %sub3A_193 = arith.subf %min3A_191, %max3A_192 : vector<16xf32>
    %max3A_194 = arith.constant 0.000000e+00 : f32
    %max3A_195 = vector.broadcast %max3A_194 : f32 to vector<16xf32>
    %max3A_196 = arith.maximumf %sub3A_193, %max3A_195 : vector<16xf32>
    %mul3A_197 = arith.mulf %max3A_190, %max3A_196 : vector<16xf32>
    %gt3A_198 = arith.constant 0.000000e+00 : f32
    %gt3A_199 = vector.broadcast %gt3A_198 : f32 to vector<16xf32>
    %gt3A_200 = arith.cmpf ogt, %mul3A_197, %gt3A_199 : vector<16xf32>
    %gather3A_201 = tpu.vector_load_idx %arg22[%get3A_174] : memref<128xi32, #tpu.memory_space<vmem>>[vector<16xi32>], vector<16xi32>,
    %eq3A_202 = arith.cmpi eq, %get3A_174, %get3A_176 : vector<16xi32>
    %gt3A_203 = arith.constant 0 : i32
    %gt3A_204 = vector.broadcast %gt3A_203 : i32 to vector<16xi32>
    %gt3A_205 = arith.cmpi sgt, %gather3A_201, %gt3A_204 : vector<16xi32>
    %select_n3A_206 = arith.select %eq3A_202, %gt3A_205, %gt3A_200 : vector<16xi1>, vector<16xi1>
    %ge3A_207 = arith.cmpf oge, %div3A_171, %gather3A_172 : vector<16xf32>
    %and3A_208 = arith.andi %ge3A_207, %select_n3A_206 : vector<16xi1>
    %swap3A_209 = arith.constant 32 : index
    %swap3A_210 = tpu.vector_load %arg23[%swap3A_209] {strides = array<i32>} : memref<64xf32, #tpu.memory_space<vmem>>, vector<16xf32>,
    tpu.vector_store %arg23[%swap3A_209], %div3A_171 {strides = array<i32>} : memref<64xf32, #tpu.memory_space<vmem>>, vector<16xf32>,
    %swap3A_211 = arith.constant 32 : index
    %swap3A_212 = tpu.vector_load %arg24[%swap3A_211] {strides = array<i32>} : memref<64xi32, #tpu.memory_space<vmem>>, vector<16xi32>,
    tpu.vector_store %arg24[%swap3A_211], %scan3A_158#1 {strides = array<i32>} : memref<64xi32, #tpu.memory_space<vmem>>, vector<16xi32>,
    %convert_element_type3A_213 = arith.extui %and3A_208 : vector<16xi1> to vector<16xi32>
    %swap3A_214 = arith.constant 32 : index
    %swap3A_215 = tpu.vector_load %arg25[%swap3A_214] {strides = array<i32>} : memref<64xi32, #tpu.memory_space<vmem>>, vector<16xi32>,
    tpu.vector_store %arg25[%swap3A_214], %convert_element_type3A_213 {strides = array<i32>} : memref<64xi32, #tpu.memory_space<vmem>>, vector<16xi32>,
    %add3A_216 = arith.constant 48 : i32
    %add3A_217 = vector.broadcast %add3A_216 : i32 to vector<16xi32>
    %add3A_218 = arith.addi %iota3A, %add3A_217 : vector<16xi32>
    %mul3A_219 = arith.constant 64 : i32
    %mul3A_220 = vector.broadcast %mul3A_219 : i32 to vector<16xi32>
    %mul3A_221 = arith.muli %add3A_218, %mul3A_220 : vector<16xi32>
    %gather3A_222 = tpu.vector_load_idx %arg13[%mul3A_221] : memref<4096xf32, #tpu.memory_space<vmem>>[vector<16xi32>], vector<16xf32>,
    %add3A_223 = arith.constant 1 : i32
    %add3A_224 = vector.broadcast %add3A_223 : i32 to vector<16xi32>
    %add3A_225 = arith.addi %mul3A_221, %add3A_224 : vector<16xi32>
    %gather3A_226 = tpu.vector_load_idx %arg13[%add3A_225] : memref<4096xf32, #tpu.memory_space<vmem>>[vector<16xi32>], vector<16xf32>,
    %broadcast_in_dim3A_227 = arith.constant 1 : i32
    %broadcast_in_dim3A_228 = vector.broadcast %broadcast_in_dim3A_227 : i32 to vector<16xi32>
    %scan3A_229 = arith.constant 2 : i32
    %scan3A_230 = arith.constant 49 : i32
    %scan3A_231 = arith.addi %scan3A_229, %scan3A_230 : i32
    %scan3A_232 = arith.constant 1 : i32
    %scan3A_233:2 = scf.for %scan3A_770 = %scan3A_229 to %scan3A_231 step %scan3A_232 iter_args(%scan3A_771 = %gather3A_226, %scan3A_772 = %broadcast_in_dim3A_228) -> (vector<16xf32>, vector<16xi32>)  : i32 {
      %add3A_773 = vector.broadcast %scan3A_770 : i32 to vector<16xi32>
      %add3A_774 = arith.addi %mul3A_221, %add3A_773 : vector<16xi32>
      %gather3A_775 = tpu.vector_load_idx %arg13[%add3A_774] : memref<4096xf32, #tpu.memory_space<vmem>>[vector<16xi32>], vector<16xf32>,
      %gt3A_776 = arith.cmpf ogt, %gather3A_775, %scan3A_771 : vector<16xf32>
      %select_n3A_777 = arith.select %gt3A_776, %gather3A_775, %scan3A_771 : vector<16xi1>, vector<16xf32>
      %broadcast_in_dim3A_778 = vector.broadcast %scan3A_770 : i32 to vector<16xi32>
      %select_n3A_779 = arith.select %gt3A_776, %broadcast_in_dim3A_778, %scan3A_772 : vector<16xi1>, vector<16xi32>
      scf.yield %select_n3A_777, %select_n3A_779 : vector<16xf32>, vector<16xi32>
    }
    %scan3A_234 = arith.constant 49 : i32
    %max3A_235 = arith.maximumf %gather3A_222, %scan3A_233#0 : vector<16xf32>
    %broadcast_in_dim3A_236 = arith.constant 0.000000e+00 : f32
    %broadcast_in_dim3A_237 = vector.broadcast %broadcast_in_dim3A_236 : f32 to vector<16xf32>
    %scan3A_238 = arith.constant 0 : i32
    %scan3A_239 = arith.constant 51 : i32
    %scan3A_240 = arith.addi %scan3A_238, %scan3A_239 : i32
    %scan3A_241 = arith.constant 1 : i32
    %scan3A_242 = scf.for %scan3A_770 = %scan3A_238 to %scan3A_240 step %scan3A_241 iter_args(%scan3A_771 = %broadcast_in_dim3A_237) -> (vector<16xf32>)  : i32 {
      %add3A_772 = vector.broadcast %scan3A_770 : i32 to vector<16xi32>
      %add3A_773 = arith.addi %mul3A_221, %add3A_772 : vector<16xi32>
      %gather3A_774 = tpu.vector_load_idx %arg13[%add3A_773] : memref<4096xf32, #tpu.memory_space<vmem>>[vector<16xi32>], vector<16xf32>,
      %sub3A_775 = arith.subf %gather3A_774, %max3A_235 : vector<16xf32>
      %exp3A_776 = math.exp %sub3A_775 : vector<16xf32>
      %add3A_777 = arith.addf %scan3A_771, %exp3A_776 : vector<16xf32>
      scf.yield %add3A_777 : vector<16xf32>
    }
    %scan3A_243 = arith.constant 51 : i32
    %sub3A_244 = arith.subf %scan3A_233#0, %max3A_235 : vector<16xf32>
    %exp3A_245 = math.exp %sub3A_244 : vector<16xf32>
    %div3A_246 = arith.divf %exp3A_245, %scan3A_242 : vector<16xf32>
    %gather3A_247 = tpu.vector_load_idx %arg20[%scan3A_233#1] : memref<64xf32, #tpu.memory_space<vmem>>[vector<16xi32>], vector<16xf32>,
    %get3A_248 = arith.constant 48 : index
    %get3A_249 = tpu.vector_load %arg14[%get3A_248] {strides = array<i32>} : memref<64xi32, #tpu.memory_space<vmem>>, vector<16xi32>,
    %get3A_250 = arith.constant 48 : index
    %get3A_251 = tpu.vector_load %arg15[%get3A_250] {strides = array<i32>} : memref<64xi32, #tpu.memory_space<vmem>>, vector<16xi32>,
    %gather3A_252 = tpu.vector_load_idx %arg16[%get3A_249] : memref<128xf32, #tpu.memory_space<vmem>>[vector<16xi32>], vector<16xf32>,
    %gather3A_253 = tpu.vector_load_idx %arg16[%get3A_251] : memref<128xf32, #tpu.memory_space<vmem>>[vector<16xi32>], vector<16xf32>,
    %gather3A_254 = tpu.vector_load_idx %arg17[%get3A_249] : memref<128xf32, #tpu.memory_space<vmem>>[vector<16xi32>], vector<16xf32>,
    %gather3A_255 = tpu.vector_load_idx %arg17[%get3A_251] : memref<128xf32, #tpu.memory_space<vmem>>[vector<16xi32>], vector<16xf32>,
    %gather3A_256 = tpu.vector_load_idx %arg18[%get3A_249] : memref<128xf32, #tpu.memory_space<vmem>>[vector<16xi32>], vector<16xf32>,
    %gather3A_257 = tpu.vector_load_idx %arg18[%get3A_251] : memref<128xf32, #tpu.memory_space<vmem>>[vector<16xi32>], vector<16xf32>,
    %gather3A_258 = tpu.vector_load_idx %arg19[%get3A_249] : memref<128xf32, #tpu.memory_space<vmem>>[vector<16xi32>], vector<16xf32>,
    %gather3A_259 = tpu.vector_load_idx %arg19[%get3A_251] : memref<128xf32, #tpu.memory_space<vmem>>[vector<16xi32>], vector<16xf32>,
    %min3A_260 = arith.minimumf %gather3A_256, %gather3A_257 : vector<16xf32>
    %max3A_261 = arith.maximumf %gather3A_252, %gather3A_253 : vector<16xf32>
    %sub3A_262 = arith.subf %min3A_260, %max3A_261 : vector<16xf32>
    %max3A_263 = arith.constant 0.000000e+00 : f32
    %max3A_264 = vector.broadcast %max3A_263 : f32 to vector<16xf32>
    %max3A_265 = arith.maximumf %sub3A_262, %max3A_264 : vector<16xf32>
    %min3A_266 = arith.minimumf %gather3A_258, %gather3A_259 : vector<16xf32>
    %max3A_267 = arith.maximumf %gather3A_254, %gather3A_255 : vector<16xf32>
    %sub3A_268 = arith.subf %min3A_266, %max3A_267 : vector<16xf32>
    %max3A_269 = arith.constant 0.000000e+00 : f32
    %max3A_270 = vector.broadcast %max3A_269 : f32 to vector<16xf32>
    %max3A_271 = arith.maximumf %sub3A_268, %max3A_270 : vector<16xf32>
    %mul3A_272 = arith.mulf %max3A_265, %max3A_271 : vector<16xf32>
    %gt3A_273 = arith.constant 0.000000e+00 : f32
    %gt3A_274 = vector.broadcast %gt3A_273 : f32 to vector<16xf32>
    %gt3A_275 = arith.cmpf ogt, %mul3A_272, %gt3A_274 : vector<16xf32>
    %gather3A_276 = tpu.vector_load_idx %arg22[%get3A_249] : memref<128xi32, #tpu.memory_space<vmem>>[vector<16xi32>], vector<16xi32>,
    %eq3A_277 = arith.cmpi eq, %get3A_249, %get3A_251 : vector<16xi32>
    %gt3A_278 = arith.constant 0 : i32
    %gt3A_279 = vector.broadcast %gt3A_278 : i32 to vector<16xi32>
    %gt3A_280 = arith.cmpi sgt, %gather3A_276, %gt3A_279 : vector<16xi32>
    %select_n3A_281 = arith.select %eq3A_277, %gt3A_280, %gt3A_275 : vector<16xi1>, vector<16xi1>
    %ge3A_282 = arith.cmpf oge, %div3A_246, %gather3A_247 : vector<16xf32>
    %and3A_283 = arith.andi %ge3A_282, %select_n3A_281 : vector<16xi1>
    %swap3A_284 = arith.constant 48 : index
    %swap3A_285 = tpu.vector_load %arg23[%swap3A_284] {strides = array<i32>} : memref<64xf32, #tpu.memory_space<vmem>>, vector<16xf32>,
    tpu.vector_store %arg23[%swap3A_284], %div3A_246 {strides = array<i32>} : memref<64xf32, #tpu.memory_space<vmem>>, vector<16xf32>,
    %swap3A_286 = arith.constant 48 : index
    %swap3A_287 = tpu.vector_load %arg24[%swap3A_286] {strides = array<i32>} : memref<64xi32, #tpu.memory_space<vmem>>, vector<16xi32>,
    tpu.vector_store %arg24[%swap3A_286], %scan3A_233#1 {strides = array<i32>} : memref<64xi32, #tpu.memory_space<vmem>>, vector<16xi32>,
    %convert_element_type3A_288 = arith.extui %and3A_283 : vector<16xi1> to vector<16xi32>
    %swap3A_289 = arith.constant 48 : index
    %swap3A_290 = tpu.vector_load %arg25[%swap3A_289] {strides = array<i32>} : memref<64xi32, #tpu.memory_space<vmem>>, vector<16xi32>,
    tpu.vector_store %arg25[%swap3A_289], %convert_element_type3A_288 {strides = array<i32>} : memref<64xi32, #tpu.memory_space<vmem>>, vector<16xi32>,
    %mul3A_291 = arith.constant 64 : i32
    %mul3A_292 = arith.muli %arg1, %mul3A_291 : i32
    "tpu.region"() ({
      %run_scoped3A = tpu.sem_alloc : memref<!tpu.dma_semaphore, #tpu.memory_space<semaphore_mem>>
      %dma_start3A = tpu.memref_slice %arg37[%mul3A_292] : memref<1024xf32, #tpu.memory_space<vmem_shared>> -> memref<64xf32, #tpu.memory_space<vmem_shared>>
      %dma_start3A_770 = tpu.memref_slice %arg37[%mul3A_292] : memref<1024xf32, #tpu.memory_space<vmem_shared>> -> memref<64xf32, #tpu.memory_space<vmem_shared>>
      tpu.enqueue_dma source(%arg23 : memref<64xf32, #tpu.memory_space<vmem>>) target(%dma_start3A_770 : memref<64xf32, #tpu.memory_space<vmem_shared>>) target_semaphore(%run_scoped3A : memref<!tpu.dma_semaphore, #tpu.memory_space<semaphore_mem>>)
      %dma_wait3A = tpu.memref_slice %arg37[%mul3A_292] : memref<1024xf32, #tpu.memory_space<vmem_shared>> -> memref<64xf32, #tpu.memory_space<vmem_shared>>
      %dma_wait3A_771 = tpu.memref_slice %arg37[%mul3A_292] : memref<1024xf32, #tpu.memory_space<vmem_shared>> -> memref<64xf32, #tpu.memory_space<vmem_shared>>
      tpu.wait_dma2 semaphore(%run_scoped3A : memref<!tpu.dma_semaphore, #tpu.memory_space<semaphore_mem>>) src(%arg23 : memref<64xf32, #tpu.memory_space<vmem>>) dst(%dma_wait3A_771 : memref<64xf32, #tpu.memory_space<vmem_shared>>)
      tpu.yield
    }) : () -> ()
    %mul3A_293 = arith.constant 64 : i32
    %mul3A_294 = arith.muli %arg1, %mul3A_293 : i32
    "tpu.region"() ({
      %run_scoped3A = tpu.sem_alloc : memref<!tpu.dma_semaphore, #tpu.memory_space<semaphore_mem>>
      %dma_start3A = tpu.memref_slice %arg38[%mul3A_294] : memref<1024xi32, #tpu.memory_space<vmem_shared>> -> memref<64xi32, #tpu.memory_space<vmem_shared>>
      %dma_start3A_770 = tpu.memref_slice %arg38[%mul3A_294] : memref<1024xi32, #tpu.memory_space<vmem_shared>> -> memref<64xi32, #tpu.memory_space<vmem_shared>>
      tpu.enqueue_dma source(%arg24 : memref<64xi32, #tpu.memory_space<vmem>>) target(%dma_start3A_770 : memref<64xi32, #tpu.memory_space<vmem_shared>>) target_semaphore(%run_scoped3A : memref<!tpu.dma_semaphore, #tpu.memory_space<semaphore_mem>>)
      %dma_wait3A = tpu.memref_slice %arg38[%mul3A_294] : memref<1024xi32, #tpu.memory_space<vmem_shared>> -> memref<64xi32, #tpu.memory_space<vmem_shared>>
      %dma_wait3A_771 = tpu.memref_slice %arg38[%mul3A_294] : memref<1024xi32, #tpu.memory_space<vmem_shared>> -> memref<64xi32, #tpu.memory_space<vmem_shared>>
      tpu.wait_dma2 semaphore(%run_scoped3A : memref<!tpu.dma_semaphore, #tpu.memory_space<semaphore_mem>>) src(%arg24 : memref<64xi32, #tpu.memory_space<vmem>>) dst(%dma_wait3A_771 : memref<64xi32, #tpu.memory_space<vmem_shared>>)
      tpu.yield
    }) : () -> ()
    %mul3A_295 = arith.constant 64 : i32
    %mul3A_296 = arith.muli %arg1, %mul3A_295 : i32
    "tpu.region"() ({
      %run_scoped3A = tpu.sem_alloc : memref<!tpu.dma_semaphore, #tpu.memory_space<semaphore_mem>>
      %dma_start3A = tpu.memref_slice %arg39[%mul3A_296] : memref<1024xi32, #tpu.memory_space<vmem_shared>> -> memref<64xi32, #tpu.memory_space<vmem_shared>>
      %dma_start3A_770 = tpu.memref_slice %arg39[%mul3A_296] : memref<1024xi32, #tpu.memory_space<vmem_shared>> -> memref<64xi32, #tpu.memory_space<vmem_shared>>
      tpu.enqueue_dma source(%arg25 : memref<64xi32, #tpu.memory_space<vmem>>) target(%dma_start3A_770 : memref<64xi32, #tpu.memory_space<vmem_shared>>) target_semaphore(%run_scoped3A : memref<!tpu.dma_semaphore, #tpu.memory_space<semaphore_mem>>)
      %dma_wait3A = tpu.memref_slice %arg39[%mul3A_296] : memref<1024xi32, #tpu.memory_space<vmem_shared>> -> memref<64xi32, #tpu.memory_space<vmem_shared>>
      %dma_wait3A_771 = tpu.memref_slice %arg39[%mul3A_296] : memref<1024xi32, #tpu.memory_space<vmem_shared>> -> memref<64xi32, #tpu.memory_space<vmem_shared>>
      tpu.wait_dma2 semaphore(%run_scoped3A : memref<!tpu.dma_semaphore, #tpu.memory_space<semaphore_mem>>) src(%arg25 : memref<64xi32, #tpu.memory_space<vmem>>) dst(%dma_wait3A_771 : memref<64xi32, #tpu.memory_space<vmem_shared>>)
      tpu.yield
    }) : () -> ()
    %barrier3A_297 = arith.constant 0 : index
    tpu.barrier barrier_id(%barrier3A_297)
    "tpu.region"() ({
      %run_scoped3A = tpu.sem_alloc : memref<!tpu.dma_semaphore, #tpu.memory_space<semaphore_mem>>
      tpu.enqueue_dma source(%arg37 : memref<1024xf32, #tpu.memory_space<vmem_shared>>) target(%arg26 : memref<1024xf32, #tpu.memory_space<vmem>>) target_semaphore(%run_scoped3A : memref<!tpu.dma_semaphore, #tpu.memory_space<semaphore_mem>>)
      tpu.wait_dma2 semaphore(%run_scoped3A : memref<!tpu.dma_semaphore, #tpu.memory_space<semaphore_mem>>) src(%arg37 : memref<1024xf32, #tpu.memory_space<vmem_shared>>) dst(%arg26 : memref<1024xf32, #tpu.memory_space<vmem>>)
      tpu.yield
    }) : () -> ()
    "tpu.region"() ({
      %run_scoped3A = tpu.sem_alloc : memref<!tpu.dma_semaphore, #tpu.memory_space<semaphore_mem>>
      tpu.enqueue_dma source(%arg38 : memref<1024xi32, #tpu.memory_space<vmem_shared>>) target(%arg27 : memref<1024xi32, #tpu.memory_space<vmem>>) target_semaphore(%run_scoped3A : memref<!tpu.dma_semaphore, #tpu.memory_space<semaphore_mem>>)
      tpu.wait_dma2 semaphore(%run_scoped3A : memref<!tpu.dma_semaphore, #tpu.memory_space<semaphore_mem>>) src(%arg38 : memref<1024xi32, #tpu.memory_space<vmem_shared>>) dst(%arg27 : memref<1024xi32, #tpu.memory_space<vmem>>)
      tpu.yield
    }) : () -> ()
    "tpu.region"() ({
      %run_scoped3A = tpu.sem_alloc : memref<!tpu.dma_semaphore, #tpu.memory_space<semaphore_mem>>
      tpu.enqueue_dma source(%arg39 : memref<1024xi32, #tpu.memory_space<vmem_shared>>) target(%arg28 : memref<1024xi32, #tpu.memory_space<vmem>>) target_semaphore(%run_scoped3A : memref<!tpu.dma_semaphore, #tpu.memory_space<semaphore_mem>>)
      tpu.wait_dma2 semaphore(%run_scoped3A : memref<!tpu.dma_semaphore, #tpu.memory_space<semaphore_mem>>) src(%arg39 : memref<1024xi32, #tpu.memory_space<vmem_shared>>) dst(%arg28 : memref<1024xi32, #tpu.memory_space<vmem>>)
      tpu.yield
    }) : () -> ()
    %broadcast_in_dim3A_298 = arith.constant -1.000000e+00 : f32
    %broadcast_in_dim3A_299 = vector.broadcast %broadcast_in_dim3A_298 : f32 to vector<16xf32>
    %broadcast_in_dim3A_300 = arith.constant 1073741824 : i32
    %broadcast_in_dim3A_301 = vector.broadcast %broadcast_in_dim3A_300 : i32 to vector<16xi32>
    %mul3A_302 = arith.constant 4 : i32
    %mul3A_303 = arith.muli %arg1, %mul3A_302 : i32
    %add3A_304 = arith.constant 0 : i32
    %add3A_305 = arith.addi %mul3A_303, %add3A_304 : i32
    %broadcast_in_dim3A_306 = arith.constant -1.000000e+00 : f32
    %broadcast_in_dim3A_307 = vector.broadcast %broadcast_in_dim3A_306 : f32 to vector<16xf32>
    %broadcast_in_dim3A_308 = arith.constant 1073741824 : i32
    %broadcast_in_dim3A_309 = vector.broadcast %broadcast_in_dim3A_308 : i32 to vector<16xi32>
    %scan3A_310 = arith.constant 0 : i32
    %scan3A_311 = arith.constant 64 : i32
    %scan3A_312 = arith.addi %scan3A_310, %scan3A_311 : i32
    %scan3A_313 = arith.constant 1 : i32
    %scan3A_314:2 = scf.for %scan3A_770 = %scan3A_310 to %scan3A_312 step %scan3A_313 iter_args(%scan3A_771 = %broadcast_in_dim3A_307, %scan3A_772 = %broadcast_in_dim3A_309) -> (vector<16xf32>, vector<16xi32>)  : i32 {
      %mul3A_773 = arith.constant 16 : i32
      %mul3A_774 = arith.muli %scan3A_770, %mul3A_773 : i32
      %get3A_775 = arith.index_cast %mul3A_774 : i32 to index
      %get3A_776 = tpu.vector_load %arg26[%get3A_775] {strides = array<i32>} : memref<1024xf32, #tpu.memory_space<vmem>>, vector<16xf32>,
      %mul3A_777 = arith.constant 16 : i32
      %mul3A_778 = arith.muli %scan3A_770, %mul3A_777 : i32
      %get3A_779 = arith.index_cast %mul3A_778 : i32 to index
      %get3A_780 = tpu.vector_load %arg27[%get3A_779] {strides = array<i32>} : memref<1024xi32, #tpu.memory_space<vmem>>, vector<16xi32>,
      %mul3A_781 = arith.constant 16 : i32
      %mul3A_782 = arith.muli %scan3A_770, %mul3A_781 : i32
      %get3A_783 = arith.index_cast %mul3A_782 : i32 to index
      %get3A_784 = tpu.vector_load %arg28[%get3A_783] {strides = array<i32>} : memref<1024xi32, #tpu.memory_space<vmem>>, vector<16xi32>,
      %mul3A_785 = arith.constant 16 : i32
      %mul3A_786 = arith.muli %scan3A_770, %mul3A_785 : i32
      %add3A_787 = vector.broadcast %mul3A_786 : i32 to vector<16xi32>
      %add3A_788 = arith.addi %iota3A, %add3A_787 : vector<16xi32>
      %ne3A_789 = arith.constant 0 : i32
      %ne3A_790 = vector.broadcast %ne3A_789 : i32 to vector<16xi32>
      %ne3A_791 = arith.cmpi ne, %get3A_784, %ne3A_790 : vector<16xi32>
      %eq3A_792 = vector.broadcast %add3A_305 : i32 to vector<16xi32>
      %eq3A_793 = arith.cmpi eq, %get3A_780, %eq3A_792 : vector<16xi32>
      %and3A_794 = arith.andi %ne3A_791, %eq3A_793 : vector<16xi1>
      %ne3A_795 = arith.constant 1073741824 : i32
      %ne3A_796 = vector.broadcast %ne3A_795 : i32 to vector<16xi32>
      %ne3A_797 = arith.cmpi ne, %add3A_788, %ne3A_796 : vector<16xi32>
      %and3A_798 = arith.andi %and3A_794, %ne3A_797 : vector<16xi1>
      %ne3A_799 = arith.constant 1073741824 : i32
      %ne3A_800 = vector.broadcast %ne3A_799 : i32 to vector<16xi32>
      %ne3A_801 = arith.cmpi ne, %add3A_788, %ne3A_800 : vector<16xi32>
      %and3A_802 = arith.andi %and3A_798, %ne3A_801 : vector<16xi1>
      %gt3A_803 = arith.cmpf ogt, %get3A_776, %scan3A_771 : vector<16xf32>
      %eq3A_804 = arith.cmpf oeq, %get3A_776, %scan3A_771 : vector<16xf32>
      %lt3A_805 = arith.cmpi slt, %add3A_788, %scan3A_772 : vector<16xi32>
      %and3A_806 = arith.andi %eq3A_804, %lt3A_805 : vector<16xi1>
      %or3A_807 = arith.ori %gt3A_803, %and3A_806 : vector<16xi1>
      %and3A_808 = arith.andi %and3A_802, %or3A_807 : vector<16xi1>
      %select_n3A_809 = arith.select %and3A_808, %get3A_776, %scan3A_771 : vector<16xi1>, vector<16xf32>
      %select_n3A_810 = arith.select %and3A_808, %add3A_788, %scan3A_772 : vector<16xi1>, vector<16xi32>
      scf.yield %select_n3A_809, %select_n3A_810 : vector<16xf32>, vector<16xi32>
    }
    %scan3A_315 = arith.constant 64 : i32
    %reduce_max3A = arith.constant true
    %reduce_max3A_316 = vector.broadcast %reduce_max3A : i1 to vector<16xi1>
    %reduce_max3A_317 = tpu.scan <max>, %scan3A_314#0 masked %reduce_max3A_316 : vector<16xf32>, vector<16xi1> -> vector<16xf32>
    %reduce_max3A_318 = vector.extract %reduce_max3A_317[15] : f32 from vector<16xf32>
    %eq3A_319 = vector.broadcast %reduce_max3A_318 : f32 to vector<16xf32>
    %eq3A_320 = arith.cmpf oeq, %scan3A_314#0, %eq3A_319 : vector<16xf32>
    %jit3A = arith.constant 1073741824 : i32
    %broadcast_in_dim3A_321 = vector.broadcast %jit3A : i32 to vector<16xi32>
    %select_n3A_322 = arith.select %eq3A_320, %scan3A_314#1, %broadcast_in_dim3A_321 : vector<16xi1>, vector<16xi32>
    %reduce_min3A = arith.constant true
    %reduce_min3A_323 = vector.broadcast %reduce_min3A : i1 to vector<16xi1>
    %reduce_min3A_324 = arith.constant -2147483648 : i32
    %reduce_min3A_325 = vector.broadcast %reduce_min3A_324 : i32 to vector<16xi32>
    %reduce_min3A_326 = arith.xori %select_n3A_322, %reduce_min3A_325 : vector<16xi32>
    %reduce_min3A_327 = tpu.scan <min>, %reduce_min3A_326 masked %reduce_min3A_323 : vector<16xi32>, vector<16xi1> -> vector<16xi32>
    %reduce_min3A_328 = arith.xori %reduce_min3A_327, %reduce_min3A_325 : vector<16xi32>
    %reduce_min3A_329 = vector.extract %reduce_min3A_328[15] : i32 from vector<16xi32>
    %broadcast_in_dim3A_330 = arith.constant -1.000000e+00 : f32
    %broadcast_in_dim3A_331 = vector.broadcast %broadcast_in_dim3A_330 : f32 to vector<16xf32>
    %broadcast_in_dim3A_332 = arith.constant 1073741824 : i32
    %broadcast_in_dim3A_333 = vector.broadcast %broadcast_in_dim3A_332 : i32 to vector<16xi32>
    %scan3A_334 = arith.constant 0 : i32
    %scan3A_335 = arith.constant 64 : i32
    %scan3A_336 = arith.addi %scan3A_334, %scan3A_335 : i32
    %scan3A_337 = arith.constant 1 : i32
    %scan3A_338:2 = scf.for %scan3A_770 = %scan3A_334 to %scan3A_336 step %scan3A_337 iter_args(%scan3A_771 = %broadcast_in_dim3A_331, %scan3A_772 = %broadcast_in_dim3A_333) -> (vector<16xf32>, vector<16xi32>)  : i32 {
      %mul3A_773 = arith.constant 16 : i32
      %mul3A_774 = arith.muli %scan3A_770, %mul3A_773 : i32
      %get3A_775 = arith.index_cast %mul3A_774 : i32 to index
      %get3A_776 = tpu.vector_load %arg26[%get3A_775] {strides = array<i32>} : memref<1024xf32, #tpu.memory_space<vmem>>, vector<16xf32>,
      %mul3A_777 = arith.constant 16 : i32
      %mul3A_778 = arith.muli %scan3A_770, %mul3A_777 : i32
      %get3A_779 = arith.index_cast %mul3A_778 : i32 to index
      %get3A_780 = tpu.vector_load %arg27[%get3A_779] {strides = array<i32>} : memref<1024xi32, #tpu.memory_space<vmem>>, vector<16xi32>,
      %mul3A_781 = arith.constant 16 : i32
      %mul3A_782 = arith.muli %scan3A_770, %mul3A_781 : i32
      %get3A_783 = arith.index_cast %mul3A_782 : i32 to index
      %get3A_784 = tpu.vector_load %arg28[%get3A_783] {strides = array<i32>} : memref<1024xi32, #tpu.memory_space<vmem>>, vector<16xi32>,
      %mul3A_785 = arith.constant 16 : i32
      %mul3A_786 = arith.muli %scan3A_770, %mul3A_785 : i32
      %add3A_787 = vector.broadcast %mul3A_786 : i32 to vector<16xi32>
      %add3A_788 = arith.addi %iota3A, %add3A_787 : vector<16xi32>
      %ne3A_789 = arith.constant 0 : i32
      %ne3A_790 = vector.broadcast %ne3A_789 : i32 to vector<16xi32>
      %ne3A_791 = arith.cmpi ne, %get3A_784, %ne3A_790 : vector<16xi32>
      %eq3A_792 = vector.broadcast %add3A_305 : i32 to vector<16xi32>
      %eq3A_793 = arith.cmpi eq, %get3A_780, %eq3A_792 : vector<16xi32>
      %and3A_794 = arith.andi %ne3A_791, %eq3A_793 : vector<16xi1>
      %ne3A_795 = vector.broadcast %reduce_min3A_329 : i32 to vector<16xi32>
      %ne3A_796 = arith.cmpi ne, %add3A_788, %ne3A_795 : vector<16xi32>
      %and3A_797 = arith.andi %and3A_794, %ne3A_796 : vector<16xi1>
      %ne3A_798 = arith.constant 1073741824 : i32
      %ne3A_799 = vector.broadcast %ne3A_798 : i32 to vector<16xi32>
      %ne3A_800 = arith.cmpi ne, %add3A_788, %ne3A_799 : vector<16xi32>
      %and3A_801 = arith.andi %and3A_797, %ne3A_800 : vector<16xi1>
      %gt3A_802 = arith.cmpf ogt, %get3A_776, %scan3A_771 : vector<16xf32>
      %eq3A_803 = arith.cmpf oeq, %get3A_776, %scan3A_771 : vector<16xf32>
      %lt3A_804 = arith.cmpi slt, %add3A_788, %scan3A_772 : vector<16xi32>
      %and3A_805 = arith.andi %eq3A_803, %lt3A_804 : vector<16xi1>
      %or3A_806 = arith.ori %gt3A_802, %and3A_805 : vector<16xi1>
      %and3A_807 = arith.andi %and3A_801, %or3A_806 : vector<16xi1>
      %select_n3A_808 = arith.select %and3A_807, %get3A_776, %scan3A_771 : vector<16xi1>, vector<16xf32>
      %select_n3A_809 = arith.select %and3A_807, %add3A_788, %scan3A_772 : vector<16xi1>, vector<16xi32>
      scf.yield %select_n3A_808, %select_n3A_809 : vector<16xf32>, vector<16xi32>
    }
    %scan3A_339 = arith.constant 64 : i32
    %reduce_max3A_340 = arith.constant true
    %reduce_max3A_341 = vector.broadcast %reduce_max3A_340 : i1 to vector<16xi1>
    %reduce_max3A_342 = tpu.scan <max>, %scan3A_338#0 masked %reduce_max3A_341 : vector<16xf32>, vector<16xi1> -> vector<16xf32>
    %reduce_max3A_343 = vector.extract %reduce_max3A_342[15] : f32 from vector<16xf32>
    %eq3A_344 = vector.broadcast %reduce_max3A_343 : f32 to vector<16xf32>
    %eq3A_345 = arith.cmpf oeq, %scan3A_338#0, %eq3A_344 : vector<16xf32>
    %jit3A_346 = arith.constant 1073741824 : i32
    %broadcast_in_dim3A_347 = vector.broadcast %jit3A_346 : i32 to vector<16xi32>
    %select_n3A_348 = arith.select %eq3A_345, %scan3A_338#1, %broadcast_in_dim3A_347 : vector<16xi1>, vector<16xi32>
    %reduce_min3A_349 = arith.constant true
    %reduce_min3A_350 = vector.broadcast %reduce_min3A_349 : i1 to vector<16xi1>
    %reduce_min3A_351 = arith.constant -2147483648 : i32
    %reduce_min3A_352 = vector.broadcast %reduce_min3A_351 : i32 to vector<16xi32>
    %reduce_min3A_353 = arith.xori %select_n3A_348, %reduce_min3A_352 : vector<16xi32>
    %reduce_min3A_354 = tpu.scan <min>, %reduce_min3A_353 masked %reduce_min3A_350 : vector<16xi32>, vector<16xi1> -> vector<16xi32>
    %reduce_min3A_355 = arith.xori %reduce_min3A_354, %reduce_min3A_352 : vector<16xi32>
    %reduce_min3A_356 = vector.extract %reduce_min3A_355[15] : i32 from vector<16xi32>
    %broadcast_in_dim3A_357 = arith.constant -1.000000e+00 : f32
    %broadcast_in_dim3A_358 = vector.broadcast %broadcast_in_dim3A_357 : f32 to vector<16xf32>
    %broadcast_in_dim3A_359 = arith.constant 1073741824 : i32
    %broadcast_in_dim3A_360 = vector.broadcast %broadcast_in_dim3A_359 : i32 to vector<16xi32>
    %scan3A_361 = arith.constant 0 : i32
    %scan3A_362 = arith.constant 64 : i32
    %scan3A_363 = arith.addi %scan3A_361, %scan3A_362 : i32
    %scan3A_364 = arith.constant 1 : i32
    %scan3A_365:2 = scf.for %scan3A_770 = %scan3A_361 to %scan3A_363 step %scan3A_364 iter_args(%scan3A_771 = %broadcast_in_dim3A_358, %scan3A_772 = %broadcast_in_dim3A_360) -> (vector<16xf32>, vector<16xi32>)  : i32 {
      %mul3A_773 = arith.constant 16 : i32
      %mul3A_774 = arith.muli %scan3A_770, %mul3A_773 : i32
      %get3A_775 = arith.index_cast %mul3A_774 : i32 to index
      %get3A_776 = tpu.vector_load %arg26[%get3A_775] {strides = array<i32>} : memref<1024xf32, #tpu.memory_space<vmem>>, vector<16xf32>,
      %mul3A_777 = arith.constant 16 : i32
      %mul3A_778 = arith.muli %scan3A_770, %mul3A_777 : i32
      %get3A_779 = arith.index_cast %mul3A_778 : i32 to index
      %get3A_780 = tpu.vector_load %arg27[%get3A_779] {strides = array<i32>} : memref<1024xi32, #tpu.memory_space<vmem>>, vector<16xi32>,
      %mul3A_781 = arith.constant 16 : i32
      %mul3A_782 = arith.muli %scan3A_770, %mul3A_781 : i32
      %get3A_783 = arith.index_cast %mul3A_782 : i32 to index
      %get3A_784 = tpu.vector_load %arg28[%get3A_783] {strides = array<i32>} : memref<1024xi32, #tpu.memory_space<vmem>>, vector<16xi32>,
      %mul3A_785 = arith.constant 16 : i32
      %mul3A_786 = arith.muli %scan3A_770, %mul3A_785 : i32
      %add3A_787 = vector.broadcast %mul3A_786 : i32 to vector<16xi32>
      %add3A_788 = arith.addi %iota3A, %add3A_787 : vector<16xi32>
      %ne3A_789 = arith.constant 0 : i32
      %ne3A_790 = vector.broadcast %ne3A_789 : i32 to vector<16xi32>
      %ne3A_791 = arith.cmpi ne, %get3A_784, %ne3A_790 : vector<16xi32>
      %eq3A_792 = vector.broadcast %add3A_305 : i32 to vector<16xi32>
      %eq3A_793 = arith.cmpi eq, %get3A_780, %eq3A_792 : vector<16xi32>
      %and3A_794 = arith.andi %ne3A_791, %eq3A_793 : vector<16xi1>
      %ne3A_795 = vector.broadcast %reduce_min3A_329 : i32 to vector<16xi32>
      %ne3A_796 = arith.cmpi ne, %add3A_788, %ne3A_795 : vector<16xi32>
      %and3A_797 = arith.andi %and3A_794, %ne3A_796 : vector<16xi1>
      %ne3A_798 = vector.broadcast %reduce_min3A_356 : i32 to vector<16xi32>
      %ne3A_799 = arith.cmpi ne, %add3A_788, %ne3A_798 : vector<16xi32>
      %and3A_800 = arith.andi %and3A_797, %ne3A_799 : vector<16xi1>
      %gt3A_801 = arith.cmpf ogt, %get3A_776, %scan3A_771 : vector<16xf32>
      %eq3A_802 = arith.cmpf oeq, %get3A_776, %scan3A_771 : vector<16xf32>
      %lt3A_803 = arith.cmpi slt, %add3A_788, %scan3A_772 : vector<16xi32>
      %and3A_804 = arith.andi %eq3A_802, %lt3A_803 : vector<16xi1>
      %or3A_805 = arith.ori %gt3A_801, %and3A_804 : vector<16xi1>
      %and3A_806 = arith.andi %and3A_800, %or3A_805 : vector<16xi1>
      %select_n3A_807 = arith.select %and3A_806, %get3A_776, %scan3A_771 : vector<16xi1>, vector<16xf32>
      %select_n3A_808 = arith.select %and3A_806, %add3A_788, %scan3A_772 : vector<16xi1>, vector<16xi32>
      scf.yield %select_n3A_807, %select_n3A_808 : vector<16xf32>, vector<16xi32>
    }
    %scan3A_366 = arith.constant 64 : i32
    %reduce_max3A_367 = arith.constant true
    %reduce_max3A_368 = vector.broadcast %reduce_max3A_367 : i1 to vector<16xi1>
    %reduce_max3A_369 = tpu.scan <max>, %scan3A_365#0 masked %reduce_max3A_368 : vector<16xf32>, vector<16xi1> -> vector<16xf32>
    %reduce_max3A_370 = vector.extract %reduce_max3A_369[15] : f32 from vector<16xf32>
    %eq3A_371 = vector.broadcast %reduce_max3A_370 : f32 to vector<16xf32>
    %eq3A_372 = arith.cmpf oeq, %scan3A_365#0, %eq3A_371 : vector<16xf32>
    %jit3A_373 = arith.constant 1073741824 : i32
    %broadcast_in_dim3A_374 = vector.broadcast %jit3A_373 : i32 to vector<16xi32>
    %select_n3A_375 = arith.select %eq3A_372, %scan3A_365#1, %broadcast_in_dim3A_374 : vector<16xi1>, vector<16xi32>
    %reduce_min3A_376 = arith.constant true
    %reduce_min3A_377 = vector.broadcast %reduce_min3A_376 : i1 to vector<16xi1>
    %reduce_min3A_378 = arith.constant -2147483648 : i32
    %reduce_min3A_379 = vector.broadcast %reduce_min3A_378 : i32 to vector<16xi32>
    %reduce_min3A_380 = arith.xori %select_n3A_375, %reduce_min3A_379 : vector<16xi32>
    %reduce_min3A_381 = tpu.scan <min>, %reduce_min3A_380 masked %reduce_min3A_377 : vector<16xi32>, vector<16xi1> -> vector<16xi32>
    %reduce_min3A_382 = arith.xori %reduce_min3A_381, %reduce_min3A_379 : vector<16xi32>
    %reduce_min3A_383 = vector.extract %reduce_min3A_382[15] : i32 from vector<16xi32>
    %eq3A_384 = arith.constant 0 : i32
    %eq3A_385 = vector.broadcast %eq3A_384 : i32 to vector<16xi32>
    %eq3A_386 = arith.cmpi eq, %iota3A, %eq3A_385 : vector<16xi32>
    %broadcast_in_dim3A_387 = vector.broadcast %reduce_max3A_370 : f32 to vector<16xf32>
    %select_n3A_388 = arith.select %eq3A_386, %broadcast_in_dim3A_387, %broadcast_in_dim3A_299 : vector<16xi1>, vector<16xf32>
    %eq3A_389 = arith.constant 0 : i32
    %eq3A_390 = vector.broadcast %eq3A_389 : i32 to vector<16xi32>
    %eq3A_391 = arith.cmpi eq, %iota3A, %eq3A_390 : vector<16xi32>
    %broadcast_in_dim3A_392 = vector.broadcast %reduce_min3A_383 : i32 to vector<16xi32>
    %select_n3A_393 = arith.select %eq3A_391, %broadcast_in_dim3A_392, %broadcast_in_dim3A_301 : vector<16xi1>, vector<16xi32>
    %mul3A_394 = arith.constant 4 : i32
    %mul3A_395 = arith.muli %arg1, %mul3A_394 : i32
    %add3A_396 = arith.constant 1 : i32
    %add3A_397 = arith.addi %mul3A_395, %add3A_396 : i32
    %broadcast_in_dim3A_398 = arith.constant -1.000000e+00 : f32
    %broadcast_in_dim3A_399 = vector.broadcast %broadcast_in_dim3A_398 : f32 to vector<16xf32>
    %broadcast_in_dim3A_400 = arith.constant 1073741824 : i32
    %broadcast_in_dim3A_401 = vector.broadcast %broadcast_in_dim3A_400 : i32 to vector<16xi32>
    %scan3A_402 = arith.constant 0 : i32
    %scan3A_403 = arith.constant 64 : i32
    %scan3A_404 = arith.addi %scan3A_402, %scan3A_403 : i32
    %scan3A_405 = arith.constant 1 : i32
    %scan3A_406:2 = scf.for %scan3A_770 = %scan3A_402 to %scan3A_404 step %scan3A_405 iter_args(%scan3A_771 = %broadcast_in_dim3A_399, %scan3A_772 = %broadcast_in_dim3A_401) -> (vector<16xf32>, vector<16xi32>)  : i32 {
      %mul3A_773 = arith.constant 16 : i32
      %mul3A_774 = arith.muli %scan3A_770, %mul3A_773 : i32
      %get3A_775 = arith.index_cast %mul3A_774 : i32 to index
      %get3A_776 = tpu.vector_load %arg26[%get3A_775] {strides = array<i32>} : memref<1024xf32, #tpu.memory_space<vmem>>, vector<16xf32>,
      %mul3A_777 = arith.constant 16 : i32
      %mul3A_778 = arith.muli %scan3A_770, %mul3A_777 : i32
      %get3A_779 = arith.index_cast %mul3A_778 : i32 to index
      %get3A_780 = tpu.vector_load %arg27[%get3A_779] {strides = array<i32>} : memref<1024xi32, #tpu.memory_space<vmem>>, vector<16xi32>,
      %mul3A_781 = arith.constant 16 : i32
      %mul3A_782 = arith.muli %scan3A_770, %mul3A_781 : i32
      %get3A_783 = arith.index_cast %mul3A_782 : i32 to index
      %get3A_784 = tpu.vector_load %arg28[%get3A_783] {strides = array<i32>} : memref<1024xi32, #tpu.memory_space<vmem>>, vector<16xi32>,
      %mul3A_785 = arith.constant 16 : i32
      %mul3A_786 = arith.muli %scan3A_770, %mul3A_785 : i32
      %add3A_787 = vector.broadcast %mul3A_786 : i32 to vector<16xi32>
      %add3A_788 = arith.addi %iota3A, %add3A_787 : vector<16xi32>
      %ne3A_789 = arith.constant 0 : i32
      %ne3A_790 = vector.broadcast %ne3A_789 : i32 to vector<16xi32>
      %ne3A_791 = arith.cmpi ne, %get3A_784, %ne3A_790 : vector<16xi32>
      %eq3A_792 = vector.broadcast %add3A_397 : i32 to vector<16xi32>
      %eq3A_793 = arith.cmpi eq, %get3A_780, %eq3A_792 : vector<16xi32>
      %and3A_794 = arith.andi %ne3A_791, %eq3A_793 : vector<16xi1>
      %ne3A_795 = arith.constant 1073741824 : i32
      %ne3A_796 = vector.broadcast %ne3A_795 : i32 to vector<16xi32>
      %ne3A_797 = arith.cmpi ne, %add3A_788, %ne3A_796 : vector<16xi32>
      %and3A_798 = arith.andi %and3A_794, %ne3A_797 : vector<16xi1>
      %ne3A_799 = arith.constant 1073741824 : i32
      %ne3A_800 = vector.broadcast %ne3A_799 : i32 to vector<16xi32>
      %ne3A_801 = arith.cmpi ne, %add3A_788, %ne3A_800 : vector<16xi32>
      %and3A_802 = arith.andi %and3A_798, %ne3A_801 : vector<16xi1>
      %gt3A_803 = arith.cmpf ogt, %get3A_776, %scan3A_771 : vector<16xf32>
      %eq3A_804 = arith.cmpf oeq, %get3A_776, %scan3A_771 : vector<16xf32>
      %lt3A_805 = arith.cmpi slt, %add3A_788, %scan3A_772 : vector<16xi32>
      %and3A_806 = arith.andi %eq3A_804, %lt3A_805 : vector<16xi1>
      %or3A_807 = arith.ori %gt3A_803, %and3A_806 : vector<16xi1>
      %and3A_808 = arith.andi %and3A_802, %or3A_807 : vector<16xi1>
      %select_n3A_809 = arith.select %and3A_808, %get3A_776, %scan3A_771 : vector<16xi1>, vector<16xf32>
      %select_n3A_810 = arith.select %and3A_808, %add3A_788, %scan3A_772 : vector<16xi1>, vector<16xi32>
      scf.yield %select_n3A_809, %select_n3A_810 : vector<16xf32>, vector<16xi32>
    }
    %scan3A_407 = arith.constant 64 : i32
    %reduce_max3A_408 = arith.constant true
    %reduce_max3A_409 = vector.broadcast %reduce_max3A_408 : i1 to vector<16xi1>
    %reduce_max3A_410 = tpu.scan <max>, %scan3A_406#0 masked %reduce_max3A_409 : vector<16xf32>, vector<16xi1> -> vector<16xf32>
    %reduce_max3A_411 = vector.extract %reduce_max3A_410[15] : f32 from vector<16xf32>
    %eq3A_412 = vector.broadcast %reduce_max3A_411 : f32 to vector<16xf32>
    %eq3A_413 = arith.cmpf oeq, %scan3A_406#0, %eq3A_412 : vector<16xf32>
    %jit3A_414 = arith.constant 1073741824 : i32
    %broadcast_in_dim3A_415 = vector.broadcast %jit3A_414 : i32 to vector<16xi32>
    %select_n3A_416 = arith.select %eq3A_413, %scan3A_406#1, %broadcast_in_dim3A_415 : vector<16xi1>, vector<16xi32>
    %reduce_min3A_417 = arith.constant true
    %reduce_min3A_418 = vector.broadcast %reduce_min3A_417 : i1 to vector<16xi1>
    %reduce_min3A_419 = arith.constant -2147483648 : i32
    %reduce_min3A_420 = vector.broadcast %reduce_min3A_419 : i32 to vector<16xi32>
    %reduce_min3A_421 = arith.xori %select_n3A_416, %reduce_min3A_420 : vector<16xi32>
    %reduce_min3A_422 = tpu.scan <min>, %reduce_min3A_421 masked %reduce_min3A_418 : vector<16xi32>, vector<16xi1> -> vector<16xi32>
    %reduce_min3A_423 = arith.xori %reduce_min3A_422, %reduce_min3A_420 : vector<16xi32>
    %reduce_min3A_424 = vector.extract %reduce_min3A_423[15] : i32 from vector<16xi32>
    %broadcast_in_dim3A_425 = arith.constant -1.000000e+00 : f32
    %broadcast_in_dim3A_426 = vector.broadcast %broadcast_in_dim3A_425 : f32 to vector<16xf32>
    %broadcast_in_dim3A_427 = arith.constant 1073741824 : i32
    %broadcast_in_dim3A_428 = vector.broadcast %broadcast_in_dim3A_427 : i32 to vector<16xi32>
    %scan3A_429 = arith.constant 0 : i32
    %scan3A_430 = arith.constant 64 : i32
    %scan3A_431 = arith.addi %scan3A_429, %scan3A_430 : i32
    %scan3A_432 = arith.constant 1 : i32
    %scan3A_433:2 = scf.for %scan3A_770 = %scan3A_429 to %scan3A_431 step %scan3A_432 iter_args(%scan3A_771 = %broadcast_in_dim3A_426, %scan3A_772 = %broadcast_in_dim3A_428) -> (vector<16xf32>, vector<16xi32>)  : i32 {
      %mul3A_773 = arith.constant 16 : i32
      %mul3A_774 = arith.muli %scan3A_770, %mul3A_773 : i32
      %get3A_775 = arith.index_cast %mul3A_774 : i32 to index
      %get3A_776 = tpu.vector_load %arg26[%get3A_775] {strides = array<i32>} : memref<1024xf32, #tpu.memory_space<vmem>>, vector<16xf32>,
      %mul3A_777 = arith.constant 16 : i32
      %mul3A_778 = arith.muli %scan3A_770, %mul3A_777 : i32
      %get3A_779 = arith.index_cast %mul3A_778 : i32 to index
      %get3A_780 = tpu.vector_load %arg27[%get3A_779] {strides = array<i32>} : memref<1024xi32, #tpu.memory_space<vmem>>, vector<16xi32>,
      %mul3A_781 = arith.constant 16 : i32
      %mul3A_782 = arith.muli %scan3A_770, %mul3A_781 : i32
      %get3A_783 = arith.index_cast %mul3A_782 : i32 to index
      %get3A_784 = tpu.vector_load %arg28[%get3A_783] {strides = array<i32>} : memref<1024xi32, #tpu.memory_space<vmem>>, vector<16xi32>,
      %mul3A_785 = arith.constant 16 : i32
      %mul3A_786 = arith.muli %scan3A_770, %mul3A_785 : i32
      %add3A_787 = vector.broadcast %mul3A_786 : i32 to vector<16xi32>
      %add3A_788 = arith.addi %iota3A, %add3A_787 : vector<16xi32>
      %ne3A_789 = arith.constant 0 : i32
      %ne3A_790 = vector.broadcast %ne3A_789 : i32 to vector<16xi32>
      %ne3A_791 = arith.cmpi ne, %get3A_784, %ne3A_790 : vector<16xi32>
      %eq3A_792 = vector.broadcast %add3A_397 : i32 to vector<16xi32>
      %eq3A_793 = arith.cmpi eq, %get3A_780, %eq3A_792 : vector<16xi32>
      %and3A_794 = arith.andi %ne3A_791, %eq3A_793 : vector<16xi1>
      %ne3A_795 = vector.broadcast %reduce_min3A_424 : i32 to vector<16xi32>
      %ne3A_796 = arith.cmpi ne, %add3A_788, %ne3A_795 : vector<16xi32>
      %and3A_797 = arith.andi %and3A_794, %ne3A_796 : vector<16xi1>
      %ne3A_798 = arith.constant 1073741824 : i32
      %ne3A_799 = vector.broadcast %ne3A_798 : i32 to vector<16xi32>
      %ne3A_800 = arith.cmpi ne, %add3A_788, %ne3A_799 : vector<16xi32>
      %and3A_801 = arith.andi %and3A_797, %ne3A_800 : vector<16xi1>
      %gt3A_802 = arith.cmpf ogt, %get3A_776, %scan3A_771 : vector<16xf32>
      %eq3A_803 = arith.cmpf oeq, %get3A_776, %scan3A_771 : vector<16xf32>
      %lt3A_804 = arith.cmpi slt, %add3A_788, %scan3A_772 : vector<16xi32>
      %and3A_805 = arith.andi %eq3A_803, %lt3A_804 : vector<16xi1>
      %or3A_806 = arith.ori %gt3A_802, %and3A_805 : vector<16xi1>
      %and3A_807 = arith.andi %and3A_801, %or3A_806 : vector<16xi1>
      %select_n3A_808 = arith.select %and3A_807, %get3A_776, %scan3A_771 : vector<16xi1>, vector<16xf32>
      %select_n3A_809 = arith.select %and3A_807, %add3A_788, %scan3A_772 : vector<16xi1>, vector<16xi32>
      scf.yield %select_n3A_808, %select_n3A_809 : vector<16xf32>, vector<16xi32>
    }
    %scan3A_434 = arith.constant 64 : i32
    %reduce_max3A_435 = arith.constant true
    %reduce_max3A_436 = vector.broadcast %reduce_max3A_435 : i1 to vector<16xi1>
    %reduce_max3A_437 = tpu.scan <max>, %scan3A_433#0 masked %reduce_max3A_436 : vector<16xf32>, vector<16xi1> -> vector<16xf32>
    %reduce_max3A_438 = vector.extract %reduce_max3A_437[15] : f32 from vector<16xf32>
    %eq3A_439 = vector.broadcast %reduce_max3A_438 : f32 to vector<16xf32>
    %eq3A_440 = arith.cmpf oeq, %scan3A_433#0, %eq3A_439 : vector<16xf32>
    %jit3A_441 = arith.constant 1073741824 : i32
    %broadcast_in_dim3A_442 = vector.broadcast %jit3A_441 : i32 to vector<16xi32>
    %select_n3A_443 = arith.select %eq3A_440, %scan3A_433#1, %broadcast_in_dim3A_442 : vector<16xi1>, vector<16xi32>
    %reduce_min3A_444 = arith.constant true
    %reduce_min3A_445 = vector.broadcast %reduce_min3A_444 : i1 to vector<16xi1>
    %reduce_min3A_446 = arith.constant -2147483648 : i32
    %reduce_min3A_447 = vector.broadcast %reduce_min3A_446 : i32 to vector<16xi32>
    %reduce_min3A_448 = arith.xori %select_n3A_443, %reduce_min3A_447 : vector<16xi32>
    %reduce_min3A_449 = tpu.scan <min>, %reduce_min3A_448 masked %reduce_min3A_445 : vector<16xi32>, vector<16xi1> -> vector<16xi32>
    %reduce_min3A_450 = arith.xori %reduce_min3A_449, %reduce_min3A_447 : vector<16xi32>
    %reduce_min3A_451 = vector.extract %reduce_min3A_450[15] : i32 from vector<16xi32>
    %broadcast_in_dim3A_452 = arith.constant -1.000000e+00 : f32
    %broadcast_in_dim3A_453 = vector.broadcast %broadcast_in_dim3A_452 : f32 to vector<16xf32>
    %broadcast_in_dim3A_454 = arith.constant 1073741824 : i32
    %broadcast_in_dim3A_455 = vector.broadcast %broadcast_in_dim3A_454 : i32 to vector<16xi32>
    %scan3A_456 = arith.constant 0 : i32
    %scan3A_457 = arith.constant 64 : i32
    %scan3A_458 = arith.addi %scan3A_456, %scan3A_457 : i32
    %scan3A_459 = arith.constant 1 : i32
    %scan3A_460:2 = scf.for %scan3A_770 = %scan3A_456 to %scan3A_458 step %scan3A_459 iter_args(%scan3A_771 = %broadcast_in_dim3A_453, %scan3A_772 = %broadcast_in_dim3A_455) -> (vector<16xf32>, vector<16xi32>)  : i32 {
      %mul3A_773 = arith.constant 16 : i32
      %mul3A_774 = arith.muli %scan3A_770, %mul3A_773 : i32
      %get3A_775 = arith.index_cast %mul3A_774 : i32 to index
      %get3A_776 = tpu.vector_load %arg26[%get3A_775] {strides = array<i32>} : memref<1024xf32, #tpu.memory_space<vmem>>, vector<16xf32>,
      %mul3A_777 = arith.constant 16 : i32
      %mul3A_778 = arith.muli %scan3A_770, %mul3A_777 : i32
      %get3A_779 = arith.index_cast %mul3A_778 : i32 to index
      %get3A_780 = tpu.vector_load %arg27[%get3A_779] {strides = array<i32>} : memref<1024xi32, #tpu.memory_space<vmem>>, vector<16xi32>,
      %mul3A_781 = arith.constant 16 : i32
      %mul3A_782 = arith.muli %scan3A_770, %mul3A_781 : i32
      %get3A_783 = arith.index_cast %mul3A_782 : i32 to index
      %get3A_784 = tpu.vector_load %arg28[%get3A_783] {strides = array<i32>} : memref<1024xi32, #tpu.memory_space<vmem>>, vector<16xi32>,
      %mul3A_785 = arith.constant 16 : i32
      %mul3A_786 = arith.muli %scan3A_770, %mul3A_785 : i32
      %add3A_787 = vector.broadcast %mul3A_786 : i32 to vector<16xi32>
      %add3A_788 = arith.addi %iota3A, %add3A_787 : vector<16xi32>
      %ne3A_789 = arith.constant 0 : i32
      %ne3A_790 = vector.broadcast %ne3A_789 : i32 to vector<16xi32>
      %ne3A_791 = arith.cmpi ne, %get3A_784, %ne3A_790 : vector<16xi32>
      %eq3A_792 = vector.broadcast %add3A_397 : i32 to vector<16xi32>
      %eq3A_793 = arith.cmpi eq, %get3A_780, %eq3A_792 : vector<16xi32>
      %and3A_794 = arith.andi %ne3A_791, %eq3A_793 : vector<16xi1>
      %ne3A_795 = vector.broadcast %reduce_min3A_424 : i32 to vector<16xi32>
      %ne3A_796 = arith.cmpi ne, %add3A_788, %ne3A_795 : vector<16xi32>
      %and3A_797 = arith.andi %and3A_794, %ne3A_796 : vector<16xi1>
      %ne3A_798 = vector.broadcast %reduce_min3A_451 : i32 to vector<16xi32>
      %ne3A_799 = arith.cmpi ne, %add3A_788, %ne3A_798 : vector<16xi32>
      %and3A_800 = arith.andi %and3A_797, %ne3A_799 : vector<16xi1>
      %gt3A_801 = arith.cmpf ogt, %get3A_776, %scan3A_771 : vector<16xf32>
      %eq3A_802 = arith.cmpf oeq, %get3A_776, %scan3A_771 : vector<16xf32>
      %lt3A_803 = arith.cmpi slt, %add3A_788, %scan3A_772 : vector<16xi32>
      %and3A_804 = arith.andi %eq3A_802, %lt3A_803 : vector<16xi1>
      %or3A_805 = arith.ori %gt3A_801, %and3A_804 : vector<16xi1>
      %and3A_806 = arith.andi %and3A_800, %or3A_805 : vector<16xi1>
      %select_n3A_807 = arith.select %and3A_806, %get3A_776, %scan3A_771 : vector<16xi1>, vector<16xf32>
      %select_n3A_808 = arith.select %and3A_806, %add3A_788, %scan3A_772 : vector<16xi1>, vector<16xi32>
      scf.yield %select_n3A_807, %select_n3A_808 : vector<16xf32>, vector<16xi32>
    }
    %scan3A_461 = arith.constant 64 : i32
    %reduce_max3A_462 = arith.constant true
    %reduce_max3A_463 = vector.broadcast %reduce_max3A_462 : i1 to vector<16xi1>
    %reduce_max3A_464 = tpu.scan <max>, %scan3A_460#0 masked %reduce_max3A_463 : vector<16xf32>, vector<16xi1> -> vector<16xf32>
    %reduce_max3A_465 = vector.extract %reduce_max3A_464[15] : f32 from vector<16xf32>
    %eq3A_466 = vector.broadcast %reduce_max3A_465 : f32 to vector<16xf32>
    %eq3A_467 = arith.cmpf oeq, %scan3A_460#0, %eq3A_466 : vector<16xf32>
    %jit3A_468 = arith.constant 1073741824 : i32
    %broadcast_in_dim3A_469 = vector.broadcast %jit3A_468 : i32 to vector<16xi32>
    %select_n3A_470 = arith.select %eq3A_467, %scan3A_460#1, %broadcast_in_dim3A_469 : vector<16xi1>, vector<16xi32>
    %reduce_min3A_471 = arith.constant true
    %reduce_min3A_472 = vector.broadcast %reduce_min3A_471 : i1 to vector<16xi1>
    %reduce_min3A_473 = arith.constant -2147483648 : i32
    %reduce_min3A_474 = vector.broadcast %reduce_min3A_473 : i32 to vector<16xi32>
    %reduce_min3A_475 = arith.xori %select_n3A_470, %reduce_min3A_474 : vector<16xi32>
    %reduce_min3A_476 = tpu.scan <min>, %reduce_min3A_475 masked %reduce_min3A_472 : vector<16xi32>, vector<16xi1> -> vector<16xi32>
    %reduce_min3A_477 = arith.xori %reduce_min3A_476, %reduce_min3A_474 : vector<16xi32>
    %reduce_min3A_478 = vector.extract %reduce_min3A_477[15] : i32 from vector<16xi32>
    %eq3A_479 = arith.constant 1 : i32
    %eq3A_480 = vector.broadcast %eq3A_479 : i32 to vector<16xi32>
    %eq3A_481 = arith.cmpi eq, %iota3A, %eq3A_480 : vector<16xi32>
    %broadcast_in_dim3A_482 = vector.broadcast %reduce_max3A_465 : f32 to vector<16xf32>
    %select_n3A_483 = arith.select %eq3A_481, %broadcast_in_dim3A_482, %select_n3A_388 : vector<16xi1>, vector<16xf32>
    %eq3A_484 = arith.constant 1 : i32
    %eq3A_485 = vector.broadcast %eq3A_484 : i32 to vector<16xi32>
    %eq3A_486 = arith.cmpi eq, %iota3A, %eq3A_485 : vector<16xi32>
    %broadcast_in_dim3A_487 = vector.broadcast %reduce_min3A_478 : i32 to vector<16xi32>
    %select_n3A_488 = arith.select %eq3A_486, %broadcast_in_dim3A_487, %select_n3A_393 : vector<16xi1>, vector<16xi32>
    %mul3A_489 = arith.constant 4 : i32
    %mul3A_490 = arith.muli %arg1, %mul3A_489 : i32
    %add3A_491 = arith.constant 2 : i32
    %add3A_492 = arith.addi %mul3A_490, %add3A_491 : i32
    %broadcast_in_dim3A_493 = arith.constant -1.000000e+00 : f32
    %broadcast_in_dim3A_494 = vector.broadcast %broadcast_in_dim3A_493 : f32 to vector<16xf32>
    %broadcast_in_dim3A_495 = arith.constant 1073741824 : i32
    %broadcast_in_dim3A_496 = vector.broadcast %broadcast_in_dim3A_495 : i32 to vector<16xi32>
    %scan3A_497 = arith.constant 0 : i32
    %scan3A_498 = arith.constant 64 : i32
    %scan3A_499 = arith.addi %scan3A_497, %scan3A_498 : i32
    %scan3A_500 = arith.constant 1 : i32
    %scan3A_501:2 = scf.for %scan3A_770 = %scan3A_497 to %scan3A_499 step %scan3A_500 iter_args(%scan3A_771 = %broadcast_in_dim3A_494, %scan3A_772 = %broadcast_in_dim3A_496) -> (vector<16xf32>, vector<16xi32>)  : i32 {
      %mul3A_773 = arith.constant 16 : i32
      %mul3A_774 = arith.muli %scan3A_770, %mul3A_773 : i32
      %get3A_775 = arith.index_cast %mul3A_774 : i32 to index
      %get3A_776 = tpu.vector_load %arg26[%get3A_775] {strides = array<i32>} : memref<1024xf32, #tpu.memory_space<vmem>>, vector<16xf32>,
      %mul3A_777 = arith.constant 16 : i32
      %mul3A_778 = arith.muli %scan3A_770, %mul3A_777 : i32
      %get3A_779 = arith.index_cast %mul3A_778 : i32 to index
      %get3A_780 = tpu.vector_load %arg27[%get3A_779] {strides = array<i32>} : memref<1024xi32, #tpu.memory_space<vmem>>, vector<16xi32>,
      %mul3A_781 = arith.constant 16 : i32
      %mul3A_782 = arith.muli %scan3A_770, %mul3A_781 : i32
      %get3A_783 = arith.index_cast %mul3A_782 : i32 to index
      %get3A_784 = tpu.vector_load %arg28[%get3A_783] {strides = array<i32>} : memref<1024xi32, #tpu.memory_space<vmem>>, vector<16xi32>,
      %mul3A_785 = arith.constant 16 : i32
      %mul3A_786 = arith.muli %scan3A_770, %mul3A_785 : i32
      %add3A_787 = vector.broadcast %mul3A_786 : i32 to vector<16xi32>
      %add3A_788 = arith.addi %iota3A, %add3A_787 : vector<16xi32>
      %ne3A_789 = arith.constant 0 : i32
      %ne3A_790 = vector.broadcast %ne3A_789 : i32 to vector<16xi32>
      %ne3A_791 = arith.cmpi ne, %get3A_784, %ne3A_790 : vector<16xi32>
      %eq3A_792 = vector.broadcast %add3A_492 : i32 to vector<16xi32>
      %eq3A_793 = arith.cmpi eq, %get3A_780, %eq3A_792 : vector<16xi32>
      %and3A_794 = arith.andi %ne3A_791, %eq3A_793 : vector<16xi1>
      %ne3A_795 = arith.constant 1073741824 : i32
      %ne3A_796 = vector.broadcast %ne3A_795 : i32 to vector<16xi32>
      %ne3A_797 = arith.cmpi ne, %add3A_788, %ne3A_796 : vector<16xi32>
      %and3A_798 = arith.andi %and3A_794, %ne3A_797 : vector<16xi1>
      %ne3A_799 = arith.constant 1073741824 : i32
      %ne3A_800 = vector.broadcast %ne3A_799 : i32 to vector<16xi32>
      %ne3A_801 = arith.cmpi ne, %add3A_788, %ne3A_800 : vector<16xi32>
      %and3A_802 = arith.andi %and3A_798, %ne3A_801 : vector<16xi1>
      %gt3A_803 = arith.cmpf ogt, %get3A_776, %scan3A_771 : vector<16xf32>
      %eq3A_804 = arith.cmpf oeq, %get3A_776, %scan3A_771 : vector<16xf32>
      %lt3A_805 = arith.cmpi slt, %add3A_788, %scan3A_772 : vector<16xi32>
      %and3A_806 = arith.andi %eq3A_804, %lt3A_805 : vector<16xi1>
      %or3A_807 = arith.ori %gt3A_803, %and3A_806 : vector<16xi1>
      %and3A_808 = arith.andi %and3A_802, %or3A_807 : vector<16xi1>
      %select_n3A_809 = arith.select %and3A_808, %get3A_776, %scan3A_771 : vector<16xi1>, vector<16xf32>
      %select_n3A_810 = arith.select %and3A_808, %add3A_788, %scan3A_772 : vector<16xi1>, vector<16xi32>
      scf.yield %select_n3A_809, %select_n3A_810 : vector<16xf32>, vector<16xi32>
    }
    %scan3A_502 = arith.constant 64 : i32
    %reduce_max3A_503 = arith.constant true
    %reduce_max3A_504 = vector.broadcast %reduce_max3A_503 : i1 to vector<16xi1>
    %reduce_max3A_505 = tpu.scan <max>, %scan3A_501#0 masked %reduce_max3A_504 : vector<16xf32>, vector<16xi1> -> vector<16xf32>
    %reduce_max3A_506 = vector.extract %reduce_max3A_505[15] : f32 from vector<16xf32>
    %eq3A_507 = vector.broadcast %reduce_max3A_506 : f32 to vector<16xf32>
    %eq3A_508 = arith.cmpf oeq, %scan3A_501#0, %eq3A_507 : vector<16xf32>
    %jit3A_509 = arith.constant 1073741824 : i32
    %broadcast_in_dim3A_510 = vector.broadcast %jit3A_509 : i32 to vector<16xi32>
    %select_n3A_511 = arith.select %eq3A_508, %scan3A_501#1, %broadcast_in_dim3A_510 : vector<16xi1>, vector<16xi32>
    %reduce_min3A_512 = arith.constant true
    %reduce_min3A_513 = vector.broadcast %reduce_min3A_512 : i1 to vector<16xi1>
    %reduce_min3A_514 = arith.constant -2147483648 : i32
    %reduce_min3A_515 = vector.broadcast %reduce_min3A_514 : i32 to vector<16xi32>
    %reduce_min3A_516 = arith.xori %select_n3A_511, %reduce_min3A_515 : vector<16xi32>
    %reduce_min3A_517 = tpu.scan <min>, %reduce_min3A_516 masked %reduce_min3A_513 : vector<16xi32>, vector<16xi1> -> vector<16xi32>
    %reduce_min3A_518 = arith.xori %reduce_min3A_517, %reduce_min3A_515 : vector<16xi32>
    %reduce_min3A_519 = vector.extract %reduce_min3A_518[15] : i32 from vector<16xi32>
    %broadcast_in_dim3A_520 = arith.constant -1.000000e+00 : f32
    %broadcast_in_dim3A_521 = vector.broadcast %broadcast_in_dim3A_520 : f32 to vector<16xf32>
    %broadcast_in_dim3A_522 = arith.constant 1073741824 : i32
    %broadcast_in_dim3A_523 = vector.broadcast %broadcast_in_dim3A_522 : i32 to vector<16xi32>
    %scan3A_524 = arith.constant 0 : i32
    %scan3A_525 = arith.constant 64 : i32
    %scan3A_526 = arith.addi %scan3A_524, %scan3A_525 : i32
    %scan3A_527 = arith.constant 1 : i32
    %scan3A_528:2 = scf.for %scan3A_770 = %scan3A_524 to %scan3A_526 step %scan3A_527 iter_args(%scan3A_771 = %broadcast_in_dim3A_521, %scan3A_772 = %broadcast_in_dim3A_523) -> (vector<16xf32>, vector<16xi32>)  : i32 {
      %mul3A_773 = arith.constant 16 : i32
      %mul3A_774 = arith.muli %scan3A_770, %mul3A_773 : i32
      %get3A_775 = arith.index_cast %mul3A_774 : i32 to index
      %get3A_776 = tpu.vector_load %arg26[%get3A_775] {strides = array<i32>} : memref<1024xf32, #tpu.memory_space<vmem>>, vector<16xf32>,
      %mul3A_777 = arith.constant 16 : i32
      %mul3A_778 = arith.muli %scan3A_770, %mul3A_777 : i32
      %get3A_779 = arith.index_cast %mul3A_778 : i32 to index
      %get3A_780 = tpu.vector_load %arg27[%get3A_779] {strides = array<i32>} : memref<1024xi32, #tpu.memory_space<vmem>>, vector<16xi32>,
      %mul3A_781 = arith.constant 16 : i32
      %mul3A_782 = arith.muli %scan3A_770, %mul3A_781 : i32
      %get3A_783 = arith.index_cast %mul3A_782 : i32 to index
      %get3A_784 = tpu.vector_load %arg28[%get3A_783] {strides = array<i32>} : memref<1024xi32, #tpu.memory_space<vmem>>, vector<16xi32>,
      %mul3A_785 = arith.constant 16 : i32
      %mul3A_786 = arith.muli %scan3A_770, %mul3A_785 : i32
      %add3A_787 = vector.broadcast %mul3A_786 : i32 to vector<16xi32>
      %add3A_788 = arith.addi %iota3A, %add3A_787 : vector<16xi32>
      %ne3A_789 = arith.constant 0 : i32
      %ne3A_790 = vector.broadcast %ne3A_789 : i32 to vector<16xi32>
      %ne3A_791 = arith.cmpi ne, %get3A_784, %ne3A_790 : vector<16xi32>
      %eq3A_792 = vector.broadcast %add3A_492 : i32 to vector<16xi32>
      %eq3A_793 = arith.cmpi eq, %get3A_780, %eq3A_792 : vector<16xi32>
      %and3A_794 = arith.andi %ne3A_791, %eq3A_793 : vector<16xi1>
      %ne3A_795 = vector.broadcast %reduce_min3A_519 : i32 to vector<16xi32>
      %ne3A_796 = arith.cmpi ne, %add3A_788, %ne3A_795 : vector<16xi32>
      %and3A_797 = arith.andi %and3A_794, %ne3A_796 : vector<16xi1>
      %ne3A_798 = arith.constant 1073741824 : i32
      %ne3A_799 = vector.broadcast %ne3A_798 : i32 to vector<16xi32>
      %ne3A_800 = arith.cmpi ne, %add3A_788, %ne3A_799 : vector<16xi32>
      %and3A_801 = arith.andi %and3A_797, %ne3A_800 : vector<16xi1>
      %gt3A_802 = arith.cmpf ogt, %get3A_776, %scan3A_771 : vector<16xf32>
      %eq3A_803 = arith.cmpf oeq, %get3A_776, %scan3A_771 : vector<16xf32>
      %lt3A_804 = arith.cmpi slt, %add3A_788, %scan3A_772 : vector<16xi32>
      %and3A_805 = arith.andi %eq3A_803, %lt3A_804 : vector<16xi1>
      %or3A_806 = arith.ori %gt3A_802, %and3A_805 : vector<16xi1>
      %and3A_807 = arith.andi %and3A_801, %or3A_806 : vector<16xi1>
      %select_n3A_808 = arith.select %and3A_807, %get3A_776, %scan3A_771 : vector<16xi1>, vector<16xf32>
      %select_n3A_809 = arith.select %and3A_807, %add3A_788, %scan3A_772 : vector<16xi1>, vector<16xi32>
      scf.yield %select_n3A_808, %select_n3A_809 : vector<16xf32>, vector<16xi32>
    }
    %scan3A_529 = arith.constant 64 : i32
    %reduce_max3A_530 = arith.constant true
    %reduce_max3A_531 = vector.broadcast %reduce_max3A_530 : i1 to vector<16xi1>
    %reduce_max3A_532 = tpu.scan <max>, %scan3A_528#0 masked %reduce_max3A_531 : vector<16xf32>, vector<16xi1> -> vector<16xf32>
    %reduce_max3A_533 = vector.extract %reduce_max3A_532[15] : f32 from vector<16xf32>
    %eq3A_534 = vector.broadcast %reduce_max3A_533 : f32 to vector<16xf32>
    %eq3A_535 = arith.cmpf oeq, %scan3A_528#0, %eq3A_534 : vector<16xf32>
    %jit3A_536 = arith.constant 1073741824 : i32
    %broadcast_in_dim3A_537 = vector.broadcast %jit3A_536 : i32 to vector<16xi32>
    %select_n3A_538 = arith.select %eq3A_535, %scan3A_528#1, %broadcast_in_dim3A_537 : vector<16xi1>, vector<16xi32>
    %reduce_min3A_539 = arith.constant true
    %reduce_min3A_540 = vector.broadcast %reduce_min3A_539 : i1 to vector<16xi1>
    %reduce_min3A_541 = arith.constant -2147483648 : i32
    %reduce_min3A_542 = vector.broadcast %reduce_min3A_541 : i32 to vector<16xi32>
    %reduce_min3A_543 = arith.xori %select_n3A_538, %reduce_min3A_542 : vector<16xi32>
    %reduce_min3A_544 = tpu.scan <min>, %reduce_min3A_543 masked %reduce_min3A_540 : vector<16xi32>, vector<16xi1> -> vector<16xi32>
    %reduce_min3A_545 = arith.xori %reduce_min3A_544, %reduce_min3A_542 : vector<16xi32>
    %reduce_min3A_546 = vector.extract %reduce_min3A_545[15] : i32 from vector<16xi32>
    %broadcast_in_dim3A_547 = arith.constant -1.000000e+00 : f32
    %broadcast_in_dim3A_548 = vector.broadcast %broadcast_in_dim3A_547 : f32 to vector<16xf32>
    %broadcast_in_dim3A_549 = arith.constant 1073741824 : i32
    %broadcast_in_dim3A_550 = vector.broadcast %broadcast_in_dim3A_549 : i32 to vector<16xi32>
    %scan3A_551 = arith.constant 0 : i32
    %scan3A_552 = arith.constant 64 : i32
    %scan3A_553 = arith.addi %scan3A_551, %scan3A_552 : i32
    %scan3A_554 = arith.constant 1 : i32
    %scan3A_555:2 = scf.for %scan3A_770 = %scan3A_551 to %scan3A_553 step %scan3A_554 iter_args(%scan3A_771 = %broadcast_in_dim3A_548, %scan3A_772 = %broadcast_in_dim3A_550) -> (vector<16xf32>, vector<16xi32>)  : i32 {
      %mul3A_773 = arith.constant 16 : i32
      %mul3A_774 = arith.muli %scan3A_770, %mul3A_773 : i32
      %get3A_775 = arith.index_cast %mul3A_774 : i32 to index
      %get3A_776 = tpu.vector_load %arg26[%get3A_775] {strides = array<i32>} : memref<1024xf32, #tpu.memory_space<vmem>>, vector<16xf32>,
      %mul3A_777 = arith.constant 16 : i32
      %mul3A_778 = arith.muli %scan3A_770, %mul3A_777 : i32
      %get3A_779 = arith.index_cast %mul3A_778 : i32 to index
      %get3A_780 = tpu.vector_load %arg27[%get3A_779] {strides = array<i32>} : memref<1024xi32, #tpu.memory_space<vmem>>, vector<16xi32>,
      %mul3A_781 = arith.constant 16 : i32
      %mul3A_782 = arith.muli %scan3A_770, %mul3A_781 : i32
      %get3A_783 = arith.index_cast %mul3A_782 : i32 to index
      %get3A_784 = tpu.vector_load %arg28[%get3A_783] {strides = array<i32>} : memref<1024xi32, #tpu.memory_space<vmem>>, vector<16xi32>,
      %mul3A_785 = arith.constant 16 : i32
      %mul3A_786 = arith.muli %scan3A_770, %mul3A_785 : i32
      %add3A_787 = vector.broadcast %mul3A_786 : i32 to vector<16xi32>
      %add3A_788 = arith.addi %iota3A, %add3A_787 : vector<16xi32>
      %ne3A_789 = arith.constant 0 : i32
      %ne3A_790 = vector.broadcast %ne3A_789 : i32 to vector<16xi32>
      %ne3A_791 = arith.cmpi ne, %get3A_784, %ne3A_790 : vector<16xi32>
      %eq3A_792 = vector.broadcast %add3A_492 : i32 to vector<16xi32>
      %eq3A_793 = arith.cmpi eq, %get3A_780, %eq3A_792 : vector<16xi32>
      %and3A_794 = arith.andi %ne3A_791, %eq3A_793 : vector<16xi1>
      %ne3A_795 = vector.broadcast %reduce_min3A_519 : i32 to vector<16xi32>
      %ne3A_796 = arith.cmpi ne, %add3A_788, %ne3A_795 : vector<16xi32>
      %and3A_797 = arith.andi %and3A_794, %ne3A_796 : vector<16xi1>
      %ne3A_798 = vector.broadcast %reduce_min3A_546 : i32 to vector<16xi32>
      %ne3A_799 = arith.cmpi ne, %add3A_788, %ne3A_798 : vector<16xi32>
      %and3A_800 = arith.andi %and3A_797, %ne3A_799 : vector<16xi1>
      %gt3A_801 = arith.cmpf ogt, %get3A_776, %scan3A_771 : vector<16xf32>
      %eq3A_802 = arith.cmpf oeq, %get3A_776, %scan3A_771 : vector<16xf32>
      %lt3A_803 = arith.cmpi slt, %add3A_788, %scan3A_772 : vector<16xi32>
      %and3A_804 = arith.andi %eq3A_802, %lt3A_803 : vector<16xi1>
      %or3A_805 = arith.ori %gt3A_801, %and3A_804 : vector<16xi1>
      %and3A_806 = arith.andi %and3A_800, %or3A_805 : vector<16xi1>
      %select_n3A_807 = arith.select %and3A_806, %get3A_776, %scan3A_771 : vector<16xi1>, vector<16xf32>
      %select_n3A_808 = arith.select %and3A_806, %add3A_788, %scan3A_772 : vector<16xi1>, vector<16xi32>
      scf.yield %select_n3A_807, %select_n3A_808 : vector<16xf32>, vector<16xi32>
    }
    %scan3A_556 = arith.constant 64 : i32
    %reduce_max3A_557 = arith.constant true
    %reduce_max3A_558 = vector.broadcast %reduce_max3A_557 : i1 to vector<16xi1>
    %reduce_max3A_559 = tpu.scan <max>, %scan3A_555#0 masked %reduce_max3A_558 : vector<16xf32>, vector<16xi1> -> vector<16xf32>
    %reduce_max3A_560 = vector.extract %reduce_max3A_559[15] : f32 from vector<16xf32>
    %eq3A_561 = vector.broadcast %reduce_max3A_560 : f32 to vector<16xf32>
    %eq3A_562 = arith.cmpf oeq, %scan3A_555#0, %eq3A_561 : vector<16xf32>
    %jit3A_563 = arith.constant 1073741824 : i32
    %broadcast_in_dim3A_564 = vector.broadcast %jit3A_563 : i32 to vector<16xi32>
    %select_n3A_565 = arith.select %eq3A_562, %scan3A_555#1, %broadcast_in_dim3A_564 : vector<16xi1>, vector<16xi32>
    %reduce_min3A_566 = arith.constant true
    %reduce_min3A_567 = vector.broadcast %reduce_min3A_566 : i1 to vector<16xi1>
    %reduce_min3A_568 = arith.constant -2147483648 : i32
    %reduce_min3A_569 = vector.broadcast %reduce_min3A_568 : i32 to vector<16xi32>
    %reduce_min3A_570 = arith.xori %select_n3A_565, %reduce_min3A_569 : vector<16xi32>
    %reduce_min3A_571 = tpu.scan <min>, %reduce_min3A_570 masked %reduce_min3A_567 : vector<16xi32>, vector<16xi1> -> vector<16xi32>
    %reduce_min3A_572 = arith.xori %reduce_min3A_571, %reduce_min3A_569 : vector<16xi32>
    %reduce_min3A_573 = vector.extract %reduce_min3A_572[15] : i32 from vector<16xi32>
    %eq3A_574 = arith.constant 2 : i32
    %eq3A_575 = vector.broadcast %eq3A_574 : i32 to vector<16xi32>
    %eq3A_576 = arith.cmpi eq, %iota3A, %eq3A_575 : vector<16xi32>
    %broadcast_in_dim3A_577 = vector.broadcast %reduce_max3A_560 : f32 to vector<16xf32>
    %select_n3A_578 = arith.select %eq3A_576, %broadcast_in_dim3A_577, %select_n3A_483 : vector<16xi1>, vector<16xf32>
    %eq3A_579 = arith.constant 2 : i32
    %eq3A_580 = vector.broadcast %eq3A_579 : i32 to vector<16xi32>
    %eq3A_581 = arith.cmpi eq, %iota3A, %eq3A_580 : vector<16xi32>
    %broadcast_in_dim3A_582 = vector.broadcast %reduce_min3A_573 : i32 to vector<16xi32>
    %select_n3A_583 = arith.select %eq3A_581, %broadcast_in_dim3A_582, %select_n3A_488 : vector<16xi1>, vector<16xi32>
    %mul3A_584 = arith.constant 4 : i32
    %mul3A_585 = arith.muli %arg1, %mul3A_584 : i32
    %add3A_586 = arith.constant 3 : i32
    %add3A_587 = arith.addi %mul3A_585, %add3A_586 : i32
    %broadcast_in_dim3A_588 = arith.constant -1.000000e+00 : f32
    %broadcast_in_dim3A_589 = vector.broadcast %broadcast_in_dim3A_588 : f32 to vector<16xf32>
    %broadcast_in_dim3A_590 = arith.constant 1073741824 : i32
    %broadcast_in_dim3A_591 = vector.broadcast %broadcast_in_dim3A_590 : i32 to vector<16xi32>
    %scan3A_592 = arith.constant 0 : i32
    %scan3A_593 = arith.constant 64 : i32
    %scan3A_594 = arith.addi %scan3A_592, %scan3A_593 : i32
    %scan3A_595 = arith.constant 1 : i32
    %scan3A_596:2 = scf.for %scan3A_770 = %scan3A_592 to %scan3A_594 step %scan3A_595 iter_args(%scan3A_771 = %broadcast_in_dim3A_589, %scan3A_772 = %broadcast_in_dim3A_591) -> (vector<16xf32>, vector<16xi32>)  : i32 {
      %mul3A_773 = arith.constant 16 : i32
      %mul3A_774 = arith.muli %scan3A_770, %mul3A_773 : i32
      %get3A_775 = arith.index_cast %mul3A_774 : i32 to index
      %get3A_776 = tpu.vector_load %arg26[%get3A_775] {strides = array<i32>} : memref<1024xf32, #tpu.memory_space<vmem>>, vector<16xf32>,
      %mul3A_777 = arith.constant 16 : i32
      %mul3A_778 = arith.muli %scan3A_770, %mul3A_777 : i32
      %get3A_779 = arith.index_cast %mul3A_778 : i32 to index
      %get3A_780 = tpu.vector_load %arg27[%get3A_779] {strides = array<i32>} : memref<1024xi32, #tpu.memory_space<vmem>>, vector<16xi32>,
      %mul3A_781 = arith.constant 16 : i32
      %mul3A_782 = arith.muli %scan3A_770, %mul3A_781 : i32
      %get3A_783 = arith.index_cast %mul3A_782 : i32 to index
      %get3A_784 = tpu.vector_load %arg28[%get3A_783] {strides = array<i32>} : memref<1024xi32, #tpu.memory_space<vmem>>, vector<16xi32>,
      %mul3A_785 = arith.constant 16 : i32
      %mul3A_786 = arith.muli %scan3A_770, %mul3A_785 : i32
      %add3A_787 = vector.broadcast %mul3A_786 : i32 to vector<16xi32>
      %add3A_788 = arith.addi %iota3A, %add3A_787 : vector<16xi32>
      %ne3A_789 = arith.constant 0 : i32
      %ne3A_790 = vector.broadcast %ne3A_789 : i32 to vector<16xi32>
      %ne3A_791 = arith.cmpi ne, %get3A_784, %ne3A_790 : vector<16xi32>
      %eq3A_792 = vector.broadcast %add3A_587 : i32 to vector<16xi32>
      %eq3A_793 = arith.cmpi eq, %get3A_780, %eq3A_792 : vector<16xi32>
      %and3A_794 = arith.andi %ne3A_791, %eq3A_793 : vector<16xi1>
      %ne3A_795 = arith.constant 1073741824 : i32
      %ne3A_796 = vector.broadcast %ne3A_795 : i32 to vector<16xi32>
      %ne3A_797 = arith.cmpi ne, %add3A_788, %ne3A_796 : vector<16xi32>
      %and3A_798 = arith.andi %and3A_794, %ne3A_797 : vector<16xi1>
      %ne3A_799 = arith.constant 1073741824 : i32
      %ne3A_800 = vector.broadcast %ne3A_799 : i32 to vector<16xi32>
      %ne3A_801 = arith.cmpi ne, %add3A_788, %ne3A_800 : vector<16xi32>
      %and3A_802 = arith.andi %and3A_798, %ne3A_801 : vector<16xi1>
      %gt3A_803 = arith.cmpf ogt, %get3A_776, %scan3A_771 : vector<16xf32>
      %eq3A_804 = arith.cmpf oeq, %get3A_776, %scan3A_771 : vector<16xf32>
      %lt3A_805 = arith.cmpi slt, %add3A_788, %scan3A_772 : vector<16xi32>
      %and3A_806 = arith.andi %eq3A_804, %lt3A_805 : vector<16xi1>
      %or3A_807 = arith.ori %gt3A_803, %and3A_806 : vector<16xi1>
      %and3A_808 = arith.andi %and3A_802, %or3A_807 : vector<16xi1>
      %select_n3A_809 = arith.select %and3A_808, %get3A_776, %scan3A_771 : vector<16xi1>, vector<16xf32>
      %select_n3A_810 = arith.select %and3A_808, %add3A_788, %scan3A_772 : vector<16xi1>, vector<16xi32>
      scf.yield %select_n3A_809, %select_n3A_810 : vector<16xf32>, vector<16xi32>
    }
    %scan3A_597 = arith.constant 64 : i32
    %reduce_max3A_598 = arith.constant true
    %reduce_max3A_599 = vector.broadcast %reduce_max3A_598 : i1 to vector<16xi1>
    %reduce_max3A_600 = tpu.scan <max>, %scan3A_596#0 masked %reduce_max3A_599 : vector<16xf32>, vector<16xi1> -> vector<16xf32>
    %reduce_max3A_601 = vector.extract %reduce_max3A_600[15] : f32 from vector<16xf32>
    %eq3A_602 = vector.broadcast %reduce_max3A_601 : f32 to vector<16xf32>
    %eq3A_603 = arith.cmpf oeq, %scan3A_596#0, %eq3A_602 : vector<16xf32>
    %jit3A_604 = arith.constant 1073741824 : i32
    %broadcast_in_dim3A_605 = vector.broadcast %jit3A_604 : i32 to vector<16xi32>
    %select_n3A_606 = arith.select %eq3A_603, %scan3A_596#1, %broadcast_in_dim3A_605 : vector<16xi1>, vector<16xi32>
    %reduce_min3A_607 = arith.constant true
    %reduce_min3A_608 = vector.broadcast %reduce_min3A_607 : i1 to vector<16xi1>
    %reduce_min3A_609 = arith.constant -2147483648 : i32
    %reduce_min3A_610 = vector.broadcast %reduce_min3A_609 : i32 to vector<16xi32>
    %reduce_min3A_611 = arith.xori %select_n3A_606, %reduce_min3A_610 : vector<16xi32>
    %reduce_min3A_612 = tpu.scan <min>, %reduce_min3A_611 masked %reduce_min3A_608 : vector<16xi32>, vector<16xi1> -> vector<16xi32>
    %reduce_min3A_613 = arith.xori %reduce_min3A_612, %reduce_min3A_610 : vector<16xi32>
    %reduce_min3A_614 = vector.extract %reduce_min3A_613[15] : i32 from vector<16xi32>
    %broadcast_in_dim3A_615 = arith.constant -1.000000e+00 : f32
    %broadcast_in_dim3A_616 = vector.broadcast %broadcast_in_dim3A_615 : f32 to vector<16xf32>
    %broadcast_in_dim3A_617 = arith.constant 1073741824 : i32
    %broadcast_in_dim3A_618 = vector.broadcast %broadcast_in_dim3A_617 : i32 to vector<16xi32>
    %scan3A_619 = arith.constant 0 : i32
    %scan3A_620 = arith.constant 64 : i32
    %scan3A_621 = arith.addi %scan3A_619, %scan3A_620 : i32
    %scan3A_622 = arith.constant 1 : i32
    %scan3A_623:2 = scf.for %scan3A_770 = %scan3A_619 to %scan3A_621 step %scan3A_622 iter_args(%scan3A_771 = %broadcast_in_dim3A_616, %scan3A_772 = %broadcast_in_dim3A_618) -> (vector<16xf32>, vector<16xi32>)  : i32 {
      %mul3A_773 = arith.constant 16 : i32
      %mul3A_774 = arith.muli %scan3A_770, %mul3A_773 : i32
      %get3A_775 = arith.index_cast %mul3A_774 : i32 to index
      %get3A_776 = tpu.vector_load %arg26[%get3A_775] {strides = array<i32>} : memref<1024xf32, #tpu.memory_space<vmem>>, vector<16xf32>,
      %mul3A_777 = arith.constant 16 : i32
      %mul3A_778 = arith.muli %scan3A_770, %mul3A_777 : i32
      %get3A_779 = arith.index_cast %mul3A_778 : i32 to index
      %get3A_780 = tpu.vector_load %arg27[%get3A_779] {strides = array<i32>} : memref<1024xi32, #tpu.memory_space<vmem>>, vector<16xi32>,
      %mul3A_781 = arith.constant 16 : i32
      %mul3A_782 = arith.muli %scan3A_770, %mul3A_781 : i32
      %get3A_783 = arith.index_cast %mul3A_782 : i32 to index
      %get3A_784 = tpu.vector_load %arg28[%get3A_783] {strides = array<i32>} : memref<1024xi32, #tpu.memory_space<vmem>>, vector<16xi32>,
      %mul3A_785 = arith.constant 16 : i32
      %mul3A_786 = arith.muli %scan3A_770, %mul3A_785 : i32
      %add3A_787 = vector.broadcast %mul3A_786 : i32 to vector<16xi32>
      %add3A_788 = arith.addi %iota3A, %add3A_787 : vector<16xi32>
      %ne3A_789 = arith.constant 0 : i32
      %ne3A_790 = vector.broadcast %ne3A_789 : i32 to vector<16xi32>
      %ne3A_791 = arith.cmpi ne, %get3A_784, %ne3A_790 : vector<16xi32>
      %eq3A_792 = vector.broadcast %add3A_587 : i32 to vector<16xi32>
      %eq3A_793 = arith.cmpi eq, %get3A_780, %eq3A_792 : vector<16xi32>
      %and3A_794 = arith.andi %ne3A_791, %eq3A_793 : vector<16xi1>
      %ne3A_795 = vector.broadcast %reduce_min3A_614 : i32 to vector<16xi32>
      %ne3A_796 = arith.cmpi ne, %add3A_788, %ne3A_795 : vector<16xi32>
      %and3A_797 = arith.andi %and3A_794, %ne3A_796 : vector<16xi1>
      %ne3A_798 = arith.constant 1073741824 : i32
      %ne3A_799 = vector.broadcast %ne3A_798 : i32 to vector<16xi32>
      %ne3A_800 = arith.cmpi ne, %add3A_788, %ne3A_799 : vector<16xi32>
      %and3A_801 = arith.andi %and3A_797, %ne3A_800 : vector<16xi1>
      %gt3A_802 = arith.cmpf ogt, %get3A_776, %scan3A_771 : vector<16xf32>
      %eq3A_803 = arith.cmpf oeq, %get3A_776, %scan3A_771 : vector<16xf32>
      %lt3A_804 = arith.cmpi slt, %add3A_788, %scan3A_772 : vector<16xi32>
      %and3A_805 = arith.andi %eq3A_803, %lt3A_804 : vector<16xi1>
      %or3A_806 = arith.ori %gt3A_802, %and3A_805 : vector<16xi1>
      %and3A_807 = arith.andi %and3A_801, %or3A_806 : vector<16xi1>
      %select_n3A_808 = arith.select %and3A_807, %get3A_776, %scan3A_771 : vector<16xi1>, vector<16xf32>
      %select_n3A_809 = arith.select %and3A_807, %add3A_788, %scan3A_772 : vector<16xi1>, vector<16xi32>
      scf.yield %select_n3A_808, %select_n3A_809 : vector<16xf32>, vector<16xi32>
    }
    %scan3A_624 = arith.constant 64 : i32
    %reduce_max3A_625 = arith.constant true
    %reduce_max3A_626 = vector.broadcast %reduce_max3A_625 : i1 to vector<16xi1>
    %reduce_max3A_627 = tpu.scan <max>, %scan3A_623#0 masked %reduce_max3A_626 : vector<16xf32>, vector<16xi1> -> vector<16xf32>
    %reduce_max3A_628 = vector.extract %reduce_max3A_627[15] : f32 from vector<16xf32>
    %eq3A_629 = vector.broadcast %reduce_max3A_628 : f32 to vector<16xf32>
    %eq3A_630 = arith.cmpf oeq, %scan3A_623#0, %eq3A_629 : vector<16xf32>
    %jit3A_631 = arith.constant 1073741824 : i32
    %broadcast_in_dim3A_632 = vector.broadcast %jit3A_631 : i32 to vector<16xi32>
    %select_n3A_633 = arith.select %eq3A_630, %scan3A_623#1, %broadcast_in_dim3A_632 : vector<16xi1>, vector<16xi32>
    %reduce_min3A_634 = arith.constant true
    %reduce_min3A_635 = vector.broadcast %reduce_min3A_634 : i1 to vector<16xi1>
    %reduce_min3A_636 = arith.constant -2147483648 : i32
    %reduce_min3A_637 = vector.broadcast %reduce_min3A_636 : i32 to vector<16xi32>
    %reduce_min3A_638 = arith.xori %select_n3A_633, %reduce_min3A_637 : vector<16xi32>
    %reduce_min3A_639 = tpu.scan <min>, %reduce_min3A_638 masked %reduce_min3A_635 : vector<16xi32>, vector<16xi1> -> vector<16xi32>
    %reduce_min3A_640 = arith.xori %reduce_min3A_639, %reduce_min3A_637 : vector<16xi32>
    %reduce_min3A_641 = vector.extract %reduce_min3A_640[15] : i32 from vector<16xi32>
    %broadcast_in_dim3A_642 = arith.constant -1.000000e+00 : f32
    %broadcast_in_dim3A_643 = vector.broadcast %broadcast_in_dim3A_642 : f32 to vector<16xf32>
    %broadcast_in_dim3A_644 = arith.constant 1073741824 : i32
    %broadcast_in_dim3A_645 = vector.broadcast %broadcast_in_dim3A_644 : i32 to vector<16xi32>
    %scan3A_646 = arith.constant 0 : i32
    %scan3A_647 = arith.constant 64 : i32
    %scan3A_648 = arith.addi %scan3A_646, %scan3A_647 : i32
    %scan3A_649 = arith.constant 1 : i32
    %scan3A_650:2 = scf.for %scan3A_770 = %scan3A_646 to %scan3A_648 step %scan3A_649 iter_args(%scan3A_771 = %broadcast_in_dim3A_643, %scan3A_772 = %broadcast_in_dim3A_645) -> (vector<16xf32>, vector<16xi32>)  : i32 {
      %mul3A_773 = arith.constant 16 : i32
      %mul3A_774 = arith.muli %scan3A_770, %mul3A_773 : i32
      %get3A_775 = arith.index_cast %mul3A_774 : i32 to index
      %get3A_776 = tpu.vector_load %arg26[%get3A_775] {strides = array<i32>} : memref<1024xf32, #tpu.memory_space<vmem>>, vector<16xf32>,
      %mul3A_777 = arith.constant 16 : i32
      %mul3A_778 = arith.muli %scan3A_770, %mul3A_777 : i32
      %get3A_779 = arith.index_cast %mul3A_778 : i32 to index
      %get3A_780 = tpu.vector_load %arg27[%get3A_779] {strides = array<i32>} : memref<1024xi32, #tpu.memory_space<vmem>>, vector<16xi32>,
      %mul3A_781 = arith.constant 16 : i32
      %mul3A_782 = arith.muli %scan3A_770, %mul3A_781 : i32
      %get3A_783 = arith.index_cast %mul3A_782 : i32 to index
      %get3A_784 = tpu.vector_load %arg28[%get3A_783] {strides = array<i32>} : memref<1024xi32, #tpu.memory_space<vmem>>, vector<16xi32>,
      %mul3A_785 = arith.constant 16 : i32
      %mul3A_786 = arith.muli %scan3A_770, %mul3A_785 : i32
      %add3A_787 = vector.broadcast %mul3A_786 : i32 to vector<16xi32>
      %add3A_788 = arith.addi %iota3A, %add3A_787 : vector<16xi32>
      %ne3A_789 = arith.constant 0 : i32
      %ne3A_790 = vector.broadcast %ne3A_789 : i32 to vector<16xi32>
      %ne3A_791 = arith.cmpi ne, %get3A_784, %ne3A_790 : vector<16xi32>
      %eq3A_792 = vector.broadcast %add3A_587 : i32 to vector<16xi32>
      %eq3A_793 = arith.cmpi eq, %get3A_780, %eq3A_792 : vector<16xi32>
      %and3A_794 = arith.andi %ne3A_791, %eq3A_793 : vector<16xi1>
      %ne3A_795 = vector.broadcast %reduce_min3A_614 : i32 to vector<16xi32>
      %ne3A_796 = arith.cmpi ne, %add3A_788, %ne3A_795 : vector<16xi32>
      %and3A_797 = arith.andi %and3A_794, %ne3A_796 : vector<16xi1>
      %ne3A_798 = vector.broadcast %reduce_min3A_641 : i32 to vector<16xi32>
      %ne3A_799 = arith.cmpi ne, %add3A_788, %ne3A_798 : vector<16xi32>
      %and3A_800 = arith.andi %and3A_797, %ne3A_799 : vector<16xi1>
      %gt3A_801 = arith.cmpf ogt, %get3A_776, %scan3A_771 : vector<16xf32>
      %eq3A_802 = arith.cmpf oeq, %get3A_776, %scan3A_771 : vector<16xf32>
      %lt3A_803 = arith.cmpi slt, %add3A_788, %scan3A_772 : vector<16xi32>
      %and3A_804 = arith.andi %eq3A_802, %lt3A_803 : vector<16xi1>
      %or3A_805 = arith.ori %gt3A_801, %and3A_804 : vector<16xi1>
      %and3A_806 = arith.andi %and3A_800, %or3A_805 : vector<16xi1>
      %select_n3A_807 = arith.select %and3A_806, %get3A_776, %scan3A_771 : vector<16xi1>, vector<16xf32>
      %select_n3A_808 = arith.select %and3A_806, %add3A_788, %scan3A_772 : vector<16xi1>, vector<16xi32>
      scf.yield %select_n3A_807, %select_n3A_808 : vector<16xf32>, vector<16xi32>
    }
    %scan3A_651 = arith.constant 64 : i32
    %reduce_max3A_652 = arith.constant true
    %reduce_max3A_653 = vector.broadcast %reduce_max3A_652 : i1 to vector<16xi1>
    %reduce_max3A_654 = tpu.scan <max>, %scan3A_650#0 masked %reduce_max3A_653 : vector<16xf32>, vector<16xi1> -> vector<16xf32>
    %reduce_max3A_655 = vector.extract %reduce_max3A_654[15] : f32 from vector<16xf32>
    %eq3A_656 = vector.broadcast %reduce_max3A_655 : f32 to vector<16xf32>
    %eq3A_657 = arith.cmpf oeq, %scan3A_650#0, %eq3A_656 : vector<16xf32>
    %jit3A_658 = arith.constant 1073741824 : i32
    %broadcast_in_dim3A_659 = vector.broadcast %jit3A_658 : i32 to vector<16xi32>
    %select_n3A_660 = arith.select %eq3A_657, %scan3A_650#1, %broadcast_in_dim3A_659 : vector<16xi1>, vector<16xi32>
    %reduce_min3A_661 = arith.constant true
    %reduce_min3A_662 = vector.broadcast %reduce_min3A_661 : i1 to vector<16xi1>
    %reduce_min3A_663 = arith.constant -2147483648 : i32
    %reduce_min3A_664 = vector.broadcast %reduce_min3A_663 : i32 to vector<16xi32>
    %reduce_min3A_665 = arith.xori %select_n3A_660, %reduce_min3A_664 : vector<16xi32>
    %reduce_min3A_666 = tpu.scan <min>, %reduce_min3A_665 masked %reduce_min3A_662 : vector<16xi32>, vector<16xi1> -> vector<16xi32>
    %reduce_min3A_667 = arith.xori %reduce_min3A_666, %reduce_min3A_664 : vector<16xi32>
    %reduce_min3A_668 = vector.extract %reduce_min3A_667[15] : i32 from vector<16xi32>
    %eq3A_669 = arith.constant 3 : i32
    %eq3A_670 = vector.broadcast %eq3A_669 : i32 to vector<16xi32>
    %eq3A_671 = arith.cmpi eq, %iota3A, %eq3A_670 : vector<16xi32>
    %broadcast_in_dim3A_672 = vector.broadcast %reduce_max3A_655 : f32 to vector<16xf32>
    %select_n3A_673 = arith.select %eq3A_671, %broadcast_in_dim3A_672, %select_n3A_578 : vector<16xi1>, vector<16xf32>
    %eq3A_674 = arith.constant 3 : i32
    %eq3A_675 = vector.broadcast %eq3A_674 : i32 to vector<16xi32>
    %eq3A_676 = arith.cmpi eq, %iota3A, %eq3A_675 : vector<16xi32>
    %broadcast_in_dim3A_677 = vector.broadcast %reduce_min3A_668 : i32 to vector<16xi32>
    %select_n3A_678 = arith.select %eq3A_676, %broadcast_in_dim3A_677, %select_n3A_583 : vector<16xi1>, vector<16xi32>
    %swap3A_679 = arith.constant 0 : index
    %swap3A_680 = tpu.vector_load %arg29[%swap3A_679] {strides = array<i32>} : memref<16xf32, #tpu.memory_space<vmem>>, vector<16xf32>,
    tpu.vector_store %arg29[%swap3A_679], %select_n3A_673 {strides = array<i32>} : memref<16xf32, #tpu.memory_space<vmem>>, vector<16xf32>,
    %swap3A_681 = arith.constant 0 : index
    %swap3A_682 = tpu.vector_load %arg30[%swap3A_681] {strides = array<i32>} : memref<16xi32, #tpu.memory_space<vmem>>, vector<16xi32>,
    tpu.vector_store %arg30[%swap3A_681], %select_n3A_678 {strides = array<i32>} : memref<16xi32, #tpu.memory_space<vmem>>, vector<16xi32>,
    %mul3A_683 = arith.constant 16 : i32
    %mul3A_684 = arith.muli %arg1, %mul3A_683 : i32
    "tpu.region"() ({
      %run_scoped3A = tpu.sem_alloc : memref<!tpu.dma_semaphore, #tpu.memory_space<semaphore_mem>>
      %dma_start3A = tpu.memref_slice %arg40[%mul3A_684] : memref<256xf32, #tpu.memory_space<vmem_shared>> -> memref<16xf32, #tpu.memory_space<vmem_shared>>
      %dma_start3A_770 = tpu.memref_slice %arg40[%mul3A_684] : memref<256xf32, #tpu.memory_space<vmem_shared>> -> memref<16xf32, #tpu.memory_space<vmem_shared>>
      tpu.enqueue_dma source(%arg29 : memref<16xf32, #tpu.memory_space<vmem>>) target(%dma_start3A_770 : memref<16xf32, #tpu.memory_space<vmem_shared>>) target_semaphore(%run_scoped3A : memref<!tpu.dma_semaphore, #tpu.memory_space<semaphore_mem>>)
      %dma_wait3A = tpu.memref_slice %arg40[%mul3A_684] : memref<256xf32, #tpu.memory_space<vmem_shared>> -> memref<16xf32, #tpu.memory_space<vmem_shared>>
      %dma_wait3A_771 = tpu.memref_slice %arg40[%mul3A_684] : memref<256xf32, #tpu.memory_space<vmem_shared>> -> memref<16xf32, #tpu.memory_space<vmem_shared>>
      tpu.wait_dma2 semaphore(%run_scoped3A : memref<!tpu.dma_semaphore, #tpu.memory_space<semaphore_mem>>) src(%arg29 : memref<16xf32, #tpu.memory_space<vmem>>) dst(%dma_wait3A_771 : memref<16xf32, #tpu.memory_space<vmem_shared>>)
      tpu.yield
    }) : () -> ()
    %mul3A_685 = arith.constant 16 : i32
    %mul3A_686 = arith.muli %arg1, %mul3A_685 : i32
    "tpu.region"() ({
      %run_scoped3A = tpu.sem_alloc : memref<!tpu.dma_semaphore, #tpu.memory_space<semaphore_mem>>
      %dma_start3A = tpu.memref_slice %arg41[%mul3A_686] : memref<256xi32, #tpu.memory_space<vmem_shared>> -> memref<16xi32, #tpu.memory_space<vmem_shared>>
      %dma_start3A_770 = tpu.memref_slice %arg41[%mul3A_686] : memref<256xi32, #tpu.memory_space<vmem_shared>> -> memref<16xi32, #tpu.memory_space<vmem_shared>>
      tpu.enqueue_dma source(%arg30 : memref<16xi32, #tpu.memory_space<vmem>>) target(%dma_start3A_770 : memref<16xi32, #tpu.memory_space<vmem_shared>>) target_semaphore(%run_scoped3A : memref<!tpu.dma_semaphore, #tpu.memory_space<semaphore_mem>>)
      %dma_wait3A = tpu.memref_slice %arg41[%mul3A_686] : memref<256xi32, #tpu.memory_space<vmem_shared>> -> memref<16xi32, #tpu.memory_space<vmem_shared>>
      %dma_wait3A_771 = tpu.memref_slice %arg41[%mul3A_686] : memref<256xi32, #tpu.memory_space<vmem_shared>> -> memref<16xi32, #tpu.memory_space<vmem_shared>>
      tpu.wait_dma2 semaphore(%run_scoped3A : memref<!tpu.dma_semaphore, #tpu.memory_space<semaphore_mem>>) src(%arg30 : memref<16xi32, #tpu.memory_space<vmem>>) dst(%dma_wait3A_771 : memref<16xi32, #tpu.memory_space<vmem_shared>>)
      tpu.yield
    }) : () -> ()
    %barrier3A_687 = arith.constant 0 : index
    tpu.barrier barrier_id(%barrier3A_687)
    "tpu.region"() ({
      %run_scoped3A = tpu.sem_alloc : memref<!tpu.dma_semaphore, #tpu.memory_space<semaphore_mem>>
      tpu.enqueue_dma source(%arg40 : memref<256xf32, #tpu.memory_space<vmem_shared>>) target(%arg31 : memref<256xf32, #tpu.memory_space<vmem>>) target_semaphore(%run_scoped3A : memref<!tpu.dma_semaphore, #tpu.memory_space<semaphore_mem>>)
      tpu.wait_dma2 semaphore(%run_scoped3A : memref<!tpu.dma_semaphore, #tpu.memory_space<semaphore_mem>>) src(%arg40 : memref<256xf32, #tpu.memory_space<vmem_shared>>) dst(%arg31 : memref<256xf32, #tpu.memory_space<vmem>>)
      tpu.yield
    }) : () -> ()
    "tpu.region"() ({
      %run_scoped3A = tpu.sem_alloc : memref<!tpu.dma_semaphore, #tpu.memory_space<semaphore_mem>>
      tpu.enqueue_dma source(%arg41 : memref<256xi32, #tpu.memory_space<vmem_shared>>) target(%arg32 : memref<256xi32, #tpu.memory_space<vmem>>) target_semaphore(%run_scoped3A : memref<!tpu.dma_semaphore, #tpu.memory_space<semaphore_mem>>)
      tpu.wait_dma2 semaphore(%run_scoped3A : memref<!tpu.dma_semaphore, #tpu.memory_space<semaphore_mem>>) src(%arg41 : memref<256xi32, #tpu.memory_space<vmem_shared>>) dst(%arg32 : memref<256xi32, #tpu.memory_space<vmem>>)
      tpu.yield
    }) : () -> ()
    %mul3A_688 = arith.constant 512 : i32
    %mul3A_689 = arith.muli %arg0, %mul3A_688 : i32
    %mul3A_690 = arith.constant 32 : i32
    %mul3A_691 = arith.muli %arg1, %mul3A_690 : i32
    %add3A_692 = arith.addi %mul3A_689, %mul3A_691 : i32
    %add3A_693 = arith.constant 0 : i32
    %add3A_694 = arith.addi %add3A_692, %add3A_693 : i32
    %get3A_695 = arith.index_cast %add3A_694 : i32 to index
    %get3A_696 = tpu.vector_load %arg26[%get3A_695] {strides = array<i32>} : memref<1024xf32, #tpu.memory_space<vmem>>, vector<16xf32>,
    %get3A_697 = arith.index_cast %add3A_694 : i32 to index
    %get3A_698 = tpu.vector_load %arg27[%get3A_697] {strides = array<i32>} : memref<1024xi32, #tpu.memory_space<vmem>>, vector<16xi32>,
    %get3A_699 = arith.index_cast %add3A_694 : i32 to index
    %get3A_700 = tpu.vector_load %arg28[%get3A_699] {strides = array<i32>} : memref<1024xi32, #tpu.memory_space<vmem>>, vector<16xi32>,
    %add3A_701 = vector.broadcast %add3A_694 : i32 to vector<16xi32>
    %add3A_702 = arith.addi %add3A_701, %iota3A : vector<16xi32>
    %shift_right_arithmetic3A = arith.constant 2 : i32
    %shift_right_arithmetic3A_703 = vector.broadcast %shift_right_arithmetic3A : i32 to vector<16xi32>
    %shift_right_arithmetic3A_704 = arith.shrsi %get3A_698, %shift_right_arithmetic3A_703 : vector<16xi32>
    %shift_left3A = arith.constant 4 : i32
    %shift_left3A_705 = vector.broadcast %shift_left3A : i32 to vector<16xi32>
    %shift_left3A_706 = arith.shli %shift_right_arithmetic3A_704, %shift_left3A_705 : vector<16xi32>
    %and3A_707 = arith.constant 3 : i32
    %and3A_708 = vector.broadcast %and3A_707 : i32 to vector<16xi32>
    %and3A_709 = arith.andi %get3A_698, %and3A_708 : vector<16xi32>
    %or3A = arith.ori %shift_left3A_706, %and3A_709 : vector<16xi32>
    %gather3A_710 = tpu.vector_load_idx %arg31[%or3A] : memref<256xf32, #tpu.memory_space<vmem>>[vector<16xi32>], vector<16xf32>,
    %gather3A_711 = tpu.vector_load_idx %arg32[%or3A] : memref<256xi32, #tpu.memory_space<vmem>>[vector<16xi32>], vector<16xi32>,
    %ne3A = arith.constant 0 : i32
    %ne3A_712 = vector.broadcast %ne3A : i32 to vector<16xi32>
    %ne3A_713 = arith.cmpi ne, %get3A_700, %ne3A_712 : vector<16xi32>
    %gt3A_714 = arith.cmpf ogt, %get3A_696, %gather3A_710 : vector<16xf32>
    %eq3A_715 = arith.cmpf oeq, %get3A_696, %gather3A_710 : vector<16xf32>
    %le3A = arith.cmpi sle, %add3A_702, %gather3A_711 : vector<16xi32>
    %and3A_716 = arith.andi %eq3A_715, %le3A : vector<16xi1>
    %or3A_717 = arith.ori %gt3A_714, %and3A_716 : vector<16xi1>
    %and3A_718 = arith.andi %ne3A_713, %or3A_717 : vector<16xi1>
    %convert_element_type3A_719 = arith.extui %and3A_718 : vector<16xi1> to vector<16xi32>
    %convert_element_type3A_720 = arith.sitofp %convert_element_type3A_719 : vector<16xi32> to vector<16xf32>
    %mul3A_721 = arith.mulf %get3A_696, %convert_element_type3A_720 : vector<16xf32>
    %swap3A_722 = arith.constant 0 : index
    %swap3A_723 = tpu.vector_load %arg33[%swap3A_722] {strides = array<i32>} : memref<32xf32, #tpu.memory_space<vmem>>, vector<16xf32>,
    tpu.vector_store %arg33[%swap3A_722], %mul3A_721 {strides = array<i32>} : memref<32xf32, #tpu.memory_space<vmem>>, vector<16xf32>,
    %convert_element_type3A_724 = arith.extui %and3A_718 : vector<16xi1> to vector<16xi32>
    %swap3A_725 = arith.constant 0 : index
    %swap3A_726 = tpu.vector_load %arg34[%swap3A_725] {strides = array<i32>} : memref<32xi32, #tpu.memory_space<vmem>>, vector<16xi32>,
    tpu.vector_store %arg34[%swap3A_725], %convert_element_type3A_724 {strides = array<i32>} : memref<32xi32, #tpu.memory_space<vmem>>, vector<16xi32>,
    %swap3A_727 = arith.constant 0 : index
    %swap3A_728 = tpu.vector_load %arg35[%swap3A_727] {strides = array<i32>} : memref<32xi32, #tpu.memory_space<vmem>>, vector<16xi32>,
    tpu.vector_store %arg35[%swap3A_727], %get3A_698 {strides = array<i32>} : memref<32xi32, #tpu.memory_space<vmem>>, vector<16xi32>,
    %add3A_729 = arith.constant 16 : i32
    %add3A_730 = arith.addi %add3A_692, %add3A_729 : i32
    %get3A_731 = arith.index_cast %add3A_730 : i32 to index
    %get3A_732 = tpu.vector_load %arg26[%get3A_731] {strides = array<i32>} : memref<1024xf32, #tpu.memory_space<vmem>>, vector<16xf32>,
    %get3A_733 = arith.index_cast %add3A_730 : i32 to index
    %get3A_734 = tpu.vector_load %arg27[%get3A_733] {strides = array<i32>} : memref<1024xi32, #tpu.memory_space<vmem>>, vector<16xi32>,
    %get3A_735 = arith.index_cast %add3A_730 : i32 to index
    %get3A_736 = tpu.vector_load %arg28[%get3A_735] {strides = array<i32>} : memref<1024xi32, #tpu.memory_space<vmem>>, vector<16xi32>,
    %add3A_737 = vector.broadcast %add3A_730 : i32 to vector<16xi32>
    %add3A_738 = arith.addi %add3A_737, %iota3A : vector<16xi32>
    %shift_right_arithmetic3A_739 = arith.constant 2 : i32
    %shift_right_arithmetic3A_740 = vector.broadcast %shift_right_arithmetic3A_739 : i32 to vector<16xi32>
    %shift_right_arithmetic3A_741 = arith.shrsi %get3A_734, %shift_right_arithmetic3A_740 : vector<16xi32>
    %shift_left3A_742 = arith.constant 4 : i32
    %shift_left3A_743 = vector.broadcast %shift_left3A_742 : i32 to vector<16xi32>
    %shift_left3A_744 = arith.shli %shift_right_arithmetic3A_741, %shift_left3A_743 : vector<16xi32>
    %and3A_745 = arith.constant 3 : i32
    %and3A_746 = vector.broadcast %and3A_745 : i32 to vector<16xi32>
    %and3A_747 = arith.andi %get3A_734, %and3A_746 : vector<16xi32>
    %or3A_748 = arith.ori %shift_left3A_744, %and3A_747 : vector<16xi32>
    %gather3A_749 = tpu.vector_load_idx %arg31[%or3A_748] : memref<256xf32, #tpu.memory_space<vmem>>[vector<16xi32>], vector<16xf32>,
    %gather3A_750 = tpu.vector_load_idx %arg32[%or3A_748] : memref<256xi32, #tpu.memory_space<vmem>>[vector<16xi32>], vector<16xi32>,
    %ne3A_751 = arith.constant 0 : i32
    %ne3A_752 = vector.broadcast %ne3A_751 : i32 to vector<16xi32>
    %ne3A_753 = arith.cmpi ne, %get3A_736, %ne3A_752 : vector<16xi32>
    %gt3A_754 = arith.cmpf ogt, %get3A_732, %gather3A_749 : vector<16xf32>
    %eq3A_755 = arith.cmpf oeq, %get3A_732, %gather3A_749 : vector<16xf32>
    %le3A_756 = arith.cmpi sle, %add3A_738, %gather3A_750 : vector<16xi32>
    %and3A_757 = arith.andi %eq3A_755, %le3A_756 : vector<16xi1>
    %or3A_758 = arith.ori %gt3A_754, %and3A_757 : vector<16xi1>
    %and3A_759 = arith.andi %ne3A_753, %or3A_758 : vector<16xi1>
    %convert_element_type3A_760 = arith.extui %and3A_759 : vector<16xi1> to vector<16xi32>
    %convert_element_type3A_761 = arith.sitofp %convert_element_type3A_760 : vector<16xi32> to vector<16xf32>
    %mul3A_762 = arith.mulf %get3A_732, %convert_element_type3A_761 : vector<16xf32>
    %swap3A_763 = arith.constant 16 : index
    %swap3A_764 = tpu.vector_load %arg33[%swap3A_763] {strides = array<i32>} : memref<32xf32, #tpu.memory_space<vmem>>, vector<16xf32>,
    tpu.vector_store %arg33[%swap3A_763], %mul3A_762 {strides = array<i32>} : memref<32xf32, #tpu.memory_space<vmem>>, vector<16xf32>,
    %convert_element_type3A_765 = arith.extui %and3A_759 : vector<16xi1> to vector<16xi32>
    %swap3A_766 = arith.constant 16 : index
    %swap3A_767 = tpu.vector_load %arg34[%swap3A_766] {strides = array<i32>} : memref<32xi32, #tpu.memory_space<vmem>>, vector<16xi32>,
    tpu.vector_store %arg34[%swap3A_766], %convert_element_type3A_765 {strides = array<i32>} : memref<32xi32, #tpu.memory_space<vmem>>, vector<16xi32>,
    %swap3A_768 = arith.constant 16 : index
    %swap3A_769 = tpu.vector_load %arg35[%swap3A_768] {strides = array<i32>} : memref<32xi32, #tpu.memory_space<vmem>>, vector<16xi32>,
    tpu.vector_store %arg35[%swap3A_768], %get3A_734 {strides = array<i32>} : memref<32xi32, #tpu.memory_space<vmem>>, vector<16xi32>,
    "tpu.region"() ({
      %run_scoped3A = tpu.sem_alloc : memref<!tpu.dma_semaphore, #tpu.memory_space<semaphore_mem>>
      %dma_start3A = tpu.memref_slice %arg10[%add3A_692] : memref<1024xf32, #tpu.memory_space<hbm>> -> memref<32xf32, #tpu.memory_space<hbm>>
      %dma_start3A_770 = tpu.memref_slice %arg10[%add3A_692] : memref<1024xf32, #tpu.memory_space<hbm>> -> memref<32xf32, #tpu.memory_space<hbm>>
      tpu.enqueue_dma source(%arg33 : memref<32xf32, #tpu.memory_space<vmem>>) target(%dma_start3A_770 : memref<32xf32, #tpu.memory_space<hbm>>) target_semaphore(%run_scoped3A : memref<!tpu.dma_semaphore, #tpu.memory_space<semaphore_mem>>)
      %dma_wait3A = tpu.memref_slice %arg10[%add3A_692] : memref<1024xf32, #tpu.memory_space<hbm>> -> memref<32xf32, #tpu.memory_space<hbm>>
      %dma_wait3A_771 = tpu.memref_slice %arg10[%add3A_692] : memref<1024xf32, #tpu.memory_space<hbm>> -> memref<32xf32, #tpu.memory_space<hbm>>
      tpu.wait_dma2 semaphore(%run_scoped3A : memref<!tpu.dma_semaphore, #tpu.memory_space<semaphore_mem>>) src(%arg33 : memref<32xf32, #tpu.memory_space<vmem>>) dst(%dma_wait3A_771 : memref<32xf32, #tpu.memory_space<hbm>>)
      tpu.yield
    }) : () -> ()
    "tpu.region"() ({
      %run_scoped3A = tpu.sem_alloc : memref<!tpu.dma_semaphore, #tpu.memory_space<semaphore_mem>>
      %dma_start3A = tpu.memref_slice %arg11[%add3A_692] : memref<1024xi32, #tpu.memory_space<hbm>> -> memref<32xi32, #tpu.memory_space<hbm>>
      %dma_start3A_770 = tpu.memref_slice %arg11[%add3A_692] : memref<1024xi32, #tpu.memory_space<hbm>> -> memref<32xi32, #tpu.memory_space<hbm>>
      tpu.enqueue_dma source(%arg34 : memref<32xi32, #tpu.memory_space<vmem>>) target(%dma_start3A_770 : memref<32xi32, #tpu.memory_space<hbm>>) target_semaphore(%run_scoped3A : memref<!tpu.dma_semaphore, #tpu.memory_space<semaphore_mem>>)
      %dma_wait3A = tpu.memref_slice %arg11[%add3A_692] : memref<1024xi32, #tpu.memory_space<hbm>> -> memref<32xi32, #tpu.memory_space<hbm>>
      %dma_wait3A_771 = tpu.memref_slice %arg11[%add3A_692] : memref<1024xi32, #tpu.memory_space<hbm>> -> memref<32xi32, #tpu.memory_space<hbm>>
      tpu.wait_dma2 semaphore(%run_scoped3A : memref<!tpu.dma_semaphore, #tpu.memory_space<semaphore_mem>>) src(%arg34 : memref<32xi32, #tpu.memory_space<vmem>>) dst(%dma_wait3A_771 : memref<32xi32, #tpu.memory_space<hbm>>)
      tpu.yield
    }) : () -> ()
    "tpu.region"() ({
      %run_scoped3A = tpu.sem_alloc : memref<!tpu.dma_semaphore, #tpu.memory_space<semaphore_mem>>
      %dma_start3A = tpu.memref_slice %arg12[%add3A_692] : memref<1024xi32, #tpu.memory_space<hbm>> -> memref<32xi32, #tpu.memory_space<hbm>>
      %dma_start3A_770 = tpu.memref_slice %arg12[%add3A_692] : memref<1024xi32, #tpu.memory_space<hbm>> -> memref<32xi32, #tpu.memory_space<hbm>>
      tpu.enqueue_dma source(%arg35 : memref<32xi32, #tpu.memory_space<vmem>>) target(%dma_start3A_770 : memref<32xi32, #tpu.memory_space<hbm>>) target_semaphore(%run_scoped3A : memref<!tpu.dma_semaphore, #tpu.memory_space<semaphore_mem>>)
      %dma_wait3A = tpu.memref_slice %arg12[%add3A_692] : memref<1024xi32, #tpu.memory_space<hbm>> -> memref<32xi32, #tpu.memory_space<hbm>>
      %dma_wait3A_771 = tpu.memref_slice %arg12[%add3A_692] : memref<1024xi32, #tpu.memory_space<hbm>> -> memref<32xi32, #tpu.memory_space<hbm>>
      tpu.wait_dma2 semaphore(%run_scoped3A : memref<!tpu.dma_semaphore, #tpu.memory_space<semaphore_mem>>) src(%arg35 : memref<32xi32, #tpu.memory_space<vmem>>) dst(%dma_wait3A_771 : memref<32xi32, #tpu.memory_space<hbm>>)
      tpu.yield
    }) : () -> ()
    return
  }
}

</mosaic_0001>

<sc_bundles>
// kernel: kernel.3.cloned.1.call-start
scs
__scs_entry_jumppad:
0x0: {  	(pc) =	sbr.rel $0x88, $3  }
0x1: {  	(tag) =	ssettag $0x0;
	lr =	simm.s32 $0x1  }
0x2: {  	[smem:$0x3F9D] =	sst lr;
	_ =	strace $0xD0000000  }
0x3: {  	_ = 	snop  }
0x4: {  	_ = 	snop  }
0x5: {  	_ = 	snop  }
0x6: {  	_ = 	snop  }
0x7: {  	_ = 	snop  }
__scs_overlays_trampoline_lowered:
0x8: {  	[smem:$0x3FAC] =	sst s0  }
0x9: {  	[smem:$0x3FAD] =	sst s1  }
0xa: {  	[smem:$0x3FAE] =	sst s2  }
0xb: {  	[smem:$0x3FAF] =	sst s3  }
0xc: {  	[smem:$0x3FB0] =	sst s4  }
0xd: {  	[smem:$0x3FB1] =	sst s5  }
0xe: {  	[smem:$0x3FB2] =	sst s6  }
0xf: {  	[smem:$0x3FB3] =	sst s7  }
0x10: {  	[smem:$0x3FB4] =	sst s8  }
0x11: {  	[smem:$0x3FB5] =	sst s9;
	s0 =	simm.s32 @!p0 $0x0  }
0x12: {  	s1 =	sld [smem:$0x3F9B];
	s0 =	simm.s32 @p0 $0x1  }
0x13: {  	[smem:$0x3FB6] =	sst s0;
	s0 =	simm.s32 @!p1 $0x0  }
0x14: {  	s2 =	sld [smem:$0x3F9A];
	s0 =	simm.s32 @p1 $0x1  }
0x15: {  	[smem:$0x3FB7] =	sst s0;
	s0 =	simm.s32 @!p2 $0x0  }
0x16: {  	s3 =	sld [smem:$0x3FDB];
	s0 =	simm.s32 @p2 $0x1  }
0x17: {  	s4 =	simm.s32 $0x1BF5;
	[smem:$0x3FB9] =	sst s0  }
0x18: {  	s0 =	sld [smem:$0x3F9C];
	_ =	swait.ge [sflag:s4], $0x0  }
0x19: {  	s7 =	sld [smem:$0x3F9D]  }
0x1a: {  	s8 =	sadd.s32 $0xFFFFE003, lr  }
0x1b: {  	s9 =	sadd.s32 $0xFFFFFEF7, lr;
	s5 =	simm.s32 $0xFFFFFFFF;
	p2 =	slt.u32 s8, $0xFFFFF086  }
0x1c: {  	p1 =	slt.u32 s9, $0xF7A;
	s5 =	simm.s32 @!p2 $0x0  }
0x1d: {  	s5 =	simm.s32 @p1 $0x1;
	p0 =	seq.s32 s7, s2  }
0x1e: {  	s7 =	smul.u32 @!p0 $0xF7A, s2;
	p2 =	seq.s32 @!p0 s5, $0x0  }
0x1f: {  	s9 =	smul.u32 $0xF7A, s1;
	s8 =	simm.s32 @!p0 $0x1BF5;
	p2 =	por !p2, p0  }
0x20: {  	[sflag:s8] =	ssyncset.s32 @!p0 $0xFFFFF086;
	s6 =	sadd.s32 @!p0 s3, s7;
	s7 =	simm.s32 @!p0 $0x108  }
0x21: {  	s3 =	sadd.s32 s3, s9;
	s6 =	sadd.s32 @!p0 $0x88, s6;
	s7 =	simm.s32 @p2 $0x1082  }
0x22: {  	[simem:s7], [sflag:s8] =	dma.local @!p0 [hbm:s6], $0xF7A  }
0x23: {  	s9 =	sor.u32 $0xD0000000, s2;
	s6 =	simm.s32 $0x108;
	_ =	swait.ge @!p0 [sflag:s8], $0x0  }
0x24: {  	s3 =	sadd.s32 $0x88, s3;
	s6 =	simm.s32 @!p1 $0x1082;
	[sflag:s4] =	ssyncset.s32 $0xFFFFF086  }
0x25: {  	[simem:s6], [sflag:s4] =	dma.local [hbm:s3], $0xF7A  }
0x26: {  	[smem:$0x3F9D] =	sst s1;
	(tag) =	ssettag s2;
	_ =	strace s9  }
0x27: {  	s1 =	sld [smem:$0x3FAD]  }
0x28: {  	s2 =	sld [smem:$0x3FAE]  }
0x29: {  	s4 =	sld [smem:$0x3FB0]  }
0x2a: {  	p0 =	seq.s32 s5, $0x0;
	s5 =	sld [smem:$0x3FB1]  }
0x2b: {  	s6 =	sld [smem:$0x3FB2]  }
0x2c: {  	s7 =	sld [smem:$0x3FB3]  }
0x2d: {  	s3 =	simm.s32 $0x108;
	s8 =	sld [smem:$0x3FB4]  }
0x2e: {  	s3 =	simm.s32 @!p0 $0x1082;
	s9 =	sld [smem:$0x3FB5]  }
0x2f: {  	lr =	sadd.s32 s0, s3;
	s0 =	sld [smem:$0x3FAC]  }
0x30: {  	s3 =	sld [smem:$0x3FAF]  }
0x31: {  	[smem:$0x3FB8] =	sst s10  }
0x32: {  	s10 =	sld [smem:$0x3FB6];
	_ =	sdelay $0x3  }
0x33: {  	p0 =	seq.s32 s10, $0x1;
	s10 =	sld [smem:$0x3FB8];
	_ =	sdelay $0x3  }
0x34: {  	[smem:$0x3FB8] =	sst s10  }
0x35: {  	s10 =	sld [smem:$0x3FB7];
	_ =	sdelay $0x3  }
0x36: {  	p1 =	seq.s32 s10, $0x1;
	s10 =	sld [smem:$0x3FB8];
	_ =	sdelay $0x3  }
0x37: {  	[smem:$0x3FB8] =	sst s10  }
0x38: {  	s10 =	sld [smem:$0x3FB9]  }
0x39: {  	_ = 	snop;
	(pc) =	sbr.ind lr, $3  }
0x3a: {  	_ = 	snop  }
0x3b: {  	_ = 	snop  }
0x3c: {  	p2 =	seq.s32 s10, $0x1;
	s10 =	sld [smem:$0x3FB8]  }
0x3d: {  	_ =	shalt  }
0x3e: {  	_ =	shalt  }
0x3f: {  	_ =	shalt  }
0x40: {  	_ =	shalt  }
0x41: {  	_ =	shalt  }
0x42: {  	_ =	shalt  }
0x43: {  	_ =	shalt  }
0x44: {  	_ =	shalt  }
0x45: {  	_ =	shalt  }
0x46: {  	_ =	shalt  }
0x47: {  	_ =	shalt  }
0x48: {  	_ =	shalt  }
0x49: {  	_ =	shalt  }
0x4a: {  	_ =	shalt  }
0x4b: {  	_ =	shalt  }
0x4c: {  	_ =	shalt  }
0x4d: {  	_ =	shalt  }
0x4e: {  	_ =	shalt  }
0x4f: {  	_ =	shalt  }
0x50: {  	_ =	shalt  }
0x51: {  	_ =	shalt  }
0x52: {  	_ =	shalt  }
0x53: {  	_ =	shalt  }
0x54: {  	_ =	shalt  }
0x55: {  	_ =	shalt  }
0x56: {  	_ =	shalt  }
0x57: {  	_ =	shalt  }
0x58: {  	_ =	shalt  }
0x59: {  	_ =	shalt  }
0x5a: {  	_ =	shalt  }
0x5b: {  	_ =	shalt  }
0x5c: {  	_ =	shalt  }
0x5d: {  	_ =	shalt  }
0x5e: {  	_ =	shalt  }
0x5f: {  	_ =	shalt  }
0x60: {  	_ =	shalt  }
0x61: {  	_ =	shalt  }
0x62: {  	_ =	shalt  }
0x63: {  	_ =	shalt  }
0x64: {  	_ =	shalt  }
0x65: {  	_ =	shalt  }
0x66: {  	_ =	shalt  }
0x67: {  	_ =	shalt  }
0x68: {  	_ =	shalt  }
0x69: {  	_ =	shalt  }
0x6a: {  	_ =	shalt  }
0x6b: {  	_ =	shalt  }
0x6c: {  	_ =	shalt  }
0x6d: {  	_ =	shalt  }
0x6e: {  	_ =	shalt  }
0x6f: {  	_ =	shalt  }
0x70: {  	_ =	shalt  }
0x71: {  	_ =	shalt  }
0x72: {  	_ =	shalt  }
0x73: {  	_ =	shalt  }
0x74: {  	_ =	shalt  }
0x75: {  	_ =	shalt  }
0x76: {  	_ =	shalt  }
0x77: {  	_ =	shalt  }
0x78: {  	_ =	shalt  }
0x79: {  	_ =	shalt  }
0x7a: {  	_ =	shalt  }
0x7b: {  	_ =	shalt  }
0x7c: {  	_ =	shalt  }
0x7d: {  	_ =	shalt  }
0x7e: {  	_ =	shalt  }
0x7f: {  	_ =	shalt  }
0x80: {  	_ =	shalt  }
0x81: {  	_ =	shalt  }
0x82: {  	_ =	shalt  }
0x83: {  	_ =	shalt  }
0x84: {  	_ =	shalt  }
0x85: {  	_ =	shalt  }
0x86: {  	_ =	shalt  }
0x87: {  	_ =	shalt  }
.Lfunc_end0:
.L_simem_size_0:
called_computation_lowered:
.L_overlay_start_0:
0x88: {  	s2 =	sld [smem:$0x3FD9]  }
0x89: {  	s3 =	sld [smem:$0x3FFE];
	_ =	sdelay $0x1  }
0x8a: {  	s1 =	srdreg.scid  }
0x8b: {  	s0 =	sand.u32 $0x1, s1  }
0x8c: {  	s14 =	sshll.u32 s0, $0xA;
	s2 =	sadd.s32 s3, s2  }
0x8d: {  	s2 =	sadd.s32 s2, s14  }
0x8e: {  	[smem:$0x3FC4] =	sst s2  }
0x8f: {  	_ = 	snop  }
0x90: {  	s2 =	sld [smem:$0x3FD0];
	_ =	sdelay $0x2  }
0x91: {  	s15 =	simm.s32 $0xA;
	s4 =	simm.s32 $0x10  }
0x92: {  	[smem:s4], [sflag:s15] =	dma.local [hbm:s2], $0x1  }
0x93: {  	_ =	swait.eq [sflag:s15], $0x1  }
0x94: {  	s16 =	sld [smem:$0x10];
	[sflag:s15] =	ssyncset.done $0x0  }
0x95: {  	s17 =	sld [smem:$0x11];
	[sflag:s15] =	ssyncadd.s32 $0xFFFFFFFF  }
0x96: {  	s18 =	sld [smem:$0x12];
	(tm) =	ssettm $0x1  }
0x97: {  	s5 =	sld [smem:$0x3FFB];
	_ =	sdelay $0x3  }
0x98: {  	_ =	strace s5  }
0x99: {  	s5 =	sld [smem:$0x3FFC];
	_ =	sdelay $0x3  }
0x9a: {  	_ =	strace s5  }
0x9b: {  	s5 =	sld [smem:$0x3FFD];
	_ =	sdelay $0x3  }
0x9c: {  	_ =	strace s5  }
0x9d: {  	_ =	strace $0x8FFFFFFF  }
0x9e: {  	s19 =	sld [smem:$0x3FDB];
	_ =	sdelay $0x1  }
0x9f: {  	s6 =	simm.s32 $_scs_section_size  }
0xa0: {  	s7 =	simm.s32 $_size__tile_overlayer_lowered;
	s8 =	simm.s32 $_tile_overlayer_lowered  }
0xa1: {  	s22 =	simm.s32 $0x1BFF;
	s21 =	sshll.u32 s8, $0x1;
	s5 =	sadd.s32 s6, s19  }
0xa2: {  	s9 =	simm.s32 $0x0;
	s20 =	sshll.u32 s7, $0x1;
	s7 =	sadd.s32 s21, s5  }
0xa3: {  	[timem:s9], [sflag:s22] =	dma.local [hbm:s7], s20  }
0xa4: {  	_ =	swait.ge [sflag:s22], s20  }
0xa5: {  	s6 =	ssub.s32 $0x0, s20;
	[sflag:s22] =	ssyncset.done $0x0  }
0xa6: {  	[sflag:s22] =	ssyncadd.s32 s6;
	_ =	sdelay $0x1  }
0xa7: {  	s23 =	simm.s32 $0x1B8B  }
0xa8: {  	_ =	swait.ge [sflag:s23], $0x1  }
0xa9: {  	[sflag:s23] =	ssyncset.done $0x0  }
0xaa: {  	s25 =	simm.s32 $0x1B8E;
	s24 =	sld [smem:$0x3FFE];
	[sflag:s23] =	ssyncadd.s32 $0xFFFFFFFF  }
0xab: {  	s26 =	simm.s32 $execute0_lowered;
	[smem:$0x3FD2] =	sst s25  }
0xac: {  	s7 =	sshll.u32 s26, $0x1;
	_ =	strace $0x80000046;
	[dreg:$0x1] =	wrdreg $0xFFFFFFFF  }
0xad: {  	s28 =	simm.s32 $_size_execute0_lowered;
	s5 =	sadd.s32 s5, s7;
	[dreg:$0x0] =	wrdreg $0x0  }
0xae: {  	s7 =	sshll.u32 s28, $0x1;
	[dreg:$0x2] =	wrdreg s5  }
0xaf: {  	[dreg:$0x3] =	wrdreg s7  }
0xb0: {  	[dreg:$0x4] =	wrdreg $0xC0  }
0xb1: {  	_ =	task [dreg:s9], $0x5FFFF  }
0xb2: {  	[dreg:$0x1] =	wrdreg $0xFFFFFFFF  }
0xb3: {  	[dreg:$0x0] =	wrdreg $0x60  }
0xb4: {  	[dreg:$0x2] =	wrdreg s24  }
0xb5: {  	[dreg:$0x3] =	wrdreg s16  }
0xb6: {  	[dreg:$0x4] =	wrdreg s17  }
0xb7: {  	[dreg:$0x5] =	wrdreg s18  }
0xb8: {  	[dreg:$0x6] =	wrdreg $0x26800  }
0xb9: {  	[dreg:$0x7] =	wrdreg $0x26880  }
0xba: {  	[dreg:$0x8] =	wrdreg $0x26C80  }
0xbb: {  	[dreg:$0x9] =	wrdreg $0x27080  }
0xbc: {  	[dreg:$0xa] =	wrdreg $0x27480  }
0xbd: {  	[dreg:$0xb] =	wrdreg $0x27580  }
0xbe: {  	[dreg:$0xc] =	wrdreg $0x9  }
0xbf: {  	_ =	task.clear_ibuf [dreg:s9], $0xDFFFF;
	_ =	strace $0x90000046  }
0xc0: {  	s29 =	simm.s32 $0x9;
	_ =	strace $0x80000048  }
0xc1: {  	_ =	swait.ge [sflag:s29], $0x1  }
0xc2: {  	[sflag:s29] =	ssyncadd.s32 $0xFFFFFFFF  }
0xc3: {  	_ =	strace $0x90000048  }
0xc4: {  	_ =	sfence  }
0xc5: {  	s30 =	sld [smem:$0x0];
	_ =	sdelay $0x2  }
0xc6: {  	s31 =	sshll.u32 s1, $0xD;
	s1 =	sshrl.u32 s1, $0x2  }
0xc7: {  	s3 =	sand.u32 $0x4000, s31;
	s1 =	sadd.s32 s1, s30  }
0xc8: {  	s0 =	sor.u32 s3, s0;
	s1 =	sshll.u32 s1, $0x11  }
0xc9: {  	s0 =	sor.u32 s1, s0  }
0xca: {  	s0 =	sadd.s32 $0x8F2B, s0  }
0xcb: {  	[sflag:s0] =	ssyncadd.remote.s32 $0x1  }
0xcc: {  	_ =	sfence.sel $0xFFFF  }
0xcd: {  	[dreg:$0x0] =	wrdreg $0xFFFFFFFF;
	(pc) =	sbr.abs _section_cstart, $3  }
0xce: {  	[dreg:$0x1] =	wrdreg $0xFFFFFFFF  }
0xcf: {  	_ =	task.clear_ibuf [dreg:s9], $0x2FFFF;
	_ =	strace $0x9FFFFFFF  }
0xd0: {  	(tm) =	ssettm $0x7FFFFFFF  }
0xd1: {  	_ =	shalt  }
tec
execute0_lowered:
.L_overlay_start_1:
0x0: {  	(tag) =	ssettag $0x1  }
0x1: {  	s0 =	rddreg [dreg:$0x0]  }
0x2: {  	s1 =	rddreg [dreg:$0x1]  }
0x3: {  	s2 =	rddreg [dreg:$0x2]  }
0x4: {  	s3 =	rddreg [dreg:$0x3]  }
0x5: {  	s10 =	rddreg [dreg:$0x4]  }
0x6: {  	s11 =	rddreg [dreg:$0x5]  }
0x7: {  	s12 =	rddreg [dreg:$0x6]  }
0x8: {  	s13 =	rddreg [dreg:$0x7]  }
0x9: {  	s14 =	rddreg [dreg:$0x8]  }
0xa: {  	s15 =	rddreg [dreg:$0x9];
	s8 =	simm.s32 $0x0;
	s16 =	stileid.u32  }
0xb: {  	s6 =	srdreg.scid;
	s31 =	simm.s32 $0x1;
	[smem:$0x7FF] =	sst s8  }
0xc: {  	s4 =	sshll.u32 s16, $0x9;
	s5 =	sshll.u32 s16, $0x3;
	s6 =	sand.u32 $0x1, s6  }
0xd: {  	s7 =	sadd.s32 $0x3A00, s0;
	s20 =	sadd.s32 $0x3800, s0;
	s9 =	sadd.s32 $0x3600, s0  }
0xe: {  	s22 =	sadd.s32 $0x3400, s0;
	_ =	strace $0x80000047;
	[dreg:$0xb] =	wrdreg s7  }
0xf: {  	s24 =	sshll.u32 s16, $0x6;
	s25 =	sshll.u32 s16, $0x5;
	[dreg:$0xc] =	wrdreg s20  }
0x10: {  	p0 =	sgt.u32 s16, $0x7;
	s4 =	sadd.s32 s4, s0;
	[dreg:$0xd] =	wrdreg s9  }
0x11: {  	s5 =	sadd.s32 s5, s0;
	s21 =	ssub.s32 $0x2, s6;
	[dreg:$0xe] =	wrdreg s22  }
0x12: {  	s0 =	sadd.s32 $0x3C00, s0;
	s6 =	sshll.u32 s6, $0x9;
	s18 =	sadd.s32 s24, s11  }
0x13: {  	s19 =	sadd.s32 s24, s12;
	s20 =	sadd.s32 s24, s13;
	s9 =	sshll.u32 s16, $0x2  }
0x14: {  	s23 =	sshrl.u32 s21, $0x1;
	[dreg:$0xf] =	wrdreg s0;
	s4 =	sadd.s32 $0x1000, s4  }
0x15: {  	s26 =	sadd.s32 $0x3200, s5;
	s5 =	sadd.s32 $0x3000, s5;
	s17 =	sor.u32 s25, s6  }
0x16: {  	v3 =	vlaneseq.u32;
	s25 =	sshll.u32 s16, $0x4;
	s11 =	sor.u32 $0x1, s9;
	[dreg:$0x10] =	wrdreg s4  }
0x17: {  	vm0 =	vmxor vm0, vm0;
	v9 =	vimm.s32 $0x0;
	vm1 =	vcmask $0x310;
	s12 =	sor.u32 $0x2, s9;
	s6 =	simm.s32 $0x1400;
	[dreg:$0x11] =	wrdreg s26  }
0x18: {  	vm2 =	vcmask $0x710;
	vm3 =	vcmask $0xB10;
	v6 =	vmul.u32 $0x40, v3;
	s0 =	ssub.s32 s21, s23;
	[dreg:$0x12] =	wrdreg s5;
	s7 =	sshrl.u32 s17, $0x3  }
0x19: {  	vm4 =	vcmask $0x300;
	vm5 =	vcmask $0x704;
	vm6 =	vcmask $0xB08;
	s13 =	sadd.s32 s25, s10;
	s26 =	sshllo.u32 s16, $0x2;
	s28 =	sadd.s32 s25, s14  }
0x1a: {  	vm7 =	vcmask $0xF0C;
	v0 =	vmov s9;
	v10 =	vor.u32 $0x1, v6;
	s29 =	sadd.s32 s25, s15;
	s30 =	sor.u32 $0x10, s17;
	s4 =	simm.s32 $0x1280  }
0x1b: {  	v11 =	vor.u32 $0x400, v6;
	v12 =	vor.u32 $0x401, v6;
	v13 =	vor.u32 $0x800, v6;
	s5 =	simm.s32 $0x1300;
	s21 =	sadd.s32 s1, s7;
	s22 =	sadd.s32 s2, s7  }
0x1c: {  	v14 =	vor.u32 $0x801, v6;
	v15 =	vor.u32 $0xC00, v6;
	v16 =	vor.u32 $0xC01, v6;
	s23 =	sadd.s32 s3, s7;
	s24 =	smax.u32 s0, $0x1;
	[dreg:$0x13] =	wrdreg s13  }
0x1d: {  	v1 =	vmov s11;
	v2 =	vmov s12;
	v5 =	vor.u32 s25, v3;
	s1 =	simm.s32 $0x1100;
	s2 =	simm.s32 $0x1180;
	s3 =	simm.s32 $0x1200  }
0x1e: {  	v7 =	vor.u32 s17, v3;
	v4 =	vmov s26;
	v8 =	vor.u32 s30, v3;
	s7 =	simm.s32 $0x2300;
	s0 =	simm.s32 $0x2400;
	s26 =	simm.s32 $0x0  }
.LBB2_1:
0x1f: {  	s9 =	rddreg [dreg:$0x10]  }
0x20: {  	[tilespmem:s8], [sflag:$0x1] =	stream.linear.gather [hbm4b:s9+s8], $0x1000, $0x38;
	[tilespmem:$0x2768] =	vst v63  }
0x21: {  	_ =	swait.ge [sflag:s31], $0x1000  }
0x22: {  	[sflag:s31] =	ssyncset.done $0x0  }
0x23: {  	s10 =	simm.s32 $0x1000;
	s16 =	rddreg [dreg:$0x11];
	[sflag:s31] =	ssyncadd.s32 $0xFFFFF000  }
0x24: {  	[tilespmem:s10], [sflag:$0x1] =	stream.linear.gather [hbm4b:s16+s8], $0x40, $0x38;
	[tilespmem:$0x2768] =	vst v63  }
0x25: {  	_ =	swait.ge [sflag:s31], $0x40  }
0x26: {  	[sflag:s31] =	ssyncset.done $0x0  }
0x27: {  	s11 =	simm.s32 $0x1080;
	s10 =	rddreg [dreg:$0x12];
	[sflag:s31] =	ssyncadd.s32 $0xFFFFFFC0  }
0x28: {  	[tilespmem:s11], [sflag:$0x1] =	stream.linear.gather [hbm4b:s10+s8], $0x40, $0x38;
	[tilespmem:$0x2768] =	vst v63  }
0x29: {  	_ =	swait.ge [sflag:s31], $0x40  }
0x2a: {  	[sflag:s31] =	ssyncset.done $0x0  }
0x2b: {  	s12 =	rddreg [dreg:$0xb];
	[sflag:s31] =	ssyncadd.s32 $0xFFFFFFC0  }
0x2c: {  	[tilespmem:s1], [sflag:$0x1] =	stream.linear.gather [hbm4b:s12+s8], $0x80, $0x38;
	[tilespmem:$0x2768] =	vst v63  }
0x2d: {  	_ =	swait.ge [sflag:s31], $0x80  }
0x2e: {  	[sflag:s31] =	ssyncset.done $0x0  }
0x2f: {  	s13 =	rddreg [dreg:$0xc];
	[sflag:s31] =	ssyncadd.s32 $0xFFFFFF80  }
0x30: {  	[tilespmem:s2], [sflag:$0x1] =	stream.linear.gather [hbm4b:s13+s8], $0x80, $0x38;
	[tilespmem:$0x2768] =	vst v63  }
0x31: {  	_ =	swait.ge [sflag:s31], $0x80  }
0x32: {  	[sflag:s31] =	ssyncset.done $0x0  }
0x33: {  	s14 =	rddreg [dreg:$0xd];
	[sflag:s31] =	ssyncadd.s32 $0xFFFFFF80  }
0x34: {  	[tilespmem:s3], [sflag:$0x1] =	stream.linear.gather [hbm4b:s14+s8], $0x80, $0x38;
	[tilespmem:$0x2768] =	vst v63  }
0x35: {  	_ =	swait.ge [sflag:s31], $0x80  }
0x36: {  	[sflag:s31] =	ssyncset.done $0x0  }
0x37: {  	s15 =	rddreg [dreg:$0xe];
	[sflag:s31] =	ssyncadd.s32 $0xFFFFFF80  }
0x38: {  	[tilespmem:s4], [sflag:$0x1] =	stream.linear.gather [hbm4b:s15+s8], $0x80, $0x38;
	[tilespmem:$0x2768] =	vst v63  }
0x39: {  	_ =	swait.ge [sflag:s31], $0x80  }
0x3a: {  	[sflag:s31] =	ssyncset.done $0x0  }
.Ltmp0:
0x3b: {  	s16 =	rddreg [dreg:$0xf];
	[sflag:s31] =	ssyncadd.s32 $0xFFFFFF80;
	(pc) =	sbr.rel @p0 .LBB2_5-.Ltmp0, $4  }
0x3c: {  	[tilespmem:s5], [sflag:$0x1] =	stream.linear.gather [hbm4b:s16+s8], $0x80, $0x38;
	[tilespmem:$0x2768] =	vst v63  }
0x3d: {  	_ =	swait.ge [sflag:s31], $0x80  }
0x3e: {  	[sflag:s31] =	ssyncset.done $0x0  }
0x3f: {  	[sflag:s31] =	ssyncadd.s32 $0xFFFFFF80  }
0x40: {  	s10 =	simm.s32 $0x0  }
0x41: {  	v21 =	vmov s10;
	_ =	sdelay $0x2  }
0x42: {  	v18 =	vld [tilespmem:s25+$0x1100]  }
0x43: {  	v20 =	vld [tilespmem:s25+$0x1200]  }
0x44: {  	v23 =	vld.idx.msk [tilespmem:v21+s1+$0x0], $0xffff  }
0x45: {  	v26 =	vld.idx.msk [tilespmem:v21+s3+$0x0], $0xffff  }
0x46: {  	v17 =	vld [tilespmem:s25+$0x1180]  }
0x47: {  	v19 =	vld [tilespmem:s25+$0x1280];
	s9 =	simm.s32 $0x1  }
0x48: {  	v25 =	vmov s9;
	v24 =	vld.idx.msk [tilespmem:v21+s2+$0x0], $0xffff  }
0x49: {  	v28 =	vld.idx.msk [tilespmem:v21+s4+$0x0], $0xffff  }
0x4a: {  	v26 =	vmin.f32 v20, v26;
	v23 =	vmax.f32 v18, v23  }
0x4b: {  	v26 =	vsub.f32 v26, v23  }
0x4c: {  	s11 =	simm.s32 $0x2  }
0x4d: {  	v22 =	vmov s11;
	v27 =	vld.idx.msk [tilespmem:v25+s1+$0x0], $0xffff  }
0x4e: {  	v21 =	vld.idx.msk [tilespmem:v25+s2+$0x0], $0xffff;
	v28 =	vmin.f32 v19, v28;
	v29 =	vmax.f32 v17, v24  }
0x4f: {  	v24 =	vld.idx.msk [tilespmem:v25+s3+$0x0], $0xffff;
	v29 =	vsub.f32 v28, v29;
	v28 =	vmax.f32 v26, $0.0e+00;
	v26 =	vmov v22  }
0x50: {  	v25 =	vld.idx.msk [tilespmem:v25+s4+$0x0], $0xffff;
	_ =	sdelay $0x1  }
0x51: {  	s12 =	simm.s32 $0x3;
	vm8 =	vmmov vm0;
	v23 =	vld.idx.msk [tilespmem:v22+s1+$0x0], $0xffff;
	v29 =	vmax.f32 v29, $0.0e+00  }
.LBB2_3:
0x52: {  	v28 =	vmul.f32 v29, v28;
	v29 =	vmov v21;
	v21 =	vld.idx.msk [tilespmem:v22+s2+$0x0], $0xffff;
	v22 =	vmov s12;
	p1 =	sne.s32 s12, $0x7F  }
.Ltmp1:
0x53: {  	v30 =	vmin.f32 v20, v24;
	v27 =	vmax.f32 v18, v27;
	vm9 =	vne.s32 v5, s10;
	s10 =	smov.u32 s9;
	s9 =	smov.u32 s11;
	v24 =	vld.idx.msk [tilespmem:v26+s3+$0x0], $0xffff;
	(pc) =	sbr.rel @p1 .LBB2_3-.Ltmp1, $4  }
0x54: {  	s11 =	smov.u32 s12;
	v31 =	vmin.f32 v19, v25;
	v29 =	vmax.f32 v17, v29;
	v25 =	vld.idx.msk [tilespmem:v26+s4+$0x0], $0xffff;
	vm10 =	vgt.f32 v28, $0.0e+00;
	v26 =	vmovc v22  }
0x55: {  	s12 =	sadd.s32 $0x1, s12;
	v30 =	vsub.f32 v30, v27;
	v29 =	vsub.f32 v31, v29;
	vm9 =	vmand vm9, vm10  }
0x56: {  	vm8 =	vmor vm8, vm9  }
0x57: {  	v28 =	vmax.f32 v30, $0.0e+00;
	v29 =	vmax.f32 v29, $0.0e+00;
	v27 =	vmov v23;
	v23 =	vld.idx.msk [tilespmem:v22+s1+$0x0], $0xffff  }
0x58: {  	_ =	sdelay $0x3  }
0x59: {  	v22 =	vld.idx.msk [tilespmem:v22+s2+$0x0], $0xffff  }
0x5a: {  	v30 =	vld.idx.msk [tilespmem:v26+s3+$0x0], $0xffff  }
0x5b: {  	v61 =	vld.idx.msk [tilespmem:v26+s4+$0x0], $0xffff;
	_ =	sdelay $0x1  }
0x5c: {  	v24 =	vmin.f32 v20, v24  }
0x5d: {  	v27 =	vmax.f32 v18, v27;
	v21 =	vmax.f32 v17, v21;
	v25 =	vmin.f32 v19, v25  }
0x5e: {  	v24 =	vsub.f32 v24, v27;
	v21 =	vsub.f32 v25, v21;
	v18 =	vmax.f32 v18, v23  }
0x5f: {  	v62 =	vmin.f32 v20, v30;
	v19 =	vmin.f32 v19, v61;
	v17 =	vmax.f32 v17, v22  }
0x60: {  	v28 =	vmul.f32 v29, v28;
	v18 =	vsub.f32 v62, v18;
	v17 =	vsub.f32 v19, v17  }
0x61: {  	vm9 =	vne.s32 v5, s10;
	v63 =	vmax.f32 v21, $0.0e+00;
	v19 =	vmax.f32 v24, $0.0e+00  }
0x62: {  	v19 =	vmul.f32 v63, v19;
	v18 =	vmax.f32 v18, $0.0e+00;
	v17 =	vmax.f32 v17, $0.0e+00  }
0x63: {  	vm12 =	vne.s32 v5, s9;
	vm10 =	vgt.f32 v28, $0.0e+00;
	v17 =	vmul.f32 v17, v18  }
0x64: {  	vm14 =	vne.s32 v5, s11;
	vm9 =	vmand vm9, vm10;
	vm13 =	vgt.f32 v19, $0.0e+00  }
0x65: {  	vm8 =	vmor vm8, vm9;
	vm9 =	vmand vm12, vm13;
	vm11 =	vgt.f32 v17, $0.0e+00  }
0x66: {  	vm8 =	vmor vm8, vm9;
	vm15 =	vmand vm14, vm11  }
0x67: {  	vm8 =	vmor vm8, vm15  }
0x68: {  	v17 =	vsel vm8, $0x1, v9  }
0x69: {  	s15 =	rddreg [dreg:$0x13];
	s16 =	simm.s32 $0x1380;
	[tilespmem:$0x1380] =	vst v17  }
0x6a: {  	[spmem:s15] =	stream.linear.scatter [tilespmem:s16], [sflag:$0x1], $0x10, $0x38;
	[tilespmem:$0x2768] =	vst v63  }
0x6b: {  	_ =	swait.ge [sflag:s31], $0x10  }
0x6c: {  	[sflag:s31] =	ssyncset.done $0x0  }
0x6d: {  	[sflag:s31] =	ssyncadd.s32 $0xFFFFFFF0  }
.LBB2_5:
0x6e: {  	[bflag:$0x0] =	sbarrier.arrive $0xFFFF  }
0x6f: {  	s9 =	simm.s32 $0x2;
	s10 =	rddreg [dreg:$0x4]  }
0x70: {  	v17 =	vor.u32 s9, v6;
	[tilespmem:s6], [sflag:$0x1] =	stream.linear.gather [spmem:s10], $0x80, $0x38;
	[tilespmem:$0x2768] =	vst v63  }
0x71: {  	_ =	swait.ge [sflag:s31], $0x80  }
0x72: {  	[sflag:s31] =	ssyncset.done $0x0  }
0x73: {  	[sflag:s31] =	ssyncadd.s32 $0xFFFFFF80  }
0x74: {  	s10 =	simm.s32 $0x3;
	v18 =	vld.idx.msk [tilespmem:v10+s8+$0x0], $0xffff  }
0x75: {  	v20 =	vor.u32 s10, v6;
	v21 =	vld.idx.msk [tilespmem:v17+s8+$0x0], $0xffff;
	_ =	sdelay $0x3  }
0x76: {  	v19 =	vld.idx.msk [tilespmem:v6+s8+$0x0], $0xffff  }
0x77: {  	s11 =	simm.s32 $0x4;
	v17 =	vimm.s32 $0x1;
	v20 =	vld.idx.msk [tilespmem:v20+s8+$0x0], $0xffff;
	vm8 =	vgt.f32 v21, v18  }
.LBB2_6:
0x78: {  	p1 =	sne.s32 s11, $0x32  }
0x79: {  	v22 =	vor.u32 s11, v6;
	v18 =	vsel vm8, v21, v18;
	v17 =	vsel vm8, s9, v17;
	s9 =	smov.u32 s10;
	s10 =	smov.u32 s11;
	s11 =	sadd.s32 $0x1, s11  }
.Ltmp2:
0x7a: {  	(pc) =	sbr.rel @p1 .LBB2_6-.Ltmp2, $2  }
0x7b: {  	_ =	sdelay $0x2  }
0x7c: {  	vm8 =	vgt.f32 v20, v18;
	v21 =	vmov v20;
	v20 =	vld.idx.msk [tilespmem:v22+s8+$0x0], $0xffff  }
0x7d: {  	s11 =	simm.s32 $0x0  }
0x7e: {  	v22 =	vor.u32 s11, v6;
	_ =	sdelay $0x3  }
0x7f: {  	s14 =	simm.s32 $0x1  }
0x80: {  	v23 =	vor.u32 s14, v6;
	v22 =	vld.idx.msk [tilespmem:v22+s8+$0x0], $0xffff  }
0x81: {  	v18 =	vsel vm8, v21, v18  }
0x82: {  	vm9 =	vgt.f32 v20, v18  }
0x83: {  	v18 =	vsel vm9, v20, v18  }
0x84: {  	v19 =	vmax.f32 v19, v18  }
0x85: {  	v21 =	vld.idx.msk [tilespmem:v23+s8+$0x0], $0xffff;
	v20 =	vsub.f32 v22, v19  }
0x86: {  	s15 =	simm.s32 $0x2  }
0x87: {  	v24 =	vor.u32 s15, v6;
	v20 =	vmul.f32 $1.442695020e+00, v20;
	_ =	sdelay $0x1  }
0x88: {  	(erf) = vpow2.f32 v20  }
0x89: {  	v21 =	vsub.f32 v21, v19  }
0x8a: {  	s16 =	simm.s32 $0x3  }
0x8b: {  	v23 =	vor.u32 s16, v6;
	v22 =	vld.idx.msk [tilespmem:v24+s8+$0x0], $0xffff;
	v21 =	vmul.f32 $1.442695020e+00, v21;
	_ =	sdelay $0x1  }
0x8c: {  	(erf) = vpow2.f32 v21;
	_ =	sdelay $0x1  }
0x8d: {  	v17 =	vsel vm8, s9, v17  }
0x8e: {  	s9 =	simm.s32 $0x4;
	v17 =	vsel vm9, s10, v17;
	v20 =	vimm.f32 $0.0e+00;
	v21 =	vld.idx.msk [tilespmem:v23+s8+$0x0], $0xffff;
	v22 =	vsub.f32 v22, v19  }
.LBB2_8:
0x8f: {  	v23 =	vor.u32 s9, v6;
	p1 =	sne.s32 s9, $0x32;
	s9 =	sadd.s32 $0x1, s9;
	v24 =	vpop (erf)  }
.Ltmp3:
0x90: {  	v22 =	vmul.f32 $1.442695020e+00, v22;
	v20 =	vadd.f32 v24, v20;
	(pc) =	sbr.rel @p1 .LBB2_8-.Ltmp3, $3  }
0x91: {  	_ = 	snop  }
0x92: {  	(erf) = vpow2.f32 v22;
	_ =	sdelay $0x1  }
0x93: {  	v22 =	vsub.f32 v21, v19;
	v21 =	vld.idx.msk [tilespmem:v23+s8+$0x0], $0xffff  }
0x94: {  	_ =	sdelay $0x3  }
0x95: {  	v22 =	vmul.f32 $1.442695020e+00, v22;
	v21 =	vsub.f32 v21, v19  }
0x96: {  	v23 =	vld [tilespmem:$0x1000]  }
0x97: {  	(erf) = vpow2.f32 v22;
	v21 =	vmul.f32 $1.442695020e+00, v21;
	_ =	sdelay $0x1  }
0x98: {  	(erf) = vpow2.f32 v21  }
0x99: {  	v22 =	vld [tilespmem:$0x1080];
	_ =	sdelay $0x1  }
0x9a: {  	v21 =	vpop (erf)  }
0x9b: {  	v18 =	vsub.f32 v18, v19;
	v20 =	vadd.f32 v21, v20  }
0x9c: {  	v24 =	vld.idx.msk [tilespmem:v23+s1+$0x0], $0xffff;
	v21 =	vpop (erf)  }
0x9d: {  	v18 =	vmul.f32 $1.442695020e+00, v18;
	v19 =	vld.idx.msk [tilespmem:v23+s2+$0x0], $0xffff;
	v20 =	vadd.f32 v21, v20  }
0x9e: {  	v27 =	vld.idx.msk [tilespmem:v23+s3+$0x0], $0xffff;
	v25 =	vpop (erf)  }
0x9f: {  	(erf) = vpow2.f32 v18;
	v18 =	vld.idx.msk [tilespmem:v23+s4+$0x0], $0xffff;
	v20 =	vadd.f32 v25, v20  }
0xa0: {  	v60 =	vld.idx.msk [tilespmem:v22+s2+$0x0], $0xffff;
	v26 =	vpop (erf)  }
0xa1: {  	v61 =	vld.idx.msk [tilespmem:v22+s3+$0x0], $0xffff;
	v20 =	vadd.f32 v26, v20  }
0xa2: {  	v21 =	vld.idx.msk [tilespmem:v22+s1+$0x0], $0xffff  }
0xa3: {  	(erf) = vrcp.f32 v20;
	v20 =	vld.idx.msk [tilespmem:v22+s4+$0x0], $0xffff;
	_ =	sdelay $0x3  }
0xa4: {  	v19 =	vmax.f32 v19, v60  }
0xa5: {  	v26 =	vmin.f32 v27, v61;
	v21 =	vmax.f32 v24, v21;
	v18 =	vmin.f32 v18, v20  }
0xa6: {  	v20 =	vsub.f32 v26, v21;
	v18 =	vsub.f32 v18, v19;
	v19 =	vld.idx.msk [tilespmem:v23+s6+$0x0], $0xffff;
	_ =	sdelay $0x1  }
0xa7: {  	v62 =	vld.idx.msk [tilespmem:v17+s5+$0x0], $0xffff;
	v20 =	vmax.f32 v20, $0.0e+00;
	v18 =	vmax.f32 v18, $0.0e+00  }
0xa8: {  	vm8 =	veq.s32 v23, v22;
	v21 =	vpop (erf);
	v18 =	vmul.f32 v18, v20  }
0xa9: {  	vm11 =	vmneg vm8;
	v63 =	vpop (erf)  }
0xaa: {  	v20 =	vmul.f32 v63, v21;
	vm9 =	vgt.f32 v18, $0.0e+00;
	vm10 =	vgt.s32 v19, $0x0  }
0xab: {  	s9 =	simm.s32 $0x2;
	vm9 =	vmand vm11, vm9;
	vm8 =	vmand vm8, vm10  }
0xac: {  	v19 =	vor.u32 s9, v11;
	vm8 =	vmor vm8, vm9;
	vm9 =	vge.f32 v20, v62  }
0xad: {  	[tilespmem:$0x1500] =	vst v17;
	vm8 =	vmand vm9, vm8  }
0xae: {  	[tilespmem:$0x1480] =	vst v20;
	v17 =	vsel vm8, $0x1, v9  }
0xaf: {  	[tilespmem:$0x1580] =	vst v17  }
0xb0: {  	s10 =	simm.s32 $0x3;
	v18 =	vld.idx.msk [tilespmem:v12+s8+$0x0], $0xffff  }
0xb1: {  	v20 =	vor.u32 s10, v11;
	v21 =	vld.idx.msk [tilespmem:v19+s8+$0x0], $0xffff;
	_ =	sdelay $0x3  }
0xb2: {  	v19 =	vld.idx.msk [tilespmem:v11+s8+$0x0], $0xffff  }
0xb3: {  	s11 =	simm.s32 $0x4;
	v17 =	vimm.s32 $0x1;
	v20 =	vld.idx.msk [tilespmem:v20+s8+$0x0], $0xffff;
	vm8 =	vgt.f32 v21, v18  }
.LBB2_10:
0xb4: {  	p1 =	sne.s32 s11, $0x32  }
0xb5: {  	v22 =	vor.u32 s11, v11;
	v18 =	vsel vm8, v21, v18;
	v17 =	vsel vm8, s9, v17;
	s9 =	smov.u32 s10;
	s10 =	smov.u32 s11;
	s11 =	sadd.s32 $0x1, s11  }
.Ltmp4:
0xb6: {  	(pc) =	sbr.rel @p1 .LBB2_10-.Ltmp4, $2  }
0xb7: {  	_ =	sdelay $0x2  }
0xb8: {  	vm8 =	vgt.f32 v20, v18;
	v21 =	vmov v20;
	v20 =	vld.idx.msk [tilespmem:v22+s8+$0x0], $0xffff  }
0xb9: {  	s11 =	simm.s32 $0x0  }
0xba: {  	v22 =	vor.u32 s11, v11;
	_ =	sdelay $0x3  }
0xbb: {  	s14 =	simm.s32 $0x1  }
0xbc: {  	v23 =	vor.u32 s14, v11;
	v22 =	vld.idx.msk [tilespmem:v22+s8+$0x0], $0xffff  }
0xbd: {  	v18 =	vsel vm8, v21, v18  }
0xbe: {  	vm9 =	vgt.f32 v20, v18  }
0xbf: {  	v18 =	vsel vm9, v20, v18  }
0xc0: {  	v19 =	vmax.f32 v19, v18  }
0xc1: {  	v21 =	vld.idx.msk [tilespmem:v23+s8+$0x0], $0xffff;
	v20 =	vsub.f32 v22, v19  }
0xc2: {  	s15 =	simm.s32 $0x2  }
0xc3: {  	v24 =	vor.u32 s15, v11;
	v20 =	vmul.f32 $1.442695020e+00, v20;
	_ =	sdelay $0x1  }
0xc4: {  	(erf) = vpow2.f32 v20  }
0xc5: {  	v21 =	vsub.f32 v21, v19  }
0xc6: {  	s16 =	simm.s32 $0x3  }
0xc7: {  	v23 =	vor.u32 s16, v11;
	v22 =	vld.idx.msk [tilespmem:v24+s8+$0x0], $0xffff;
	v21 =	vmul.f32 $1.442695020e+00, v21;
	_ =	sdelay $0x1  }
0xc8: {  	(erf) = vpow2.f32 v21;
	_ =	sdelay $0x1  }
0xc9: {  	v17 =	vsel vm8, s9, v17  }
0xca: {  	s9 =	simm.s32 $0x4;
	v17 =	vsel vm9, s10, v17;
	v20 =	vimm.f32 $0.0e+00;
	v21 =	vld.idx.msk [tilespmem:v23+s8+$0x0], $0xffff;
	v22 =	vsub.f32 v22, v19  }
.LBB2_12:
0xcb: {  	v23 =	vor.u32 s9, v11;
	p1 =	sne.s32 s9, $0x32;
	s9 =	sadd.s32 $0x1, s9;
	v24 =	vpop (erf)  }
.Ltmp5:
0xcc: {  	v22 =	vmul.f32 $1.442695020e+00, v22;
	v20 =	vadd.f32 v24, v20;
	(pc) =	sbr.rel @p1 .LBB2_12-.Ltmp5, $3  }
0xcd: {  	_ = 	snop  }
0xce: {  	(erf) = vpow2.f32 v22;
	_ =	sdelay $0x1  }
0xcf: {  	v22 =	vsub.f32 v21, v19;
	v21 =	vld.idx.msk [tilespmem:v23+s8+$0x0], $0xffff  }
0xd0: {  	_ =	sdelay $0x3  }
0xd1: {  	v22 =	vmul.f32 $1.442695020e+00, v22;
	v21 =	vsub.f32 v21, v19  }
0xd2: {  	v23 =	vld [tilespmem:$0x1010]  }
0xd3: {  	(erf) = vpow2.f32 v22;
	v21 =	vmul.f32 $1.442695020e+00, v21;
	_ =	sdelay $0x1  }
0xd4: {  	(erf) = vpow2.f32 v21  }
0xd5: {  	v22 =	vld [tilespmem:$0x1090];
	_ =	sdelay $0x1  }
0xd6: {  	v21 =	vpop (erf)  }
0xd7: {  	v18 =	vsub.f32 v18, v19;
	v20 =	vadd.f32 v21, v20  }
0xd8: {  	v24 =	vld.idx.msk [tilespmem:v23+s1+$0x0], $0xffff;
	v21 =	vpop (erf)  }
0xd9: {  	v18 =	vmul.f32 $1.442695020e+00, v18;
	v19 =	vld.idx.msk [tilespmem:v23+s2+$0x0], $0xffff;
	v20 =	vadd.f32 v21, v20  }
0xda: {  	v27 =	vld.idx.msk [tilespmem:v23+s3+$0x0], $0xffff;
	v25 =	vpop (erf)  }
0xdb: {  	(erf) = vpow2.f32 v18;
	v18 =	vld.idx.msk [tilespmem:v23+s4+$0x0], $0xffff;
	v20 =	vadd.f32 v25, v20  }
0xdc: {  	v60 =	vld.idx.msk [tilespmem:v22+s2+$0x0], $0xffff;
	v26 =	vpop (erf)  }
0xdd: {  	v61 =	vld.idx.msk [tilespmem:v22+s3+$0x0], $0xffff;
	v20 =	vadd.f32 v26, v20  }
0xde: {  	v21 =	vld.idx.msk [tilespmem:v22+s1+$0x0], $0xffff  }
0xdf: {  	(erf) = vrcp.f32 v20;
	v20 =	vld.idx.msk [tilespmem:v22+s4+$0x0], $0xffff;
	_ =	sdelay $0x3  }
0xe0: {  	v19 =	vmax.f32 v19, v60  }
0xe1: {  	v26 =	vmin.f32 v27, v61;
	v21 =	vmax.f32 v24, v21;
	v18 =	vmin.f32 v18, v20  }
0xe2: {  	v20 =	vsub.f32 v26, v21;
	v18 =	vsub.f32 v18, v19;
	v19 =	vld.idx.msk [tilespmem:v23+s6+$0x0], $0xffff;
	_ =	sdelay $0x1  }
0xe3: {  	v62 =	vld.idx.msk [tilespmem:v17+s5+$0x0], $0xffff;
	v20 =	vmax.f32 v20, $0.0e+00;
	v18 =	vmax.f32 v18, $0.0e+00  }
0xe4: {  	vm8 =	veq.s32 v23, v22;
	v21 =	vpop (erf);
	v18 =	vmul.f32 v18, v20  }
0xe5: {  	vm11 =	vmneg vm8;
	v63 =	vpop (erf)  }
0xe6: {  	v20 =	vmul.f32 v63, v21;
	vm9 =	vgt.f32 v18, $0.0e+00;
	vm10 =	vgt.s32 v19, $0x0  }
0xe7: {  	s9 =	simm.s32 $0x2;
	vm9 =	vmand vm11, vm9;
	vm8 =	vmand vm8, vm10  }
0xe8: {  	v19 =	vor.u32 s9, v13;
	vm8 =	vmor vm8, vm9;
	vm9 =	vge.f32 v20, v62  }
0xe9: {  	[tilespmem:$0x1510] =	vst v17;
	vm8 =	vmand vm9, vm8  }
0xea: {  	[tilespmem:$0x1490] =	vst v20;
	v17 =	vsel vm8, $0x1, v9  }
0xeb: {  	[tilespmem:$0x1590] =	vst v17  }
0xec: {  	s10 =	simm.s32 $0x3;
	v18 =	vld.idx.msk [tilespmem:v14+s8+$0x0], $0xffff  }
0xed: {  	v20 =	vor.u32 s10, v13;
	v21 =	vld.idx.msk [tilespmem:v19+s8+$0x0], $0xffff;
	_ =	sdelay $0x3  }
0xee: {  	v19 =	vld.idx.msk [tilespmem:v13+s8+$0x0], $0xffff  }
0xef: {  	s11 =	simm.s32 $0x4;
	v17 =	vimm.s32 $0x1;
	v20 =	vld.idx.msk [tilespmem:v20+s8+$0x0], $0xffff;
	vm8 =	vgt.f32 v21, v18  }
.LBB2_14:
0xf0: {  	p1 =	sne.s32 s11, $0x32  }
0xf1: {  	v22 =	vor.u32 s11, v13;
	v18 =	vsel vm8, v21, v18;
	v17 =	vsel vm8, s9, v17;
	s9 =	smov.u32 s10;
	s10 =	smov.u32 s11;
	s11 =	sadd.s32 $0x1, s11  }
.Ltmp6:
0xf2: {  	(pc) =	sbr.rel @p1 .LBB2_14-.Ltmp6, $2  }
0xf3: {  	_ =	sdelay $0x2  }
0xf4: {  	vm8 =	vgt.f32 v20, v18;
	v21 =	vmov v20;
	v20 =	vld.idx.msk [tilespmem:v22+s8+$0x0], $0xffff  }
0xf5: {  	s11 =	simm.s32 $0x0  }
0xf6: {  	v22 =	vor.u32 s11, v13;
	_ =	sdelay $0x3  }
0xf7: {  	s14 =	simm.s32 $0x1  }
0xf8: {  	v23 =	vor.u32 s14, v13;
	v22 =	vld.idx.msk [tilespmem:v22+s8+$0x0], $0xffff  }
0xf9: {  	v18 =	vsel vm8, v21, v18  }
0xfa: {  	vm9 =	vgt.f32 v20, v18  }
0xfb: {  	v18 =	vsel vm9, v20, v18  }
0xfc: {  	v19 =	vmax.f32 v19, v18  }
0xfd: {  	v21 =	vld.idx.msk [tilespmem:v23+s8+$0x0], $0xffff;
	v20 =	vsub.f32 v22, v19  }
0xfe: {  	s15 =	simm.s32 $0x2  }
0xff: {  	v24 =	vor.u32 s15, v13;
	v20 =	vmul.f32 $1.442695020e+00, v20;
	_ =	sdelay $0x1  }
0x100: {  	(erf) = vpow2.f32 v20  }
0x101: {  	v21 =	vsub.f32 v21, v19  }
0x102: {  	s16 =	simm.s32 $0x3  }
0x103: {  	v23 =	vor.u32 s16, v13;
	v22 =	vld.idx.msk [tilespmem:v24+s8+$0x0], $0xffff;
	v21 =	vmul.f32 $1.442695020e+00, v21;
	_ =	sdelay $0x1  }
0x104: {  	(erf) = vpow2.f32 v21;
	_ =	sdelay $0x1  }
0x105: {  	v17 =	vsel vm8, s9, v17  }
0x106: {  	s9 =	simm.s32 $0x4;
	v17 =	vsel vm9, s10, v17;
	v20 =	vimm.f32 $0.0e+00;
	v21 =	vld.idx.msk [tilespmem:v23+s8+$0x0], $0xffff;
	v22 =	vsub.f32 v22, v19  }
.LBB2_16:
0x107: {  	v23 =	vor.u32 s9, v13;
	p1 =	sne.s32 s9, $0x32;
	s9 =	sadd.s32 $0x1, s9;
	v24 =	vpop (erf)  }
.Ltmp7:
0x108: {  	v22 =	vmul.f32 $1.442695020e+00, v22;
	v20 =	vadd.f32 v24, v20;
	(pc) =	sbr.rel @p1 .LBB2_16-.Ltmp7, $3  }
0x109: {  	_ = 	snop  }
0x10a: {  	(erf) = vpow2.f32 v22;
	_ =	sdelay $0x1  }
0x10b: {  	v22 =	vsub.f32 v21, v19;
	v21 =	vld.idx.msk [tilespmem:v23+s8+$0x0], $0xffff  }
0x10c: {  	_ =	sdelay $0x3  }
0x10d: {  	v22 =	vmul.f32 $1.442695020e+00, v22;
	v21 =	vsub.f32 v21, v19  }
0x10e: {  	v23 =	vld [tilespmem:$0x1020]  }
0x10f: {  	(erf) = vpow2.f32 v22;
	v21 =	vmul.f32 $1.442695020e+00, v21;
	_ =	sdelay $0x1  }
0x110: {  	(erf) = vpow2.f32 v21  }
0x111: {  	v22 =	vld [tilespmem:$0x10A0];
	_ =	sdelay $0x1  }
0x112: {  	v21 =	vpop (erf)  }
0x113: {  	v18 =	vsub.f32 v18, v19;
	v20 =	vadd.f32 v21, v20  }
0x114: {  	v24 =	vld.idx.msk [tilespmem:v23+s1+$0x0], $0xffff;
	v21 =	vpop (erf)  }
0x115: {  	v18 =	vmul.f32 $1.442695020e+00, v18;
	v19 =	vld.idx.msk [tilespmem:v23+s2+$0x0], $0xffff;
	v20 =	vadd.f32 v21, v20  }
0x116: {  	v27 =	vld.idx.msk [tilespmem:v23+s3+$0x0], $0xffff;
	v25 =	vpop (erf)  }
0x117: {  	(erf) = vpow2.f32 v18;
	v18 =	vld.idx.msk [tilespmem:v23+s4+$0x0], $0xffff;
	v20 =	vadd.f32 v25, v20  }
0x118: {  	v60 =	vld.idx.msk [tilespmem:v22+s2+$0x0], $0xffff;
	v26 =	vpop (erf)  }
0x119: {  	v61 =	vld.idx.msk [tilespmem:v22+s3+$0x0], $0xffff;
	v20 =	vadd.f32 v26, v20  }
0x11a: {  	v21 =	vld.idx.msk [tilespmem:v22+s1+$0x0], $0xffff  }
0x11b: {  	(erf) = vrcp.f32 v20;
	v20 =	vld.idx.msk [tilespmem:v22+s4+$0x0], $0xffff;
	_ =	sdelay $0x3  }
0x11c: {  	v19 =	vmax.f32 v19, v60  }
0x11d: {  	v26 =	vmin.f32 v27, v61;
	v21 =	vmax.f32 v24, v21;
	v18 =	vmin.f32 v18, v20  }
0x11e: {  	v20 =	vsub.f32 v26, v21;
	v18 =	vsub.f32 v18, v19;
	v19 =	vld.idx.msk [tilespmem:v23+s6+$0x0], $0xffff;
	_ =	sdelay $0x1  }
0x11f: {  	v62 =	vld.idx.msk [tilespmem:v17+s5+$0x0], $0xffff;
	v20 =	vmax.f32 v20, $0.0e+00;
	v18 =	vmax.f32 v18, $0.0e+00  }
0x120: {  	vm8 =	veq.s32 v23, v22;
	v21 =	vpop (erf);
	v18 =	vmul.f32 v18, v20  }
0x121: {  	vm11 =	vmneg vm8;
	v63 =	vpop (erf)  }
0x122: {  	v20 =	vmul.f32 v63, v21;
	vm9 =	vgt.f32 v18, $0.0e+00;
	vm10 =	vgt.s32 v19, $0x0  }
0x123: {  	s9 =	simm.s32 $0x2;
	vm9 =	vmand vm11, vm9;
	vm8 =	vmand vm8, vm10  }
0x124: {  	v19 =	vor.u32 s9, v15;
	vm8 =	vmor vm8, vm9;
	vm9 =	vge.f32 v20, v62  }
0x125: {  	[tilespmem:$0x1520] =	vst v17;
	vm8 =	vmand vm9, vm8  }
0x126: {  	[tilespmem:$0x14A0] =	vst v20;
	v17 =	vsel vm8, $0x1, v9  }
0x127: {  	[tilespmem:$0x15A0] =	vst v17  }
0x128: {  	s10 =	simm.s32 $0x3;
	v18 =	vld.idx.msk [tilespmem:v16+s8+$0x0], $0xffff  }
0x129: {  	v20 =	vor.u32 s10, v15;
	v21 =	vld.idx.msk [tilespmem:v19+s8+$0x0], $0xffff;
	_ =	sdelay $0x3  }
0x12a: {  	v19 =	vld.idx.msk [tilespmem:v15+s8+$0x0], $0xffff  }
0x12b: {  	s11 =	simm.s32 $0x4;
	v17 =	vimm.s32 $0x1;
	v20 =	vld.idx.msk [tilespmem:v20+s8+$0x0], $0xffff;
	vm8 =	vgt.f32 v21, v18  }
.LBB2_18:
0x12c: {  	p1 =	sne.s32 s11, $0x32  }
0x12d: {  	v22 =	vor.u32 s11, v15;
	v18 =	vsel vm8, v21, v18;
	v17 =	vsel vm8, s9, v17;
	s9 =	smov.u32 s10;
	s10 =	smov.u32 s11;
	s11 =	sadd.s32 $0x1, s11  }
.Ltmp8:
0x12e: {  	(pc) =	sbr.rel @p1 .LBB2_18-.Ltmp8, $2  }
0x12f: {  	_ =	sdelay $0x2  }
0x130: {  	vm8 =	vgt.f32 v20, v18;
	v21 =	vmov v20;
	v20 =	vld.idx.msk [tilespmem:v22+s8+$0x0], $0xffff  }
0x131: {  	s11 =	simm.s32 $0x0  }
0x132: {  	v22 =	vor.u32 s11, v15;
	_ =	sdelay $0x3  }
0x133: {  	s14 =	simm.s32 $0x1  }
0x134: {  	v23 =	vor.u32 s14, v15;
	v22 =	vld.idx.msk [tilespmem:v22+s8+$0x0], $0xffff  }
0x135: {  	v18 =	vsel vm8, v21, v18  }
0x136: {  	vm9 =	vgt.f32 v20, v18  }
0x137: {  	v18 =	vsel vm9, v20, v18  }
0x138: {  	v19 =	vmax.f32 v19, v18  }
0x139: {  	v21 =	vld.idx.msk [tilespmem:v23+s8+$0x0], $0xffff;
	v20 =	vsub.f32 v22, v19  }
0x13a: {  	s15 =	simm.s32 $0x2  }
0x13b: {  	v24 =	vor.u32 s15, v15;
	v20 =	vmul.f32 $1.442695020e+00, v20;
	_ =	sdelay $0x1  }
0x13c: {  	(erf) = vpow2.f32 v20  }
0x13d: {  	v21 =	vsub.f32 v21, v19  }
0x13e: {  	s16 =	simm.s32 $0x3  }
0x13f: {  	v23 =	vor.u32 s16, v15;
	v22 =	vld.idx.msk [tilespmem:v24+s8+$0x0], $0xffff;
	v21 =	vmul.f32 $1.442695020e+00, v21;
	_ =	sdelay $0x1  }
0x140: {  	(erf) = vpow2.f32 v21;
	_ =	sdelay $0x1  }
0x141: {  	v17 =	vsel vm8, s9, v17  }
0x142: {  	s9 =	simm.s32 $0x4;
	v17 =	vsel vm9, s10, v17;
	v20 =	vimm.f32 $0.0e+00;
	v21 =	vld.idx.msk [tilespmem:v23+s8+$0x0], $0xffff;
	v22 =	vsub.f32 v22, v19  }
.LBB2_20:
0x143: {  	v23 =	vor.u32 s9, v15;
	p1 =	sne.s32 s9, $0x32;
	s9 =	sadd.s32 $0x1, s9;
	v24 =	vpop (erf)  }
.Ltmp9:
0x144: {  	v22 =	vmul.f32 $1.442695020e+00, v22;
	v20 =	vadd.f32 v24, v20;
	(pc) =	sbr.rel @p1 .LBB2_20-.Ltmp9, $3  }
0x145: {  	_ = 	snop  }
0x146: {  	(erf) = vpow2.f32 v22;
	_ =	sdelay $0x1  }
0x147: {  	v22 =	vsub.f32 v21, v19;
	v21 =	vld.idx.msk [tilespmem:v23+s8+$0x0], $0xffff  }
0x148: {  	_ =	sdelay $0x3  }
0x149: {  	v22 =	vmul.f32 $1.442695020e+00, v22;
	v21 =	vsub.f32 v21, v19  }
0x14a: {  	v23 =	vld [tilespmem:$0x1030]  }
0x14b: {  	(erf) = vpow2.f32 v22;
	v21 =	vmul.f32 $1.442695020e+00, v21;
	_ =	sdelay $0x1  }
0x14c: {  	(erf) = vpow2.f32 v21  }
0x14d: {  	v22 =	vld [tilespmem:$0x10B0];
	_ =	sdelay $0x1  }
0x14e: {  	v21 =	vpop (erf)  }
0x14f: {  	v18 =	vsub.f32 v18, v19;
	v20 =	vadd.f32 v21, v20  }
0x150: {  	v24 =	vld.idx.msk [tilespmem:v23+s1+$0x0], $0xffff;
	v21 =	vpop (erf)  }
0x151: {  	v18 =	vmul.f32 $1.442695020e+00, v18;
	v19 =	vld.idx.msk [tilespmem:v23+s2+$0x0], $0xffff;
	v20 =	vadd.f32 v21, v20  }
0x152: {  	v27 =	vld.idx.msk [tilespmem:v23+s3+$0x0], $0xffff;
	v25 =	vpop (erf)  }
0x153: {  	(erf) = vpow2.f32 v18;
	v18 =	vld.idx.msk [tilespmem:v23+s4+$0x0], $0xffff;
	v20 =	vadd.f32 v25, v20  }
0x154: {  	v60 =	vld.idx.msk [tilespmem:v22+s2+$0x0], $0xffff;
	v26 =	vpop (erf)  }
0x155: {  	v61 =	vld.idx.msk [tilespmem:v22+s3+$0x0], $0xffff;
	v20 =	vadd.f32 v26, v20  }
0x156: {  	v21 =	vld.idx.msk [tilespmem:v22+s1+$0x0], $0xffff  }
0x157: {  	(erf) = vrcp.f32 v20;
	v20 =	vld.idx.msk [tilespmem:v22+s4+$0x0], $0xffff;
	_ =	sdelay $0x3  }
0x158: {  	v19 =	vmax.f32 v19, v60  }
0x159: {  	v26 =	vmin.f32 v27, v61;
	v21 =	vmax.f32 v24, v21;
	v18 =	vmin.f32 v18, v20  }
0x15a: {  	v20 =	vsub.f32 v26, v21;
	v18 =	vsub.f32 v18, v19;
	v19 =	vld.idx.msk [tilespmem:v23+s6+$0x0], $0xffff;
	_ =	sdelay $0x1  }
0x15b: {  	v62 =	vld.idx.msk [tilespmem:v17+s5+$0x0], $0xffff;
	v20 =	vmax.f32 v20, $0.0e+00;
	v18 =	vmax.f32 v18, $0.0e+00  }
0x15c: {  	vm8 =	veq.s32 v23, v22;
	v21 =	vpop (erf);
	v18 =	vmul.f32 v18, v20  }
0x15d: {  	vm11 =	vmneg vm8;
	v63 =	vpop (erf)  }
0x15e: {  	v20 =	vmul.f32 v63, v21;
	vm9 =	vgt.f32 v18, $0.0e+00;
	vm10 =	vgt.s32 v19, $0x0  }
0x15f: {  	vm9 =	vmand vm11, vm9;
	vm8 =	vmand vm8, vm10  }
0x160: {  	vm15 =	vge.f32 v20, v62;
	vm8 =	vmor vm8, vm9  }
0x161: {  	[tilespmem:$0x1530] =	vst v17;
	vm8 =	vmand vm15, vm8  }
0x162: {  	[tilespmem:$0x14B0] =	vst v20;
	v17 =	vsel vm8, $0x1, v9  }
0x163: {  	s9 =	simm.s32 $0x1480;
	[tilespmem:$0x15B0] =	vst v17  }
0x164: {  	[spmem:s18] =	stream.linear.scatter [tilespmem:s9], [sflag:$0x1], $0x40, $0x38;
	[tilespmem:$0x2768] =	vst v63  }
0x165: {  	_ =	swait.ge [sflag:s31], $0x40  }
0x166: {  	[sflag:s31] =	ssyncset.done $0x0  }
0x167: {  	s13 =	simm.s32 $0x1500;
	[sflag:s31] =	ssyncadd.s32 $0xFFFFFFC0  }
0x168: {  	[spmem:s19] =	stream.linear.scatter [tilespmem:s13], [sflag:$0x1], $0x40, $0x38;
	[tilespmem:$0x2768] =	vst v63  }
0x169: {  	_ =	swait.ge [sflag:s31], $0x40  }
0x16a: {  	[sflag:s31] =	ssyncset.done $0x0  }
0x16b: {  	s14 =	simm.s32 $0x1580;
	[sflag:s31] =	ssyncadd.s32 $0xFFFFFFC0  }
0x16c: {  	[spmem:s20] =	stream.linear.scatter [tilespmem:s14], [sflag:$0x1], $0x40, $0x38;
	[tilespmem:$0x2768] =	vst v63  }
0x16d: {  	_ =	swait.ge [sflag:s31], $0x40  }
0x16e: {  	[sflag:s31] =	ssyncset.done $0x0  }
0x16f: {  	[sflag:s31] =	ssyncadd.s32 $0xFFFFFFC0  }
0x170: {  	[bflag:$0x0] =	sbarrier.arrive $0xFFFF  }
0x171: {  	s9 =	simm.s32 $0x1600;
	s10 =	rddreg [dreg:$0x5]  }
0x172: {  	[tilespmem:s9], [sflag:$0x1] =	stream.linear.gather [spmem:s10], $0x400, $0x38;
	[tilespmem:$0x2768] =	vst v63  }
0x173: {  	_ =	swait.ge [sflag:s31], $0x400  }
0x174: {  	[sflag:s31] =	ssyncset.done $0x0  }
0x175: {  	[sflag:s31] =	ssyncadd.s32 $0xFFFFFC00  }
0x176: {  	s10 =	simm.s32 $0x1A00;
	s11 =	rddreg [dreg:$0x6]  }
0x177: {  	[tilespmem:s10], [sflag:$0x1] =	stream.linear.gather [spmem:s11], $0x400, $0x38;
	[tilespmem:$0x2768] =	vst v63  }
0x178: {  	_ =	swait.ge [sflag:s31], $0x400  }
0x179: {  	[sflag:s31] =	ssyncset.done $0x0  }
0x17a: {  	[sflag:s31] =	ssyncadd.s32 $0xFFFFFC00  }
0x17b: {  	s15 =	simm.s32 $0x1E00;
	s12 =	rddreg [dreg:$0x7]  }
0x17c: {  	[tilespmem:s15], [sflag:$0x1] =	stream.linear.gather [spmem:s12], $0x400, $0x38;
	[tilespmem:$0x2768] =	vst v63  }
0x17d: {  	_ =	swait.ge [sflag:s31], $0x400  }
0x17e: {  	[sflag:s31] =	ssyncset.done $0x0  }
0x17f: {  	[sflag:s31] =	ssyncadd.s32 $0xFFFFFC00  }
0x180: {  	v21 =	vld [tilespmem:s15+$0x0]  }
0x181: {  	v19 =	vld [tilespmem:s9+$0x0]  }
0x182: {  	v22 =	vld [tilespmem:s10+$0x0];
	_ =	sdelay $0x1  }
0x183: {  	s16 =	simm.s32 $0x0  }
0x184: {  	v18 =	vimm.f32 $-1.000000000e+00;
	v20 =	vor.u32 s16, v3;
	v17 =	vimm.s32 $0x40000000;
	s11 =	simm.s32 $0x10;
	s12 =	simm.s32 $0x1E10  }
.LBB2_22:
0x185: {  	vm8 =	vne.s32 v21, $0x0;
	v21 =	vld [tilespmem:s12+$0x0];
	vm9 =	veq.f32 v19, v18;
	vm10 =	vlt.s32 v20, v17;
	s9 =	sadd.s32 $0x10, s9;
	v23 =	vmovc v19;
	s13 =	smov.u32 s11;
	p1 =	sne.s32 s11, $0x3F0  }
.Ltmp10:
0x186: {  	s11 =	sadd.s32 $0x10, s11;
	s10 =	sadd.s32 $0x10, s10;
	v19 =	vld [tilespmem:s9+$0x0];
	vm11 =	veq.s32 v22, v0;
	vm12 =	vgt.f32 v23, v18;
	vm9 =	vmand vm10, vm9;
	(pc) =	sbr.rel @p1 .LBB2_22-.Ltmp10, $4  }
0x187: {  	v22 =	vld [tilespmem:s10+$0x0];
	vm8 =	vmand vm11, vm8;
	vm9 =	vmor vm12, vm9  }
0x188: {  	vm8 =	vmand vm9, vm8  }
0x189: {  	v18 =	vsel vm8, v23, v18;
	v17 =	vsel vm8, v20, v17  }
0x18a: {  	s12 =	sadd.s32 $0x10, s12;
	v20 =	vor.u32 s13, v3  }
0x18b: {  	vm8 =	vne.s32 v21, $0x0;
	vm9 =	veq.f32 v19, v18;
	vm10 =	vlt.s32 v20, v17  }
0x18c: {  	vm12 =	vgt.f32 v19, v18;
	vm11 =	veq.s32 v22, v0;
	vm9 =	vmand vm10, vm9  }
0x18d: {  	vm8 =	vmand vm11, vm8;
	vm9 =	vmor vm12, vm9  }
0x18e: {  	vm8 =	vmand vm9, vm8  }
0x18f: {  	v18 =	vsel vm8, v19, v18  }
0x190: {  	(xrf0) =	vmax.scan.msk.f32 $0xffff, v18;
	_ =	sdelay $0x5  }
0x191: {  	v19, _, _ =	vpop (xrf0)  }
0x192: {  	v19 =	vbroadcast v19, $0xF  }
0x193: {  	v17 =	vsel vm8, v20, v17  }
0x194: {  	v17 =	vxor.u32 $0x80000000, v17;
	vm8 =	veq.f32 v18, v19  }
0x195: {  	v17 =	vnsel vm8, $0xC0000000, v17  }
0x196: {  	(xrf0) =	vmin.scan.msk.u32 $0xffff, v17;
	_ =	sdelay $0x5  }
0x197: {  	v17, _, _ =	vpop (xrf0)  }
0x198: {  	(v2sf) =	vpush v17, $0xF;
	_ =	sdelay $0xe  }
0x199: {  	s10 =	simm.s32 $0x1A00;
	s9 =	spop (v2sf)  }
0x19a: {  	v22 =	vld [tilespmem:s10+$0x0];
	s11 =	sxor.u32 $0x80000000, s9;
	s9 =	simm.s32 $0x1600  }
0x19b: {  	s10 =	simm.s32 $0x1E00;
	v21 =	vld [tilespmem:s9+$0x0]  }
0x19c: {  	v23 =	vld [tilespmem:s10+$0x0]  }
0x19d: {  	s12 =	simm.s32 $0x0  }
0x19e: {  	v20 =	vor.u32 s12, v3  }
0x19f: {  	s12 =	simm.s32 $0x1A10;
	v19 =	vimm.f32 $-1.000000000e+00;
	v18 =	vimm.s32 $0x40000000;
	v17 =	vmov s11;
	s11 =	simm.s32 $0x10  }
.LBB2_24:
0x1a0: {  	vm8 =	veq.s32 v22, v0;
	v22 =	vld [tilespmem:s12+$0x0];
	vm9 =	vne.s32 v20, v17;
	s9 =	sadd.s32 $0x10, s9;
	v24 =	vmov v21;
	s13 =	smov.u32 s11;
	p1 =	sne.s32 s11, $0x3F0  }
.Ltmp11:
0x1a1: {  	vm12 =	vlt.s32 v20, v18;
	s10 =	sadd.s32 $0x10, s10;
	v21 =	vld [tilespmem:s9+$0x0];
	vm10 =	vne.s32 v23, $0x0;
	vm11 =	veq.f32 v24, v19;
	(pc) =	sbr.rel @p1 .LBB2_24-.Ltmp11, $4  }
0x1a2: {  	s11 =	sadd.s32 $0x10, s11;
	v23 =	vld [tilespmem:s10+$0x0];
	vm9 =	vmand vm10, vm9;
	vm10 =	vgt.f32 v24, v19;
	vm11 =	vmand vm12, vm11  }
0x1a3: {  	vm8 =	vmand vm9, vm8;
	vm9 =	vmor vm10, vm11  }
0x1a4: {  	vm8 =	vmand vm9, vm8  }
0x1a5: {  	s12 =	sadd.s32 $0x10, s12;
	v19 =	vsel vm8, v24, v19;
	v18 =	vsel vm8, v20, v18;
	v20 =	vor.u32 s13, v3  }
0x1a6: {  	vm8 =	veq.s32 v22, v0;
	vm9 =	vne.s32 v20, v17  }
0x1a7: {  	vm11 =	veq.f32 v21, v19;
	vm12 =	vlt.s32 v20, v18;
	vm10 =	vne.s32 v23, $0x0  }
0x1a8: {  	vm11 =	vmand vm12, vm11;
	vm9 =	vmand vm10, vm9;
	vm10 =	vgt.f32 v21, v19  }
0x1a9: {  	vm8 =	vmand vm9, vm8;
	vm9 =	vmor vm10, vm11  }
0x1aa: {  	vm8 =	vmand vm9, vm8  }
0x1ab: {  	v19 =	vsel vm8, v21, v19  }
0x1ac: {  	(xrf0) =	vmax.scan.msk.f32 $0xffff, v19;
	_ =	sdelay $0x5  }
0x1ad: {  	v21, _, _ =	vpop (xrf0)  }
0x1ae: {  	v21 =	vbroadcast v21, $0xF  }
0x1af: {  	v18 =	vsel vm8, v20, v18  }
0x1b0: {  	v18 =	vxor.u32 $0x80000000, v18;
	vm8 =	veq.f32 v19, v21  }
0x1b1: {  	v18 =	vnsel vm8, $0xC0000000, v18  }
0x1b2: {  	(xrf0) =	vmin.scan.msk.u32 $0xffff, v18;
	_ =	sdelay $0x5  }
0x1b3: {  	v18, _, _ =	vpop (xrf0)  }
0x1b4: {  	(v2sf) =	vpush v18, $0xF;
	_ =	sdelay $0xe  }
0x1b5: {  	s11 =	simm.s32 $0x1E00;
	s9 =	spop (v2sf)  }
0x1b6: {  	v27 =	vld [tilespmem:s11+$0x0];
	s10 =	sxor.u32 $0x80000000, s9;
	s9 =	simm.s32 $0x1A00  }
0x1b7: {  	v25 =	vmov s10;
	v26 =	vld [tilespmem:s9+$0x0];
	s10 =	simm.s32 $0x1600  }
0x1b8: {  	v18 =	vld [tilespmem:s10+$0x0]  }
0x1b9: {  	s13 =	simm.s32 $0x0  }
0x1ba: {  	s12 =	simm.s32 $0x10;
	v24 =	vimm.s32 $0x40000000;
	v23 =	vimm.f32 $-1.000000000e+00;
	v21 =	vor.u32 s13, v3  }
0x1bb: {  	s14 =	simm.s32 $0x1E00;
	s15 =	simm.s32 $0x1600;
	v20 =	vimm.f32 $-1.000000000e+00;
	v19 =	vimm.s32 $0x40000000;
	s13 =	simm.s32 $0x1A10;
	v22 =	vmovc v21;
	vm8 =	vne.s32 v21, v25  }
.LBB2_26:
0x1bc: {  	vm9 =	vne.s32 v27, $0x0;
	vm10 =	veq.s32 v26, v0;
	v26 =	vld [tilespmem:s13+$0x0];
	vm11 =	vne.s32 v22, v17;
	s14 =	sadd.s32 $0x10, s14;
	s16 =	smov.u32 s12;
	p1 =	sne.s32 s12, $0x3F0  }
.Ltmp12:
0x1bd: {  	s12 =	sadd.s32 $0x10, s12;
	vm12 =	vlt.s32 v22, v24;
	s15 =	sadd.s32 $0x10, s15;
	v27 =	vld [tilespmem:s14+$0x0];
	vm9 =	vmand vm9, vm11;
	vm11 =	veq.f32 v18, v23;
	(pc) =	sbr.rel @p1 .LBB2_26-.Ltmp12, $4  }
0x1be: {  	v28 =	vmovc v18;
	vm9 =	vmand vm9, vm10;
	vm10 =	vgt.f32 v18, v23;
	vm11 =	vmand vm12, vm11;
	v18 =	vld [tilespmem:s15+$0x0]  }
0x1bf: {  	vm8 =	vmand vm8, vm9;
	vm9 =	vmor vm10, vm11  }
0x1c0: {  	v29 =	vor.u32 s16, v3;
	vm9 =	vmand vm9, vm8  }
0x1c1: {  	s13 =	sadd.s32 $0x10, s13;
	vm8 =	vne.s32 v29, v25;
	v23 =	vsel vm9, v28, v23;
	v24 =	vsel vm9, v22, v24;
	v22 =	vmovc v29  }
0x1c2: {  	vm9 =	vne.s32 v27, $0x0;
	vm10 =	veq.s32 v26, v0;
	vm11 =	vne.s32 v22, v17  }
0x1c3: {  	vm12 =	vlt.s32 v22, v24;
	vm9 =	vmand vm9, vm11;
	vm11 =	veq.f32 v18, v23  }
0x1c4: {  	vm14 =	vgt.f32 v18, v23;
	vm9 =	vmand vm9, vm10;
	vm11 =	vmand vm12, vm11  }
0x1c5: {  	v26 =	vld [tilespmem:s11+$0x0];
	vm8 =	vmand vm8, vm9;
	vm15 =	vmor vm14, vm11  }
0x1c6: {  	v25 =	vld [tilespmem:s10+$0x0];
	vm8 =	vmand vm15, vm8  }
0x1c7: {  	v17 =	vsel vm8, v18, v23;
	v18 =	vsel vm8, v22, v24;
	v22 =	vld [tilespmem:s9+$0x0];
	_ =	sdelay $0x2  }
0x1c8: {  	s11 =	simm.s32 $0x10;
	s12 =	simm.s32 $0x1E10  }
.LBB2_28:
0x1c9: {  	vm8 =	vne.s32 v26, $0x0;
	v26 =	vld [tilespmem:s12+$0x0];
	vm9 =	veq.f32 v25, v20;
	vm10 =	vlt.s32 v21, v19;
	s10 =	sadd.s32 $0x10, s10;
	v23 =	vmovc v25;
	s13 =	smov.u32 s11;
	p1 =	sne.s32 s11, $0x3F0  }
.Ltmp13:
0x1ca: {  	s11 =	sadd.s32 $0x10, s11;
	s9 =	sadd.s32 $0x10, s9;
	v25 =	vld [tilespmem:s10+$0x0];
	vm11 =	veq.s32 v22, v1;
	vm12 =	vgt.f32 v23, v20;
	vm9 =	vmand vm10, vm9;
	(pc) =	sbr.rel @p1 .LBB2_28-.Ltmp13, $4  }
0x1cb: {  	v22 =	vld [tilespmem:s9+$0x0];
	vm8 =	vmand vm11, vm8;
	vm9 =	vmor vm12, vm9  }
0x1cc: {  	vm8 =	vmand vm9, vm8  }
0x1cd: {  	v20 =	vsel vm8, v23, v20;
	v19 =	vsel vm8, v21, v19  }
0x1ce: {  	s12 =	sadd.s32 $0x10, s12;
	v21 =	vor.u32 s13, v3  }
0x1cf: {  	vm8 =	vne.s32 v26, $0x0;
	vm9 =	veq.f32 v25, v20;
	vm10 =	vlt.s32 v21, v19  }
0x1d0: {  	vm12 =	vgt.f32 v25, v20;
	vm11 =	veq.s32 v22, v1;
	vm9 =	vmand vm10, vm9  }
0x1d1: {  	vm8 =	vmand vm11, vm8;
	vm9 =	vmor vm12, vm9  }
0x1d2: {  	vm8 =	vmand vm9, vm8  }
0x1d3: {  	v20 =	vsel vm8, v25, v20  }
0x1d4: {  	(xrf0) =	vmax.scan.msk.f32 $0xffff, v20;
	_ =	sdelay $0x5  }
0x1d5: {  	v22, _, _ =	vpop (xrf0)  }
0x1d6: {  	v22 =	vbroadcast v22, $0xF  }
0x1d7: {  	v19 =	vsel vm8, v21, v19  }
0x1d8: {  	v19 =	vxor.u32 $0x80000000, v19;
	vm8 =	veq.f32 v20, v22  }
0x1d9: {  	v19 =	vnsel vm8, $0xC0000000, v19  }
0x1da: {  	(xrf0) =	vmin.scan.msk.u32 $0xffff, v19;
	_ =	sdelay $0x5  }
0x1db: {  	v19, _, _ =	vpop (xrf0)  }
0x1dc: {  	(v2sf) =	vpush v19, $0xF;
	_ =	sdelay $0xe  }
0x1dd: {  	s10 =	simm.s32 $0x1A00;
	s9 =	spop (v2sf)  }
0x1de: {  	v24 =	vld [tilespmem:s10+$0x0];
	s11 =	sxor.u32 $0x80000000, s9;
	s9 =	simm.s32 $0x1600  }
0x1df: {  	s10 =	simm.s32 $0x1E00;
	v23 =	vld [tilespmem:s9+$0x0]  }
0x1e0: {  	v25 =	vld [tilespmem:s10+$0x0];
	_ =	sdelay $0x1  }
0x1e1: {  	s12 =	simm.s32 $0x0;
	v21 =	vimm.f32 $-1.000000000e+00  }
0x1e2: {  	v20 =	vimm.s32 $0x40000000;
	v22 =	vor.u32 s12, v3;
	s12 =	simm.s32 $0x1A10;
	v19 =	vmov s11;
	s11 =	simm.s32 $0x10  }
.LBB2_30:
0x1e3: {  	vm8 =	veq.s32 v24, v1;
	v24 =	vld [tilespmem:s12+$0x0];
	vm9 =	vne.s32 v22, v19;
	s9 =	sadd.s32 $0x10, s9;
	v26 =	vmov v23;
	s13 =	smov.u32 s11;
	p1 =	sne.s32 s11, $0x3F0  }
.Ltmp14:
0x1e4: {  	vm12 =	vlt.s32 v22, v20;
	s10 =	sadd.s32 $0x10, s10;
	v23 =	vld [tilespmem:s9+$0x0];
	vm10 =	vne.s32 v25, $0x0;
	vm11 =	veq.f32 v26, v21;
	(pc) =	sbr.rel @p1 .LBB2_30-.Ltmp14, $4  }
0x1e5: {  	s11 =	sadd.s32 $0x10, s11;
	v25 =	vld [tilespmem:s10+$0x0];
	vm9 =	vmand vm10, vm9;
	vm10 =	vgt.f32 v26, v21;
	vm11 =	vmand vm12, vm11  }
0x1e6: {  	vm8 =	vmand vm9, vm8;
	vm9 =	vmor vm10, vm11  }
0x1e7: {  	vm8 =	vmand vm9, vm8  }
0x1e8: {  	s12 =	sadd.s32 $0x10, s12;
	v21 =	vsel vm8, v26, v21;
	v20 =	vsel vm8, v22, v20;
	v22 =	vor.u32 s13, v3  }
0x1e9: {  	vm8 =	veq.s32 v24, v1;
	vm9 =	vne.s32 v22, v19  }
0x1ea: {  	vm11 =	veq.f32 v23, v21;
	vm12 =	vlt.s32 v22, v20;
	vm10 =	vne.s32 v25, $0x0  }
0x1eb: {  	vm11 =	vmand vm12, vm11;
	vm9 =	vmand vm10, vm9;
	vm10 =	vgt.f32 v23, v21  }
0x1ec: {  	vm8 =	vmand vm9, vm8;
	vm9 =	vmor vm10, vm11  }
0x1ed: {  	vm8 =	vmand vm9, vm8  }
0x1ee: {  	v21 =	vsel vm8, v23, v21  }
0x1ef: {  	(xrf0) =	vmax.scan.msk.f32 $0xffff, v21;
	_ =	sdelay $0x5  }
0x1f0: {  	v23, _, _ =	vpop (xrf0)  }
0x1f1: {  	v23 =	vbroadcast v23, $0xF  }
0x1f2: {  	v20 =	vsel vm8, v22, v20  }
0x1f3: {  	v20 =	vxor.u32 $0x80000000, v20;
	vm8 =	veq.f32 v21, v23  }
0x1f4: {  	v20 =	vnsel vm8, $0xC0000000, v20  }
0x1f5: {  	(xrf0) =	vmin.scan.msk.u32 $0xffff, v20;
	_ =	sdelay $0x5  }
0x1f6: {  	v20, _, _ =	vpop (xrf0)  }
0x1f7: {  	(v2sf) =	vpush v20, $0xF;
	_ =	sdelay $0xe  }
0x1f8: {  	s11 =	simm.s32 $0x1E00;
	s9 =	spop (v2sf)  }
0x1f9: {  	v29 =	vld [tilespmem:s11+$0x0];
	s10 =	sxor.u32 $0x80000000, s9;
	s9 =	simm.s32 $0x1A00  }
0x1fa: {  	v27 =	vmov s10;
	v28 =	vld [tilespmem:s9+$0x0];
	s10 =	simm.s32 $0x1600  }
0x1fb: {  	v20 =	vld [tilespmem:s10+$0x0]  }
0x1fc: {  	s13 =	simm.s32 $0x0  }
0x1fd: {  	s12 =	simm.s32 $0x10;
	v26 =	vimm.s32 $0x40000000;
	v25 =	vimm.f32 $-1.000000000e+00;
	v23 =	vor.u32 s13, v3  }
0x1fe: {  	s14 =	simm.s32 $0x1E00;
	s15 =	simm.s32 $0x1600;
	v22 =	vimm.f32 $-1.000000000e+00;
	v21 =	vimm.s32 $0x40000000;
	s13 =	simm.s32 $0x1A10;
	v24 =	vmovc v23;
	vm8 =	vne.s32 v23, v27  }
.LBB2_32:
0x1ff: {  	vm9 =	vne.s32 v29, $0x0;
	vm10 =	veq.s32 v28, v1;
	v28 =	vld [tilespmem:s13+$0x0];
	vm11 =	vne.s32 v24, v19;
	s14 =	sadd.s32 $0x10, s14;
	s16 =	smov.u32 s12;
	p1 =	sne.s32 s12, $0x3F0  }
.Ltmp15:
0x200: {  	s12 =	sadd.s32 $0x10, s12;
	vm12 =	vlt.s32 v24, v26;
	s15 =	sadd.s32 $0x10, s15;
	v29 =	vld [tilespmem:s14+$0x0];
	vm9 =	vmand vm9, vm11;
	vm11 =	veq.f32 v20, v25;
	(pc) =	sbr.rel @p1 .LBB2_32-.Ltmp15, $4  }
0x201: {  	v30 =	vmovc v20;
	vm9 =	vmand vm9, vm10;
	vm10 =	vgt.f32 v20, v25;
	vm11 =	vmand vm12, vm11;
	v20 =	vld [tilespmem:s15+$0x0]  }
0x202: {  	vm8 =	vmand vm8, vm9;
	vm9 =	vmor vm10, vm11  }
0x203: {  	v31 =	vor.u32 s16, v3;
	vm9 =	vmand vm9, vm8  }
0x204: {  	s13 =	sadd.s32 $0x10, s13;
	vm8 =	vne.s32 v31, v27;
	v25 =	vsel vm9, v30, v25;
	v26 =	vsel vm9, v24, v26;
	v24 =	vmovc v31  }
0x205: {  	vm9 =	vne.s32 v29, $0x0;
	vm10 =	veq.s32 v28, v1;
	vm11 =	vne.s32 v24, v19  }
0x206: {  	vm12 =	vlt.s32 v24, v26;
	vm9 =	vmand vm9, vm11;
	vm11 =	veq.f32 v20, v25  }
0x207: {  	vm14 =	vgt.f32 v20, v25;
	vm9 =	vmand vm9, vm10;
	vm11 =	vmand vm12, vm11  }
0x208: {  	v28 =	vld [tilespmem:s11+$0x0];
	vm8 =	vmand vm8, vm9;
	vm15 =	vmor vm14, vm11  }
0x209: {  	v27 =	vld [tilespmem:s10+$0x0];
	vm8 =	vmand vm15, vm8  }
0x20a: {  	v19 =	vsel vm8, v20, v25;
	v20 =	vsel vm8, v24, v26;
	v24 =	vld [tilespmem:s9+$0x0];
	_ =	sdelay $0x2  }
0x20b: {  	s11 =	simm.s32 $0x10;
	s12 =	simm.s32 $0x1E10  }
.LBB2_34:
0x20c: {  	vm8 =	vne.s32 v28, $0x0;
	v28 =	vld [tilespmem:s12+$0x0];
	vm9 =	veq.f32 v27, v22;
	vm10 =	vlt.s32 v23, v21;
	s10 =	sadd.s32 $0x10, s10;
	v25 =	vmovc v27;
	s13 =	smov.u32 s11;
	p1 =	sne.s32 s11, $0x3F0  }
.Ltmp16:
0x20d: {  	s11 =	sadd.s32 $0x10, s11;
	s9 =	sadd.s32 $0x10, s9;
	v27 =	vld [tilespmem:s10+$0x0];
	vm11 =	veq.s32 v24, v2;
	vm12 =	vgt.f32 v25, v22;
	vm9 =	vmand vm10, vm9;
	(pc) =	sbr.rel @p1 .LBB2_34-.Ltmp16, $4  }
0x20e: {  	v24 =	vld [tilespmem:s9+$0x0];
	vm8 =	vmand vm11, vm8;
	vm9 =	vmor vm12, vm9  }
0x20f: {  	vm8 =	vmand vm9, vm8  }
0x210: {  	v22 =	vsel vm8, v25, v22;
	v21 =	vsel vm8, v23, v21  }
0x211: {  	s12 =	sadd.s32 $0x10, s12;
	v23 =	vor.u32 s13, v3  }
0x212: {  	vm8 =	vne.s32 v28, $0x0;
	vm9 =	veq.f32 v27, v22;
	vm10 =	vlt.s32 v23, v21  }
0x213: {  	vm12 =	vgt.f32 v27, v22;
	vm11 =	veq.s32 v24, v2;
	vm9 =	vmand vm10, vm9  }
0x214: {  	vm8 =	vmand vm11, vm8;
	vm9 =	vmor vm12, vm9  }
0x215: {  	vm8 =	vmand vm9, vm8  }
0x216: {  	v22 =	vsel vm8, v27, v22  }
0x217: {  	(xrf0) =	vmax.scan.msk.f32 $0xffff, v22;
	_ =	sdelay $0x5  }
0x218: {  	v24, _, _ =	vpop (xrf0)  }
0x219: {  	v24 =	vbroadcast v24, $0xF  }
0x21a: {  	v21 =	vsel vm8, v23, v21  }
0x21b: {  	v21 =	vxor.u32 $0x80000000, v21;
	vm8 =	veq.f32 v22, v24  }
0x21c: {  	v21 =	vnsel vm8, $0xC0000000, v21  }
0x21d: {  	(xrf0) =	vmin.scan.msk.u32 $0xffff, v21;
	_ =	sdelay $0x5  }
0x21e: {  	v21, _, _ =	vpop (xrf0)  }
0x21f: {  	(v2sf) =	vpush v21, $0xF;
	_ =	sdelay $0xe  }
0x220: {  	s10 =	simm.s32 $0x1A00;
	s9 =	spop (v2sf)  }
0x221: {  	v26 =	vld [tilespmem:s10+$0x0];
	s11 =	sxor.u32 $0x80000000, s9;
	s9 =	simm.s32 $0x1600  }
0x222: {  	s10 =	simm.s32 $0x1E00;
	v25 =	vld [tilespmem:s9+$0x0]  }
0x223: {  	v27 =	vld [tilespmem:s10+$0x0];
	_ =	sdelay $0x1  }
0x224: {  	s12 =	simm.s32 $0x0;
	v23 =	vimm.f32 $-1.000000000e+00  }
0x225: {  	v22 =	vimm.s32 $0x40000000;
	v24 =	vor.u32 s12, v3;
	s12 =	simm.s32 $0x1A10;
	v21 =	vmov s11;
	s11 =	simm.s32 $0x10  }
.LBB2_36:
0x226: {  	vm8 =	veq.s32 v26, v2;
	v26 =	vld [tilespmem:s12+$0x0];
	vm9 =	vne.s32 v24, v21;
	s9 =	sadd.s32 $0x10, s9;
	v28 =	vmov v25;
	s13 =	smov.u32 s11;
	p1 =	sne.s32 s11, $0x3F0  }
.Ltmp17:
0x227: {  	vm12 =	vlt.s32 v24, v22;
	s10 =	sadd.s32 $0x10, s10;
	v25 =	vld [tilespmem:s9+$0x0];
	vm10 =	vne.s32 v27, $0x0;
	vm11 =	veq.f32 v28, v23;
	(pc) =	sbr.rel @p1 .LBB2_36-.Ltmp17, $4  }
0x228: {  	s11 =	sadd.s32 $0x10, s11;
	v27 =	vld [tilespmem:s10+$0x0];
	vm9 =	vmand vm10, vm9;
	vm10 =	vgt.f32 v28, v23;
	vm11 =	vmand vm12, vm11  }
0x229: {  	vm8 =	vmand vm9, vm8;
	vm9 =	vmor vm10, vm11  }
0x22a: {  	vm8 =	vmand vm9, vm8  }
0x22b: {  	s12 =	sadd.s32 $0x10, s12;
	v23 =	vsel vm8, v28, v23;
	v22 =	vsel vm8, v24, v22;
	v24 =	vor.u32 s13, v3  }
0x22c: {  	vm8 =	veq.s32 v26, v2;
	vm9 =	vne.s32 v24, v21  }
0x22d: {  	vm11 =	veq.f32 v25, v23;
	vm12 =	vlt.s32 v24, v22;
	vm10 =	vne.s32 v27, $0x0  }
0x22e: {  	vm11 =	vmand vm12, vm11;
	vm9 =	vmand vm10, vm9;
	vm10 =	vgt.f32 v25, v23  }
0x22f: {  	vm8 =	vmand vm9, vm8;
	vm9 =	vmor vm10, vm11  }
0x230: {  	vm8 =	vmand vm9, vm8  }
0x231: {  	v23 =	vsel vm8, v25, v23  }
0x232: {  	(xrf0) =	vmax.scan.msk.f32 $0xffff, v23;
	_ =	sdelay $0x5  }
0x233: {  	v25, _, _ =	vpop (xrf0)  }
0x234: {  	v25 =	vbroadcast v25, $0xF  }
0x235: {  	v22 =	vsel vm8, v24, v22  }
0x236: {  	v22 =	vxor.u32 $0x80000000, v22;
	vm8 =	veq.f32 v23, v25  }
0x237: {  	v22 =	vnsel vm8, $0xC0000000, v22  }
0x238: {  	(xrf0) =	vmin.scan.msk.u32 $0xffff, v22;
	_ =	sdelay $0x5  }
0x239: {  	v22, _, _ =	vpop (xrf0)  }
0x23a: {  	(v2sf) =	vpush v22, $0xF;
	_ =	sdelay $0xe  }
0x23b: {  	s11 =	simm.s32 $0x1E00;
	s9 =	spop (v2sf)  }
0x23c: {  	v31 =	vld [tilespmem:s11+$0x0];
	s10 =	sxor.u32 $0x80000000, s9;
	s9 =	simm.s32 $0x1A00  }
0x23d: {  	v29 =	vmov s10;
	v30 =	vld [tilespmem:s9+$0x0];
	s10 =	simm.s32 $0x1600  }
0x23e: {  	v22 =	vld [tilespmem:s10+$0x0]  }
0x23f: {  	s13 =	simm.s32 $0x0  }
0x240: {  	s12 =	simm.s32 $0x10;
	v28 =	vimm.s32 $0x40000000;
	v27 =	vimm.f32 $-1.000000000e+00;
	v25 =	vor.u32 s13, v3  }
0x241: {  	s14 =	simm.s32 $0x1E00;
	s15 =	simm.s32 $0x1600;
	v24 =	vimm.f32 $-1.000000000e+00;
	v23 =	vimm.s32 $0x40000000;
	s13 =	simm.s32 $0x1A10;
	v26 =	vmovc v25;
	vm8 =	vne.s32 v25, v29  }
.LBB2_38:
0x242: {  	vm9 =	vne.s32 v31, $0x0;
	vm10 =	veq.s32 v30, v2;
	v30 =	vld [tilespmem:s13+$0x0];
	vm11 =	vne.s32 v26, v21;
	s14 =	sadd.s32 $0x10, s14;
	s16 =	smov.u32 s12;
	p1 =	sne.s32 s12, $0x3F0  }
.Ltmp18:
0x243: {  	s12 =	sadd.s32 $0x10, s12;
	vm12 =	vlt.s32 v26, v28;
	s15 =	sadd.s32 $0x10, s15;
	v31 =	vld [tilespmem:s14+$0x0];
	vm9 =	vmand vm9, vm11;
	vm11 =	veq.f32 v22, v27;
	(pc) =	sbr.rel @p1 .LBB2_38-.Ltmp18, $4  }
0x244: {  	v32 =	vmovc v22;
	vm9 =	vmand vm9, vm10;
	vm10 =	vgt.f32 v22, v27;
	vm11 =	vmand vm12, vm11;
	v22 =	vld [tilespmem:s15+$0x0]  }
0x245: {  	vm8 =	vmand vm8, vm9;
	vm9 =	vmor vm10, vm11  }
0x246: {  	v33 =	vor.u32 s16, v3;
	vm9 =	vmand vm9, vm8  }
0x247: {  	s13 =	sadd.s32 $0x10, s13;
	vm8 =	vne.s32 v33, v29;
	v27 =	vsel vm9, v32, v27;
	v28 =	vsel vm9, v26, v28;
	v26 =	vmovc v33  }
0x248: {  	vm9 =	vne.s32 v31, $0x0;
	vm10 =	veq.s32 v30, v2;
	vm11 =	vne.s32 v26, v21  }
0x249: {  	vm12 =	vlt.s32 v26, v28;
	vm9 =	vmand vm9, vm11;
	vm11 =	veq.f32 v22, v27  }
0x24a: {  	vm14 =	vgt.f32 v22, v27;
	vm9 =	vmand vm9, vm10;
	vm11 =	vmand vm12, vm11  }
0x24b: {  	v30 =	vld [tilespmem:s11+$0x0];
	vm8 =	vmand vm8, vm9;
	vm15 =	vmor vm14, vm11  }
0x24c: {  	v29 =	vld [tilespmem:s10+$0x0];
	vm8 =	vmand vm15, vm8  }
0x24d: {  	v21 =	vsel vm8, v22, v27;
	v22 =	vsel vm8, v26, v28;
	v26 =	vld [tilespmem:s9+$0x0];
	_ =	sdelay $0x2  }
0x24e: {  	s11 =	simm.s32 $0x10;
	s12 =	simm.s32 $0x1E10  }
.LBB2_40:
0x24f: {  	vm8 =	vne.s32 v30, $0x0;
	v30 =	vld [tilespmem:s12+$0x0];
	vm9 =	veq.f32 v29, v24;
	vm10 =	vlt.s32 v25, v23;
	s10 =	sadd.s32 $0x10, s10;
	v27 =	vmovc v29;
	s13 =	smov.u32 s11;
	p1 =	sne.s32 s11, $0x3F0  }
.Ltmp19:
0x250: {  	s11 =	sadd.s32 $0x10, s11;
	s9 =	sadd.s32 $0x10, s9;
	v29 =	vld [tilespmem:s10+$0x0];
	vm11 =	veq.s32 v26, v4;
	vm12 =	vgt.f32 v27, v24;
	vm9 =	vmand vm10, vm9;
	(pc) =	sbr.rel @p1 .LBB2_40-.Ltmp19, $4  }
0x251: {  	v26 =	vld [tilespmem:s9+$0x0];
	vm8 =	vmand vm11, vm8;
	vm9 =	vmor vm12, vm9  }
0x252: {  	vm8 =	vmand vm9, vm8  }
0x253: {  	v24 =	vsel vm8, v27, v24;
	v23 =	vsel vm8, v25, v23  }
0x254: {  	s12 =	sadd.s32 $0x10, s12;
	v25 =	vor.u32 s13, v3  }
0x255: {  	vm8 =	vne.s32 v30, $0x0;
	vm9 =	veq.f32 v29, v24;
	vm10 =	vlt.s32 v25, v23  }
0x256: {  	vm12 =	vgt.f32 v29, v24;
	vm11 =	veq.s32 v26, v4;
	vm9 =	vmand vm10, vm9  }
0x257: {  	vm8 =	vmand vm11, vm8;
	vm9 =	vmor vm12, vm9  }
0x258: {  	vm8 =	vmand vm9, vm8  }
0x259: {  	v24 =	vsel vm8, v29, v24  }
0x25a: {  	(xrf0) =	vmax.scan.msk.f32 $0xffff, v24;
	_ =	sdelay $0x5  }
0x25b: {  	v26, _, _ =	vpop (xrf0)  }
0x25c: {  	v26 =	vbroadcast v26, $0xF  }
0x25d: {  	v23 =	vsel vm8, v25, v23  }
0x25e: {  	v23 =	vxor.u32 $0x80000000, v23;
	vm8 =	veq.f32 v24, v26  }
0x25f: {  	v23 =	vnsel vm8, $0xC0000000, v23  }
0x260: {  	(xrf0) =	vmin.scan.msk.u32 $0xffff, v23;
	_ =	sdelay $0x5  }
0x261: {  	v23, _, _ =	vpop (xrf0)  }
0x262: {  	(v2sf) =	vpush v23, $0xF;
	_ =	sdelay $0xe  }
0x263: {  	s10 =	simm.s32 $0x1A00;
	s9 =	spop (v2sf)  }
0x264: {  	v28 =	vld [tilespmem:s10+$0x0];
	s11 =	sxor.u32 $0x80000000, s9;
	s9 =	simm.s32 $0x1600  }
0x265: {  	s10 =	simm.s32 $0x1E00;
	v27 =	vld [tilespmem:s9+$0x0]  }
0x266: {  	v29 =	vld [tilespmem:s10+$0x0];
	_ =	sdelay $0x1  }
0x267: {  	s12 =	simm.s32 $0x0;
	v25 =	vimm.f32 $-1.000000000e+00  }
0x268: {  	v24 =	vimm.s32 $0x40000000;
	v26 =	vor.u32 s12, v3;
	s12 =	simm.s32 $0x1A10;
	v23 =	vmov s11;
	s11 =	simm.s32 $0x10  }
.LBB2_42:
0x269: {  	vm8 =	veq.s32 v28, v4;
	v28 =	vld [tilespmem:s12+$0x0];
	vm9 =	vne.s32 v26, v23;
	s9 =	sadd.s32 $0x10, s9;
	v30 =	vmov v27;
	s13 =	smov.u32 s11;
	p1 =	sne.s32 s11, $0x3F0  }
.Ltmp20:
0x26a: {  	vm12 =	vlt.s32 v26, v24;
	s10 =	sadd.s32 $0x10, s10;
	v27 =	vld [tilespmem:s9+$0x0];
	vm10 =	vne.s32 v29, $0x0;
	vm11 =	veq.f32 v30, v25;
	(pc) =	sbr.rel @p1 .LBB2_42-.Ltmp20, $4  }
0x26b: {  	s11 =	sadd.s32 $0x10, s11;
	v29 =	vld [tilespmem:s10+$0x0];
	vm9 =	vmand vm10, vm9;
	vm10 =	vgt.f32 v30, v25;
	vm11 =	vmand vm12, vm11  }
0x26c: {  	vm8 =	vmand vm9, vm8;
	vm9 =	vmor vm10, vm11  }
0x26d: {  	vm8 =	vmand vm9, vm8  }
0x26e: {  	s12 =	sadd.s32 $0x10, s12;
	v25 =	vsel vm8, v30, v25;
	v24 =	vsel vm8, v26, v24;
	v26 =	vor.u32 s13, v3  }
0x26f: {  	vm8 =	veq.s32 v28, v4;
	vm9 =	vne.s32 v26, v23  }
0x270: {  	vm11 =	veq.f32 v27, v25;
	vm12 =	vlt.s32 v26, v24;
	vm10 =	vne.s32 v29, $0x0  }
0x271: {  	vm11 =	vmand vm12, vm11;
	vm9 =	vmand vm10, vm9;
	vm10 =	vgt.f32 v27, v25  }
0x272: {  	vm8 =	vmand vm9, vm8;
	vm9 =	vmor vm10, vm11  }
0x273: {  	vm8 =	vmand vm9, vm8  }
0x274: {  	v25 =	vsel vm8, v27, v25  }
0x275: {  	(xrf0) =	vmax.scan.msk.f32 $0xffff, v25;
	_ =	sdelay $0x5  }
0x276: {  	v27, _, _ =	vpop (xrf0)  }
0x277: {  	v27 =	vbroadcast v27, $0xF  }
0x278: {  	v24 =	vsel vm8, v26, v24  }
0x279: {  	v24 =	vxor.u32 $0x80000000, v24;
	vm8 =	veq.f32 v25, v27  }
0x27a: {  	v24 =	vnsel vm8, $0xC0000000, v24  }
0x27b: {  	(xrf0) =	vmin.scan.msk.u32 $0xffff, v24;
	_ =	sdelay $0x5  }
0x27c: {  	v24, _, _ =	vpop (xrf0)  }
0x27d: {  	(v2sf) =	vpush v24, $0xF;
	_ =	sdelay $0xe  }
0x27e: {  	s10 =	simm.s32 $0x1A00;
	s9 =	spop (v2sf)  }
0x27f: {  	v28 =	vld [tilespmem:s10+$0x0];
	s11 =	sxor.u32 $0x80000000, s9;
	s9 =	simm.s32 $0x1E00  }
0x280: {  	s10 =	simm.s32 $0x1600;
	v29 =	vld [tilespmem:s9+$0x0]  }
0x281: {  	v27 =	vld [tilespmem:s10+$0x0]  }
0x282: {  	s12 =	simm.s32 $0x0  }
0x283: {  	v24 =	vor.u32 s12, v3;
	v30 =	vmov s11  }
0x284: {  	v26 =	vimm.f32 $-1.000000000e+00;
	v25 =	vimm.s32 $0x40000000;
	s12 =	simm.s32 $0x1A10;
	s11 =	simm.s32 $0x10;
	vm8 =	vne.s32 v24, v30  }
.LBB2_44:
0x285: {  	vm9 =	vne.s32 v29, $0x0;
	vm10 =	veq.s32 v28, v4;
	v28 =	vld [tilespmem:s12+$0x0];
	vm11 =	vne.s32 v24, v23;
	s9 =	sadd.s32 $0x10, s9;
	s13 =	smov.u32 s11;
	p1 =	sne.s32 s11, $0x3F0  }
.Ltmp21:
0x286: {  	s11 =	sadd.s32 $0x10, s11;
	vm12 =	vlt.s32 v24, v25;
	s10 =	sadd.s32 $0x10, s10;
	v29 =	vld [tilespmem:s9+$0x0];
	vm9 =	vmand vm9, vm11;
	vm11 =	veq.f32 v27, v26;
	(pc) =	sbr.rel @p1 .LBB2_44-.Ltmp21, $4  }
0x287: {  	v31 =	vmovc v27;
	vm9 =	vmand vm9, vm10;
	vm10 =	vgt.f32 v27, v26;
	vm11 =	vmand vm12, vm11;
	v27 =	vld [tilespmem:s10+$0x0]  }
0x288: {  	vm8 =	vmand vm8, vm9;
	vm9 =	vmor vm10, vm11  }
0x289: {  	v32 =	vor.u32 s13, v3;
	vm9 =	vmand vm9, vm8  }
0x28a: {  	s12 =	sadd.s32 $0x10, s12;
	vm8 =	vne.s32 v32, v30;
	v26 =	vsel vm9, v31, v26;
	v25 =	vsel vm9, v24, v25;
	v24 =	vmovc v32  }
0x28b: {  	(xrf0) =	vmax.scan.msk.f32 $0xffff, v17;
	_ =	sdelay $0x5  }
0x28c: {  	v30, _, _ =	vpop (xrf0)  }
0x28d: {  	v30 =	vbroadcast v30, $0xF;
	_ =	sdelay $0x1  }
0x28e: {  	vm9 =	veq.f32 v17, v30;
	v17 =	vxor.u32 $0x80000000, v18  }
0x28f: {  	v17 =	vnsel vm9, $0xC0000000, v17  }
0x290: {  	(xrf0) =	vmin.scan.msk.u32 $0xffff, v17  }
0x291: {  	(xrf0) =	vmax.scan.msk.f32 $0xffff, v19;
	_ =	sdelay $0x4  }
0x292: {  	v17, _, _ =	vpop (xrf0)  }
0x293: {  	v18, _, _ =	vpop (xrf0)  }
0x294: {  	v18 =	vbroadcast v18, $0xF;
	_ =	sdelay $0x1  }
0x295: {  	vm15 =	veq.f32 v19, v18;
	v19 =	vxor.u32 $0x80000000, v20  }
0x296: {  	v19 =	vnsel vm15, $0xC0000000, v19  }
0x297: {  	(xrf0) =	vmin.scan.msk.u32 $0xffff, v19  }
0x298: {  	(xrf0) =	vmax.scan.msk.f32 $0xffff, v21;
	_ =	sdelay $0x4  }
0x299: {  	vm12 =	vne.s32 v29, $0x0;
	vm10 =	vne.s32 v24, v23;
	v19, _, _ =	vpop (xrf0)  }
0x29a: {  	vm11 =	veq.s32 v28, v4;
	vm14 =	vlt.s32 v24, v25;
	v55 =	vxor.u32 $0x80000000, v22;
	v54, _, _ =	vpop (xrf0)  }
0x29b: {  	vm13 =	veq.f32 v27, v26;
	vm9 =	vmand vm12, vm10;
	v20 =	vbroadcast v54, $0xF  }
0x29c: {  	vm10 =	vmand vm14, vm13;
	vm9 =	vmand vm9, vm11;
	vm15 =	vgt.f32 v27, v26  }
0x29d: {  	vm8 =	vmand vm8, vm9;
	vm12 =	vmor vm15, vm10;
	vm13 =	veq.f32 v21, v20  }
0x29e: {  	vm8 =	vmand vm12, vm8;
	v21 =	vnsel vm13, $0xC0000000, v55  }
0x29f: {  	v56 =	vsel vm8, v27, v26;
	(xrf0) =	vmin.scan.msk.u32 $0xffff, v21  }
0x2a0: {  	(xrf0) =	vmax.scan.msk.f32 $0xffff, v56;
	_ =	sdelay $0x4  }
0x2a1: {  	v21, _, _ =	vpop (xrf0)  }
0x2a2: {  	v57, _, _ =	vpop (xrf0)  }
0x2a3: {  	v23 =	vbroadcast v57, $0xF  }
0x2a4: {  	v58 =	vsel vm8, v24, v25  }
0x2a5: {  	v59 =	vxor.u32 $0x80000000, v58;
	vm8 =	veq.f32 v56, v23  }
0x2a6: {  	v22 =	vnsel vm8, $0xC0000000, v59  }
0x2a7: {  	(xrf0) =	vmin.scan.msk.u32 $0xffff, v22;
	_ =	sdelay $0x2  }
0x2a8: {  	(v2sf) =	vpush v17, $0xF;
	_ =	sdelay $0x1  }
0x2a9: {  	(v2sf) =	vpush v19, $0xF  }
0x2aa: {  	(v2sf) =	vpush v21, $0xF;
	v17, _, _ =	vpop (xrf0)  }
0x2ab: {  	(v2sf) =	vpush v17, $0xF;
	_ =	sdelay $0xa  }
0x2ac: {  	s9 =	spop (v2sf)  }
0x2ad: {  	s9 =	sxor.u32 $0x80000000, s9;
	vm8 =	vmmov $0x1  }
0x2ae: {  	v19 =	vmov s9;
	s10 =	spop (v2sf);
	v17 =	vnsel vm8, $0xBF800000, v30  }
0x2af: {  	s10 =	sxor.u32 $0x80000000, s10;
	v17 =	vsel vm1, v17, v18;
	v18 =	vnsel vm4, $0x40000000, v19;
	s15 =	spop (v2sf)  }
0x2b0: {  	v17 =	vsel vm2, v17, v20;
	v18 =	vsel vm5, s10, v18;
	s9 =	sxor.u32 $0x80000000, s15;
	s11 =	spop (v2sf)  }
0x2b1: {  	v17 =	vsel vm3, v17, v23;
	v18 =	vsel vm6, s9, v18;
	s16 =	sxor.u32 $0x80000000, s11  }
0x2b2: {  	[tilespmem:$0x2200] =	vst v17;
	v18 =	vsel vm7, s16, v18  }
0x2b3: {  	s10 =	simm.s32 $0x2200;
	[tilespmem:$0x2280] =	vst v18  }
0x2b4: {  	[spmem:s28] =	stream.linear.scatter [tilespmem:s10], [sflag:$0x1], $0x10, $0x38;
	[tilespmem:$0x2768] =	vst v63  }
0x2b5: {  	_ =	swait.ge [sflag:s31], $0x10  }
0x2b6: {  	[sflag:s31] =	ssyncset.done $0x0  }
0x2b7: {  	s11 =	simm.s32 $0x2280;
	[sflag:s31] =	ssyncadd.s32 $0xFFFFFFF0  }
0x2b8: {  	[spmem:s29] =	stream.linear.scatter [tilespmem:s11], [sflag:$0x1], $0x10, $0x38;
	[tilespmem:$0x2768] =	vst v63  }
0x2b9: {  	_ =	swait.ge [sflag:s31], $0x10  }
0x2ba: {  	[sflag:s31] =	ssyncset.done $0x0  }
0x2bb: {  	[sflag:s31] =	ssyncadd.s32 $0xFFFFFFF0  }
0x2bc: {  	[bflag:$0x0] =	sbarrier.arrive $0xFFFF  }
0x2bd: {  	s12 =	rddreg [dreg:$0x8]  }
0x2be: {  	[tilespmem:s7], [sflag:$0x1] =	stream.linear.gather [spmem:s12], $0x100, $0x38;
	[tilespmem:$0x2768] =	vst v63  }
0x2bf: {  	_ =	swait.ge [sflag:s31], $0x100  }
0x2c0: {  	[sflag:s31] =	ssyncset.done $0x0  }
0x2c1: {  	[sflag:s31] =	ssyncadd.s32 $0xFFFFFF00  }
0x2c2: {  	s13 =	rddreg [dreg:$0x9]  }
0x2c3: {  	[tilespmem:s0], [sflag:$0x1] =	stream.linear.gather [spmem:s13], $0x100, $0x38;
	[tilespmem:$0x2768] =	vst v63  }
0x2c4: {  	_ =	swait.ge [sflag:s31], $0x100  }
0x2c5: {  	[sflag:s31] =	ssyncset.done $0x0  }
0x2c6: {  	[sflag:s31] =	ssyncadd.s32 $0xFFFFFF00  }
0x2c7: {  	v17 =	vld [tilespmem:s17+$0x1A00];
	_ =	sdelay $0x4  }
0x2c8: {  	v18 =	vshll.u32 v17, $0x2  }
0x2c9: {  	v19 =	vand.u32 $0x3, v17;
	v18 =	vand.u32 $0xFFFFFFF0, v18  }
0x2ca: {  	v18 =	vor.u32 v19, v18;
	_ =	sdelay $0x3  }
0x2cb: {  	v19 =	vld [tilespmem:s17+$0x1600]  }
0x2cc: {  	v60 =	vld.idx.msk [tilespmem:v18+s7+$0x0], $0xffff  }
0x2cd: {  	v18 =	vld.idx.msk [tilespmem:v18+s0+$0x0], $0xffff;
	_ =	sdelay $0x1  }
0x2ce: {  	v61 =	vld [tilespmem:s17+$0x1E00];
	_ =	sdelay $0x2  }
0x2cf: {  	vm8 =	veq.f32 v19, v60;
	vm14 =	vle.s32 v7, v18  }
0x2d0: {  	vm15 =	vgt.f32 v19, v60;
	vm8 =	vmand vm8, vm14  }
0x2d1: {  	vm12 =	vne.s32 v61, $0x0;
	vm8 =	vmor vm15, vm8  }
0x2d2: {  	vm8 =	vmand vm12, vm8  }
0x2d3: {  	v18 =	vsel vm8, $0x3F800000, v9  }
0x2d4: {  	v18 =	vmul.f32 v18, v19  }
0x2d5: {  	[tilespmem:$0x2600] =	vst v17  }
0x2d6: {  	[tilespmem:$0x2500] =	vst v18;
	v18 =	vsel vm8, $0x1, v9  }
0x2d7: {  	[tilespmem:$0x2580] =	vst v18  }
0x2d8: {  	v17 =	vld [tilespmem:s30+$0x1A00];
	_ =	sdelay $0x4  }
0x2d9: {  	v18 =	vshll.u32 v17, $0x2  }
0x2da: {  	v19 =	vand.u32 $0x3, v17;
	v18 =	vand.u32 $0xFFFFFFF0, v18  }
0x2db: {  	v18 =	vor.u32 v19, v18;
	_ =	sdelay $0x3  }
0x2dc: {  	v19 =	vld [tilespmem:s30+$0x1600]  }
0x2dd: {  	v62 =	vld.idx.msk [tilespmem:v18+s7+$0x0], $0xffff  }
0x2de: {  	v18 =	vld.idx.msk [tilespmem:v18+s0+$0x0], $0xffff;
	_ =	sdelay $0x1  }
0x2df: {  	v63 =	vld [tilespmem:s30+$0x1E00];
	_ =	sdelay $0x2  }
0x2e0: {  	vm8 =	veq.f32 v19, v62;
	vm13 =	vle.s32 v8, v18  }
0x2e1: {  	vm14 =	vgt.f32 v19, v62;
	vm8 =	vmand vm8, vm13  }
0x2e2: {  	vm15 =	vne.s32 v63, $0x0;
	vm8 =	vmor vm14, vm8  }
0x2e3: {  	vm8 =	vmand vm15, vm8  }
0x2e4: {  	v18 =	vsel vm8, $0x3F800000, v9  }
0x2e5: {  	v18 =	vmul.f32 v18, v19  }
0x2e6: {  	[tilespmem:$0x2610] =	vst v17  }
0x2e7: {  	[tilespmem:$0x2510] =	vst v18;
	v18 =	vsel vm8, $0x1, v9  }
0x2e8: {  	s14 =	simm.s32 $0x2500;
	[tilespmem:$0x2590] =	vst v18  }
0x2e9: {  	[hbm4b:s21+s8] =	stream.linear.scatter [tilespmem:s14], [sflag:$0x1], $0x20, $0x38;
	[tilespmem:$0x2768] =	vst v63  }
0x2ea: {  	_ =	swait.ge [sflag:s31], $0x20  }
0x2eb: {  	[sflag:s31] =	ssyncset.done $0x0  }
0x2ec: {  	s15 =	simm.s32 $0x2580;
	[sflag:s31] =	ssyncadd.s32 $0xFFFFFFE0  }
0x2ed: {  	[hbm4b:s22+s8] =	stream.linear.scatter [tilespmem:s15], [sflag:$0x1], $0x20, $0x38;
	[tilespmem:$0x2768] =	vst v63  }
0x2ee: {  	s26 =	sadd.s32 $0x1, s26;
	_ =	swait.ge [sflag:s31], $0x20  }
0x2ef: {  	p1 =	sne.s32 s26, s24;
	[sflag:s31] =	ssyncset.done $0x0  }
.Ltmp22:
0x2f0: {  	s16 =	simm.s32 $0x2600;
	[sflag:s31] =	ssyncadd.s32 $0xFFFFFFE0;
	(pc) =	sbr.rel @p1 .LBB2_1-.Ltmp22, $4  }
0x2f1: {  	[hbm4b:s23+s8] =	stream.linear.scatter [tilespmem:s16], [sflag:$0x1], $0x20, $0x38;
	[tilespmem:$0x2768] =	vst v63  }
0x2f2: {  	_ =	swait.ge [sflag:s31], $0x20  }
0x2f3: {  	[sflag:s31] =	ssyncset.done $0x0  }
0x2f4: {  	[sflag:s31] =	ssyncadd.s32 $0xFFFFFFE0  }
0x2f5: {  	_ =	sfence.sel $0x180000  }
0x2f6: {  	[bflag:$0x0] =	sbarrier.arrive $0xFFFF  }
0x2f7: {  	_ =	strace $0x90000047  }
0x2f8: {  	s0 =	stileid.u32;
	[bflag:$0x2] =	sbarrier.arrive $0xFFFF  }
0x2f9: {  	p0 =	sne.s32 s0, $0x0;
	s0 =	rddreg [dreg:$0xa]  }
0x2fa: {  	s0 =	sadd.s32 @!p0 $0x100000, s0  }
0x2fb: {  	[sflag:s0] =	ssyncadd.tile.s32 @!p0 $0x1;
	_ =	shalt  }
.Lfunc_end2:
_tile_overlayer_lowered:
.L_overlay_start_2:
0x2fc: {  	(tag) =	ssettag $0x2  }
0x2fd: {  	s0 =	rddreg [dreg:$0x0];
	s2 =	stileid.u32  }
0x2fe: {  	s1 =	rddreg [dreg:$0x1];
	p0 =	sne.s32 s2, $0x0  }
0x2ff: {  	s3 =	rddreg [dreg:$0x2];
	[bflag:$0x3] =	sbarrier.arrive $0xFFFF;
	s2 =	simm.s32 @!p0 $0x1C01  }
0x300: {  	[timem:s3], [sflag:s2] =	dma.local @!p0 [hbm:s0], s1  }
0x301: {  	s0 =	simm.s32 @!p0 $0x1  }
0x302: {  	_ =	swait.ge @!p0 [sflag:s0], s1  }
0x303: {  	s1 =	ssub.s32 @!p0 $0x0, s1;
	[sflag:s0] =	ssyncset.done @!p0 $0x0  }
0x304: {  	[sflag:s0] =	ssyncadd.s32 @!p0 s1  }
0x305: {  	[bflag:$0x3] =	sbarrier.arrive $0xFFFF  }
0x306: {  	_ =	shalt  }

</sc_bundles>
